<compile_context>
chip_gen: v7x
topology: tpu7x:2x2x1
jax: 0.10.2.dev20260603
libtpu: 0.0.44.dev20260713+nightly
codegen_flags: <defaults>
</compile_context>

<pallas_src>
import functools

import jax
import jax.numpy as jnp
from jax import lax
from jax.experimental import pallas as pl
from jax.experimental.pallas import tpu as pltpu
from jax.experimental.pallas import tpu_sc as plsc

N = 10000
E = 320000
DIM = 128
H = 8
PH = 16

CH = 128
NSUB = 16
NPT = 624
NTAIL = N - NSUB * NPT
NCN = 48
AW = 72
ROW_BLOCK = 400


def _tc_body(x_ref, wq_ref, bq_ref, sw_ref, tb_ref, nt2_ref, t_ref):
    nt = jnp.dot(x_ref[...], wq_ref[...], preferred_element_type=jnp.float32)
    nt = nt + bq_ref[...]
    lr = jnp.where(nt >= 0, nt, 0.2 * nt)
    t_ref[...] = (
        jnp.dot(lr, sw_ref[...], preferred_element_type=jnp.float32) + tb_ref[...]
    )
    nt2_ref[0] = nt[:, :64]
    nt2_ref[1] = nt[:, 64:]


def _sc_body(recv_hbm, send_hbm, t_hbm, nt_hbm, z_hbm, out_hbm,
             acc, sidx, ridx, sadj, ts, tr, rows, pbuf, vals, nin, nout,
             sem1, sem2, sem3):
    g = lax.axis_index("c")
    sid = lax.axis_index("s")
    lane = lax.iota(jnp.int32, 16)
    zvec = jnp.zeros((16,), jnp.float32)

    pltpu.sync_copy(z_hbm.at[pl.ds(0, NPT)], acc.at[pl.ds(sid * NPT, NPT)])

    @pl.when(sid == 0)
    def _zero_tail():
        pltpu.sync_copy(z_hbm.at[pl.ds(0, NTAIL)],
                        acc.at[pl.ds(NSUB * NPT, NTAIL)])
    for ii in range(CH // 16):
        rowv = ii * 16 + lane
        for k in range(AW - 68):
            plsc.store_scatter(vals, [rowv, jnp.full((16,), 68 + k, jnp.int32)], zvec)
    plsc.subcore_barrier()

    nchunks = (E // CH - sid + NSUB - 1) // NSUB

    def chunk_body(i, carry):
        base = (sid + i * NSUB) * CH
        pltpu.sync_copy(send_hbm.at[pl.ds(base, CH)], sidx)
        pltpu.sync_copy(recv_hbm.at[pl.ds(base, CH)], ridx)
        for ii in range(CH // 16):
            sl = pl.ds(ii * 16, 16)
            sadj[sl] = sidx[sl] + g * N
        cp1 = pltpu.async_copy(t_hbm.at[sidx], ts, sem1)
        cp2 = pltpu.async_copy(t_hbm.at[ridx], tr, sem2)
        cp3 = pltpu.async_copy(nt_hbm.at[sadj], rows, sem3)
        cp1.wait()
        cp2.wait()
        for ii in range(CH // 16):
            rowv = ii * 16 + lane
            for h in range(4):
                cs = jnp.full((16,), 0, jnp.int32) + (4 * g + h)
                cr = jnp.full((16,), 8, jnp.int32) + (4 * g + h)
                a_s = plsc.load_gather(ts, [rowv, cs])
                a_r = plsc.load_gather(tr, [rowv, cr])
                p = jnp.exp(a_s + a_r)
                plsc.store_scatter(pbuf, [rowv, jnp.full((16,), h, jnp.int32)], p)
                plsc.store_scatter(vals, [rowv, jnp.full((16,), 64 + h, jnp.int32)], p)
        cp3.wait()

        def edge_body(j, c2):
            for h in range(4):
                pj = plsc.load_gather(
                    pbuf, [jnp.full((16,), j, jnp.int32),
                           jnp.full((16,), h, jnp.int32)])
                vals[j, pl.ds(h * 16, 16)] = rows[j, pl.ds(h * 16, 16)] * pj
            return c2

        lax.fori_loop(0, CH, edge_body, 0)
        pltpu.sync_copy(vals, acc.at[ridx], add=True)
        return carry

    lax.fori_loop(0, nchunks, chunk_body, 0)
    plsc.subcore_barrier()

    def node_body(n, carry):
        denv = nin[n, pl.ds(56, 16)]
        for h in range(4):
            den = jnp.maximum(denv[8 + h], 1e-37)
            nout[n, pl.ds(h * 16, 16)] = nin[n, pl.ds(h * 16, 16)] / den
        return carry

    def norm_chunk(ci, carry):
        base = sid * NPT + ci * NCN
        pltpu.sync_copy(acc.at[pl.ds(base, NCN)], nin)
        lax.fori_loop(0, NCN, node_body, 0)
        pltpu.sync_copy(nout, out_hbm.at[g, pl.ds(base, NCN)])
        return carry

    lax.fori_loop(0, NPT // NCN, norm_chunk, 0)

    @pl.when(sid == 0)
    def _norm_tail():
        pltpu.sync_copy(acc.at[pl.ds(NSUB * NPT, NTAIL)], nin.at[pl.ds(0, NTAIL)])
        lax.fori_loop(0, NTAIL, node_body, 0)
        pltpu.sync_copy(nout.at[pl.ds(0, NTAIL)],
                        out_hbm.at[g, pl.ds(NSUB * NPT, NTAIL)])


_sc_kernel = functools.partial(
    pl.kernel,
    out_type=jax.ShapeDtypeStruct((2, N, 64), jnp.float32),
    mesh=plsc.VectorSubcoreMesh(core_axis_name="c", subcore_axis_name="s"),
    compiler_params=pltpu.CompilerParams(
        use_tc_tiling_on_sc=False, needs_layout_passes=False),
    scratch_types=[
        pltpu.VMEM_SHARED((N, AW), jnp.float32),
        pltpu.VMEM((CH,), jnp.int32),
        pltpu.VMEM((CH,), jnp.int32),
        pltpu.VMEM((CH,), jnp.int32),
        pltpu.VMEM((CH, 16), jnp.float32),
        pltpu.VMEM((CH, 16), jnp.float32),
        pltpu.VMEM((CH, 64), jnp.float32),
        pltpu.VMEM((CH, 4), jnp.float32),
        pltpu.VMEM((CH, AW), jnp.float32),
        pltpu.VMEM((NCN, AW), jnp.float32),
        pltpu.VMEM((NCN, 64), jnp.float32),
        pltpu.SemaphoreType.DMA,
        pltpu.SemaphoreType.DMA,
        pltpu.SemaphoreType.DMA,
    ],
)(_sc_body)


def kernel(nodes, receivers, senders, Wq, bq, Wl, bl):
    d = jnp.arange(DIM)
    oh = jax.nn.one_hot(d // 16, H, dtype=jnp.float32)
    wl = Wl[:, 0]
    sw = jnp.concatenate(
        [oh * wl[d % 16][:, None], oh * wl[16 + (d % 16)][:, None]], axis=1)
    tb = jnp.concatenate(
        [jnp.broadcast_to(bl, (H,)), jnp.zeros((H,), jnp.float32)]).reshape(1, 2 * H)

    nt2, t = pl.pallas_call(
        _tc_body,
        grid=(N // ROW_BLOCK,),
        in_specs=[
            pl.BlockSpec((ROW_BLOCK, DIM), lambda b: (b, 0)),
            pl.BlockSpec((DIM, DIM), lambda b: (0, 0)),
            pl.BlockSpec((1, DIM), lambda b: (0, 0)),
            pl.BlockSpec((DIM, 2 * H), lambda b: (0, 0)),
            pl.BlockSpec((1, 2 * H), lambda b: (0, 0)),
        ],
        out_specs=[
            pl.BlockSpec((2, ROW_BLOCK, 64), lambda b: (0, b, 0)),
            pl.BlockSpec((ROW_BLOCK, 2 * H), lambda b: (b, 0)),
        ],
        out_shape=[
            jax.ShapeDtypeStruct((2, N, 64), jnp.float32),
            jax.ShapeDtypeStruct((N, 2 * H), jnp.float32),
        ],
    )(nodes, Wq, bq.reshape(1, DIM), sw, tb)

    nt_flat = nt2.reshape(2 * N, 64)
    z = jnp.zeros((NPT, AW), jnp.float32)
    out2 = _sc_kernel(receivers, senders, t, nt_flat, z)
    return jnp.concatenate([out2[0], out2[1]], axis=1)

# --- scband reference (transcript-rebuilt; emitter-appended) ---
"""Pipeline reference for scband-gatlayer-56341380989573 (READ-ONLY COPY).

The authoritative reference and input builder live on the scoring server;
editing this copy changes nothing except your own understanding.
"""

import jax, jax.numpy as jnp
import numpy as np

N = 10000
E = 320000
DIM = 128
H = 8
PH = DIM // H  # 16


def _vs_uniform(key, shape, fan_in, fan_out):
    # VarianceScaling(scale=1.0, mode='fan_avg', distribution='uniform')
    limit = np.sqrt(3.0 * 1.0 / ((fan_in + fan_out) / 2.0))
    return jax.random.uniform(key, shape, dtype=jnp.float32, minval=-limit, maxval=limit)


def setup_inputs(seed: int = 0):
    key = jax.random.key(seed)
    k1, k2, k3, k4, k5 = jax.random.split(key, 5)
    nodes = jax.random.normal(k1, (N, DIM), dtype=jnp.float32)
    receivers = jax.random.randint(k2, (E,), 0, N, dtype=jnp.int32)
    senders = jax.random.randint(k3, (E,), 0, N, dtype=jnp.int32)
    # attention_query_fn: hk.Linear(dim) on [N, DIM] -> [N, DIM]
    Wq = _vs_uniform(k4, (DIM, DIM), DIM, DIM)
    bq = jnp.zeros((DIM,), dtype=jnp.float32)
    # attention_logit_fn: hk.Linear(1) on concat(q,k) -> [..., 2*PH] -> [..., 1]
    Wl = _vs_uniform(k5, (2 * PH, 1), 2 * PH, 1)
    bl = jnp.zeros((1,), dtype=jnp.float32)
    return {"nodes": nodes, "receivers": receivers, "senders": senders,
            "Wq": Wq, "bq": bq, "Wl": Wl, "bl": bl}


def reference(nodes, receivers, senders, Wq, bq, Wl, bl):
    sum_n_node = nodes.shape[0]
    # attention_query_fn
    nodes_transformed = nodes @ Wq + bq                      # [N, DIM]
    nodes_transformed = nodes_transformed.reshape(-1, H, PH)  # [N, H, PH]
    sent_attributes = nodes_transformed[senders]              # [E, H, PH] gather
    received_attributes = nodes_transformed[receivers]        # [E, H, PH] gather
    # attention_logit_fn
    qk = jnp.concatenate([sent_attributes, received_attributes], axis=-1)  # [E, H, 2*PH]
    attention_logits = jax.nn.leaky_relu(qk, negative_slope=0.2) @ Wl + bl  # [E, H, 1]
    # jraph.segment_softmax over receivers
    seg_max = jax.ops.segment_max(attention_logits, receivers, num_segments=sum_n_node)
    shifted = attention_logits - jnp.take(seg_max, receivers, axis=0)
    ex = jnp.exp(shifted)
    denom = jax.ops.segment_sum(ex, receivers, num_segments=sum_n_node)
    alpha = ex / jnp.take(denom, receivers, axis=0)           # [E, H, 1]
    out = sent_attributes * alpha                             # [E, H, PH]
    out = jax.ops.segment_sum(out, receivers, num_segments=sum_n_node)  # [N, H, PH] scatter-add
    out = out.reshape(sum_n_node, -1)                         # [N, DIM]
    # node_update_fn with concat=True is identity
    return out

if __name__ == "__main__":
    import jax
    _d = setup_inputs()
    print(jax.jit(kernel)(*tuple(_d.values())))

</pallas_src>

<mosaic_0001>
#map = affine_map<(d0, d1) -> (0)>
#map1 = affine_map<(d0, d1) -> (0, 0)>
#map2 = affine_map<(d0, d1) -> (0, 0, 0)>
module attributes {stable_mosaic.version = 14 : i64} {
  func.func @_sc_body(%arg0: i32, %arg1: i32, %arg2: memref<320000xi32, #tpu.memory_space<hbm>>, %arg3: memref<320000xi32, #tpu.memory_space<hbm>>, %arg4: memref<10000x16xf32, #tpu.memory_space<hbm>>, %arg5: memref<20000x64xf32, #tpu.memory_space<hbm>>, %arg6: memref<624x72xf32, #tpu.memory_space<hbm>>, %arg7: memref<2x10000x64xf32, #tpu.memory_space<hbm>>, %arg8: memref<10000x72xf32, #tpu.memory_space<vmem_shared>>, %arg9: memref<128xi32, #tpu.memory_space<vmem>>, %arg10: memref<128xi32, #tpu.memory_space<vmem>>, %arg11: memref<128xi32, #tpu.memory_space<vmem>>, %arg12: memref<128x16xf32, #tpu.memory_space<vmem>>, %arg13: memref<128x16xf32, #tpu.memory_space<vmem>>, %arg14: memref<128x64xf32, #tpu.memory_space<vmem>>, %arg15: memref<128x4xf32, #tpu.memory_space<vmem>>, %arg16: memref<128x72xf32, #tpu.memory_space<vmem>>, %arg17: memref<48x72xf32, #tpu.memory_space<vmem>>, %arg18: memref<48x64xf32, #tpu.memory_space<vmem>>, %arg19: memref<!tpu.dma_semaphore, #tpu.memory_space<semaphore_mem>>, %arg20: memref<!tpu.dma_semaphore, #tpu.memory_space<semaphore_mem>>, %arg21: memref<!tpu.dma_semaphore, #tpu.memory_space<semaphore_mem>>) attributes {dimension_semantics = [#tpu.dimension_semantics<core_parallel>, #tpu.dimension_semantics<subcore_parallel>], iteration_bounds = array<i64: 2, 16>, scalar_prefetch = 0 : i64, scratch_operands = 14 : i64, tpu.core_type = #tpu.core_type<sc_vector_subcore>, window_params = [{transform_indices = #map}, {transform_indices = #map}, {transform_indices = #map1}, {transform_indices = #map1}, {transform_indices = #map1}, {transform_indices = #map2}]} {
    %iota3A = tpu.iota {dimensions = array<i32: 0>} : vector<16xi32>
    %broadcast_in_dim3A = arith.constant 0.000000e+00 : f32
    %broadcast_in_dim3A_0 = vector.broadcast %broadcast_in_dim3A : f32 to vector<16xf32>
    %mul3A = arith.constant 624 : i32
    %mul3A_1 = arith.muli %arg1, %mul3A : i32
    "tpu.region"() ({
      %run_scoped3A = tpu.sem_alloc : memref<!tpu.dma_semaphore, #tpu.memory_space<semaphore_mem>>
      %dma_start3A = arith.constant 0 : i32
      %dma_start3A_133 = tpu.memref_slice %arg8[%mul3A_1, %dma_start3A] : memref<10000x72xf32, #tpu.memory_space<vmem_shared>> -> memref<624x72xf32, #tpu.memory_space<vmem_shared>>
      %dma_start3A_134 = arith.constant 0 : i32
      %dma_start3A_135 = arith.constant 0 : i32
      %dma_start3A_136 = tpu.memref_slice %arg6[%dma_start3A_134, %dma_start3A_135] : memref<624x72xf32, #tpu.memory_space<hbm>> -> memref<624x72xf32, #tpu.memory_space<hbm>>
      tpu.enqueue_dma source(%dma_start3A_136 : memref<624x72xf32, #tpu.memory_space<hbm>>) target(%dma_start3A_133 : memref<624x72xf32, #tpu.memory_space<vmem_shared>>) target_semaphore(%run_scoped3A : memref<!tpu.dma_semaphore, #tpu.memory_space<semaphore_mem>>)
      %dma_wait3A = arith.constant 0 : i32
      %dma_wait3A_137 = tpu.memref_slice %arg8[%mul3A_1, %dma_wait3A] : memref<10000x72xf32, #tpu.memory_space<vmem_shared>> -> memref<624x72xf32, #tpu.memory_space<vmem_shared>>
      %dma_wait3A_138 = arith.constant 0 : i32
      %dma_wait3A_139 = arith.constant 0 : i32
      %dma_wait3A_140 = tpu.memref_slice %arg6[%dma_wait3A_138, %dma_wait3A_139] : memref<624x72xf32, #tpu.memory_space<hbm>> -> memref<624x72xf32, #tpu.memory_space<hbm>>
      tpu.wait_dma2 semaphore(%run_scoped3A : memref<!tpu.dma_semaphore, #tpu.memory_space<semaphore_mem>>) src(%dma_wait3A_140 : memref<624x72xf32, #tpu.memory_space<hbm>>) dst(%dma_wait3A_137 : memref<624x72xf32, #tpu.memory_space<vmem_shared>>)
      tpu.yield
    }) : () -> ()
    %eq3A = arith.constant 0 : i32
    %eq3A_2 = arith.cmpi eq, %arg1, %eq3A : i32
    %convert_element_type3A = arith.extui %eq3A_2 : i1 to i32
    %cond3A = arith.constant 0 : i32
    %cond3A_3 = arith.cmpi ne, %convert_element_type3A, %cond3A : i32
    scf.if %cond3A_3 {
      "tpu.region"() ({
        %run_scoped3A = tpu.sem_alloc : memref<!tpu.dma_semaphore, #tpu.memory_space<semaphore_mem>>
        %dma_start3A = arith.constant 9984 : i32
        %dma_start3A_133 = arith.constant 0 : i32
        %dma_start3A_134 = tpu.memref_slice %arg8[%dma_start3A, %dma_start3A_133] : memref<10000x72xf32, #tpu.memory_space<vmem_shared>> -> memref<16x72xf32, #tpu.memory_space<vmem_shared>>
        %dma_start3A_135 = arith.constant 0 : i32
        %dma_start3A_136 = arith.constant 0 : i32
        %dma_start3A_137 = tpu.memref_slice %arg6[%dma_start3A_135, %dma_start3A_136] : memref<624x72xf32, #tpu.memory_space<hbm>> -> memref<16x72xf32, #tpu.memory_space<hbm>>
        tpu.enqueue_dma source(%dma_start3A_137 : memref<16x72xf32, #tpu.memory_space<hbm>>) target(%dma_start3A_134 : memref<16x72xf32, #tpu.memory_space<vmem_shared>>) target_semaphore(%run_scoped3A : memref<!tpu.dma_semaphore, #tpu.memory_space<semaphore_mem>>)
        %dma_wait3A = arith.constant 9984 : i32
        %dma_wait3A_138 = arith.constant 0 : i32
        %dma_wait3A_139 = tpu.memref_slice %arg8[%dma_wait3A, %dma_wait3A_138] : memref<10000x72xf32, #tpu.memory_space<vmem_shared>> -> memref<16x72xf32, #tpu.memory_space<vmem_shared>>
        %dma_wait3A_140 = arith.constant 0 : i32
        %dma_wait3A_141 = arith.constant 0 : i32
        %dma_wait3A_142 = tpu.memref_slice %arg6[%dma_wait3A_140, %dma_wait3A_141] : memref<624x72xf32, #tpu.memory_space<hbm>> -> memref<16x72xf32, #tpu.memory_space<hbm>>
        tpu.wait_dma2 semaphore(%run_scoped3A : memref<!tpu.dma_semaphore, #tpu.memory_space<semaphore_mem>>) src(%dma_wait3A_142 : memref<16x72xf32, #tpu.memory_space<hbm>>) dst(%dma_wait3A_139 : memref<16x72xf32, #tpu.memory_space<vmem_shared>>)
        tpu.yield
      }) : () -> ()
    } else {
    }
    %add3A = arith.constant 0 : i32
    %add3A_4 = vector.broadcast %add3A : i32 to vector<16xi32>
    %add3A_5 = arith.addi %add3A_4, %iota3A : vector<16xi32>
    %broadcast_in_dim3A_6 = arith.constant 68 : i32
    %broadcast_in_dim3A_7 = vector.broadcast %broadcast_in_dim3A_6 : i32 to vector<16xi32>
    tpu.vector_store_idx %arg16[%add3A_5, %broadcast_in_dim3A_7], %broadcast_in_dim3A_0 : memref<128x72xf32, #tpu.memory_space<vmem>>[vector<16xi32>, vector<16xi32>], vector<16xf32>,
    %broadcast_in_dim3A_8 = arith.constant 69 : i32
    %broadcast_in_dim3A_9 = vector.broadcast %broadcast_in_dim3A_8 : i32 to vector<16xi32>
    tpu.vector_store_idx %arg16[%add3A_5, %broadcast_in_dim3A_9], %broadcast_in_dim3A_0 : memref<128x72xf32, #tpu.memory_space<vmem>>[vector<16xi32>, vector<16xi32>], vector<16xf32>,
    %broadcast_in_dim3A_10 = arith.constant 70 : i32
    %broadcast_in_dim3A_11 = vector.broadcast %broadcast_in_dim3A_10 : i32 to vector<16xi32>
    tpu.vector_store_idx %arg16[%add3A_5, %broadcast_in_dim3A_11], %broadcast_in_dim3A_0 : memref<128x72xf32, #tpu.memory_space<vmem>>[vector<16xi32>, vector<16xi32>], vector<16xf32>,
    %broadcast_in_dim3A_12 = arith.constant 71 : i32
    %broadcast_in_dim3A_13 = vector.broadcast %broadcast_in_dim3A_12 : i32 to vector<16xi32>
    tpu.vector_store_idx %arg16[%add3A_5, %broadcast_in_dim3A_13], %broadcast_in_dim3A_0 : memref<128x72xf32, #tpu.memory_space<vmem>>[vector<16xi32>, vector<16xi32>], vector<16xf32>,
    %add3A_14 = arith.constant 16 : i32
    %add3A_15 = vector.broadcast %add3A_14 : i32 to vector<16xi32>
    %add3A_16 = arith.addi %add3A_15, %iota3A : vector<16xi32>
    %broadcast_in_dim3A_17 = arith.constant 68 : i32
    %broadcast_in_dim3A_18 = vector.broadcast %broadcast_in_dim3A_17 : i32 to vector<16xi32>
    tpu.vector_store_idx %arg16[%add3A_16, %broadcast_in_dim3A_18], %broadcast_in_dim3A_0 : memref<128x72xf32, #tpu.memory_space<vmem>>[vector<16xi32>, vector<16xi32>], vector<16xf32>,
    %broadcast_in_dim3A_19 = arith.constant 69 : i32
    %broadcast_in_dim3A_20 = vector.broadcast %broadcast_in_dim3A_19 : i32 to vector<16xi32>
    tpu.vector_store_idx %arg16[%add3A_16, %broadcast_in_dim3A_20], %broadcast_in_dim3A_0 : memref<128x72xf32, #tpu.memory_space<vmem>>[vector<16xi32>, vector<16xi32>], vector<16xf32>,
    %broadcast_in_dim3A_21 = arith.constant 70 : i32
    %broadcast_in_dim3A_22 = vector.broadcast %broadcast_in_dim3A_21 : i32 to vector<16xi32>
    tpu.vector_store_idx %arg16[%add3A_16, %broadcast_in_dim3A_22], %broadcast_in_dim3A_0 : memref<128x72xf32, #tpu.memory_space<vmem>>[vector<16xi32>, vector<16xi32>], vector<16xf32>,
    %broadcast_in_dim3A_23 = arith.constant 71 : i32
    %broadcast_in_dim3A_24 = vector.broadcast %broadcast_in_dim3A_23 : i32 to vector<16xi32>
    tpu.vector_store_idx %arg16[%add3A_16, %broadcast_in_dim3A_24], %broadcast_in_dim3A_0 : memref<128x72xf32, #tpu.memory_space<vmem>>[vector<16xi32>, vector<16xi32>], vector<16xf32>,
    %add3A_25 = arith.constant 32 : i32
    %add3A_26 = vector.broadcast %add3A_25 : i32 to vector<16xi32>
    %add3A_27 = arith.addi %add3A_26, %iota3A : vector<16xi32>
    %broadcast_in_dim3A_28 = arith.constant 68 : i32
    %broadcast_in_dim3A_29 = vector.broadcast %broadcast_in_dim3A_28 : i32 to vector<16xi32>
    tpu.vector_store_idx %arg16[%add3A_27, %broadcast_in_dim3A_29], %broadcast_in_dim3A_0 : memref<128x72xf32, #tpu.memory_space<vmem>>[vector<16xi32>, vector<16xi32>], vector<16xf32>,
    %broadcast_in_dim3A_30 = arith.constant 69 : i32
    %broadcast_in_dim3A_31 = vector.broadcast %broadcast_in_dim3A_30 : i32 to vector<16xi32>
    tpu.vector_store_idx %arg16[%add3A_27, %broadcast_in_dim3A_31], %broadcast_in_dim3A_0 : memref<128x72xf32, #tpu.memory_space<vmem>>[vector<16xi32>, vector<16xi32>], vector<16xf32>,
    %broadcast_in_dim3A_32 = arith.constant 70 : i32
    %broadcast_in_dim3A_33 = vector.broadcast %broadcast_in_dim3A_32 : i32 to vector<16xi32>
    tpu.vector_store_idx %arg16[%add3A_27, %broadcast_in_dim3A_33], %broadcast_in_dim3A_0 : memref<128x72xf32, #tpu.memory_space<vmem>>[vector<16xi32>, vector<16xi32>], vector<16xf32>,
    %broadcast_in_dim3A_34 = arith.constant 71 : i32
    %broadcast_in_dim3A_35 = vector.broadcast %broadcast_in_dim3A_34 : i32 to vector<16xi32>
    tpu.vector_store_idx %arg16[%add3A_27, %broadcast_in_dim3A_35], %broadcast_in_dim3A_0 : memref<128x72xf32, #tpu.memory_space<vmem>>[vector<16xi32>, vector<16xi32>], vector<16xf32>,
    %add3A_36 = arith.constant 48 : i32
    %add3A_37 = vector.broadcast %add3A_36 : i32 to vector<16xi32>
    %add3A_38 = arith.addi %add3A_37, %iota3A : vector<16xi32>
    %broadcast_in_dim3A_39 = arith.constant 68 : i32
    %broadcast_in_dim3A_40 = vector.broadcast %broadcast_in_dim3A_39 : i32 to vector<16xi32>
    tpu.vector_store_idx %arg16[%add3A_38, %broadcast_in_dim3A_40], %broadcast_in_dim3A_0 : memref<128x72xf32, #tpu.memory_space<vmem>>[vector<16xi32>, vector<16xi32>], vector<16xf32>,
    %broadcast_in_dim3A_41 = arith.constant 69 : i32
    %broadcast_in_dim3A_42 = vector.broadcast %broadcast_in_dim3A_41 : i32 to vector<16xi32>
    tpu.vector_store_idx %arg16[%add3A_38, %broadcast_in_dim3A_42], %broadcast_in_dim3A_0 : memref<128x72xf32, #tpu.memory_space<vmem>>[vector<16xi32>, vector<16xi32>], vector<16xf32>,
    %broadcast_in_dim3A_43 = arith.constant 70 : i32
    %broadcast_in_dim3A_44 = vector.broadcast %broadcast_in_dim3A_43 : i32 to vector<16xi32>
    tpu.vector_store_idx %arg16[%add3A_38, %broadcast_in_dim3A_44], %broadcast_in_dim3A_0 : memref<128x72xf32, #tpu.memory_space<vmem>>[vector<16xi32>, vector<16xi32>], vector<16xf32>,
    %broadcast_in_dim3A_45 = arith.constant 71 : i32
    %broadcast_in_dim3A_46 = vector.broadcast %broadcast_in_dim3A_45 : i32 to vector<16xi32>
    tpu.vector_store_idx %arg16[%add3A_38, %broadcast_in_dim3A_46], %broadcast_in_dim3A_0 : memref<128x72xf32, #tpu.memory_space<vmem>>[vector<16xi32>, vector<16xi32>], vector<16xf32>,
    %add3A_47 = arith.constant 64 : i32
    %add3A_48 = vector.broadcast %add3A_47 : i32 to vector<16xi32>
    %add3A_49 = arith.addi %add3A_48, %iota3A : vector<16xi32>
    %broadcast_in_dim3A_50 = arith.constant 68 : i32
    %broadcast_in_dim3A_51 = vector.broadcast %broadcast_in_dim3A_50 : i32 to vector<16xi32>
    tpu.vector_store_idx %arg16[%add3A_49, %broadcast_in_dim3A_51], %broadcast_in_dim3A_0 : memref<128x72xf32, #tpu.memory_space<vmem>>[vector<16xi32>, vector<16xi32>], vector<16xf32>,
    %broadcast_in_dim3A_52 = arith.constant 69 : i32
    %broadcast_in_dim3A_53 = vector.broadcast %broadcast_in_dim3A_52 : i32 to vector<16xi32>
    tpu.vector_store_idx %arg16[%add3A_49, %broadcast_in_dim3A_53], %broadcast_in_dim3A_0 : memref<128x72xf32, #tpu.memory_space<vmem>>[vector<16xi32>, vector<16xi32>], vector<16xf32>,
    %broadcast_in_dim3A_54 = arith.constant 70 : i32
    %broadcast_in_dim3A_55 = vector.broadcast %broadcast_in_dim3A_54 : i32 to vector<16xi32>
    tpu.vector_store_idx %arg16[%add3A_49, %broadcast_in_dim3A_55], %broadcast_in_dim3A_0 : memref<128x72xf32, #tpu.memory_space<vmem>>[vector<16xi32>, vector<16xi32>], vector<16xf32>,
    %broadcast_in_dim3A_56 = arith.constant 71 : i32
    %broadcast_in_dim3A_57 = vector.broadcast %broadcast_in_dim3A_56 : i32 to vector<16xi32>
    tpu.vector_store_idx %arg16[%add3A_49, %broadcast_in_dim3A_57], %broadcast_in_dim3A_0 : memref<128x72xf32, #tpu.memory_space<vmem>>[vector<16xi32>, vector<16xi32>], vector<16xf32>,
    %add3A_58 = arith.constant 80 : i32
    %add3A_59 = vector.broadcast %add3A_58 : i32 to vector<16xi32>
    %add3A_60 = arith.addi %add3A_59, %iota3A : vector<16xi32>
    %broadcast_in_dim3A_61 = arith.constant 68 : i32
    %broadcast_in_dim3A_62 = vector.broadcast %broadcast_in_dim3A_61 : i32 to vector<16xi32>
    tpu.vector_store_idx %arg16[%add3A_60, %broadcast_in_dim3A_62], %broadcast_in_dim3A_0 : memref<128x72xf32, #tpu.memory_space<vmem>>[vector<16xi32>, vector<16xi32>], vector<16xf32>,
    %broadcast_in_dim3A_63 = arith.constant 69 : i32
    %broadcast_in_dim3A_64 = vector.broadcast %broadcast_in_dim3A_63 : i32 to vector<16xi32>
    tpu.vector_store_idx %arg16[%add3A_60, %broadcast_in_dim3A_64], %broadcast_in_dim3A_0 : memref<128x72xf32, #tpu.memory_space<vmem>>[vector<16xi32>, vector<16xi32>], vector<16xf32>,
    %broadcast_in_dim3A_65 = arith.constant 70 : i32
    %broadcast_in_dim3A_66 = vector.broadcast %broadcast_in_dim3A_65 : i32 to vector<16xi32>
    tpu.vector_store_idx %arg16[%add3A_60, %broadcast_in_dim3A_66], %broadcast_in_dim3A_0 : memref<128x72xf32, #tpu.memory_space<vmem>>[vector<16xi32>, vector<16xi32>], vector<16xf32>,
    %broadcast_in_dim3A_67 = arith.constant 71 : i32
    %broadcast_in_dim3A_68 = vector.broadcast %broadcast_in_dim3A_67 : i32 to vector<16xi32>
    tpu.vector_store_idx %arg16[%add3A_60, %broadcast_in_dim3A_68], %broadcast_in_dim3A_0 : memref<128x72xf32, #tpu.memory_space<vmem>>[vector<16xi32>, vector<16xi32>], vector<16xf32>,
    %add3A_69 = arith.constant 96 : i32
    %add3A_70 = vector.broadcast %add3A_69 : i32 to vector<16xi32>
    %add3A_71 = arith.addi %add3A_70, %iota3A : vector<16xi32>
    %broadcast_in_dim3A_72 = arith.constant 68 : i32
    %broadcast_in_dim3A_73 = vector.broadcast %broadcast_in_dim3A_72 : i32 to vector<16xi32>
    tpu.vector_store_idx %arg16[%add3A_71, %broadcast_in_dim3A_73], %broadcast_in_dim3A_0 : memref<128x72xf32, #tpu.memory_space<vmem>>[vector<16xi32>, vector<16xi32>], vector<16xf32>,
    %broadcast_in_dim3A_74 = arith.constant 69 : i32
    %broadcast_in_dim3A_75 = vector.broadcast %broadcast_in_dim3A_74 : i32 to vector<16xi32>
    tpu.vector_store_idx %arg16[%add3A_71, %broadcast_in_dim3A_75], %broadcast_in_dim3A_0 : memref<128x72xf32, #tpu.memory_space<vmem>>[vector<16xi32>, vector<16xi32>], vector<16xf32>,
    %broadcast_in_dim3A_76 = arith.constant 70 : i32
    %broadcast_in_dim3A_77 = vector.broadcast %broadcast_in_dim3A_76 : i32 to vector<16xi32>
    tpu.vector_store_idx %arg16[%add3A_71, %broadcast_in_dim3A_77], %broadcast_in_dim3A_0 : memref<128x72xf32, #tpu.memory_space<vmem>>[vector<16xi32>, vector<16xi32>], vector<16xf32>,
    %broadcast_in_dim3A_78 = arith.constant 71 : i32
    %broadcast_in_dim3A_79 = vector.broadcast %broadcast_in_dim3A_78 : i32 to vector<16xi32>
    tpu.vector_store_idx %arg16[%add3A_71, %broadcast_in_dim3A_79], %broadcast_in_dim3A_0 : memref<128x72xf32, #tpu.memory_space<vmem>>[vector<16xi32>, vector<16xi32>], vector<16xf32>,
    %add3A_80 = arith.constant 112 : i32
    %add3A_81 = vector.broadcast %add3A_80 : i32 to vector<16xi32>
    %add3A_82 = arith.addi %add3A_81, %iota3A : vector<16xi32>
    %broadcast_in_dim3A_83 = arith.constant 68 : i32
    %broadcast_in_dim3A_84 = vector.broadcast %broadcast_in_dim3A_83 : i32 to vector<16xi32>
    tpu.vector_store_idx %arg16[%add3A_82, %broadcast_in_dim3A_84], %broadcast_in_dim3A_0 : memref<128x72xf32, #tpu.memory_space<vmem>>[vector<16xi32>, vector<16xi32>], vector<16xf32>,
    %broadcast_in_dim3A_85 = arith.constant 69 : i32
    %broadcast_in_dim3A_86 = vector.broadcast %broadcast_in_dim3A_85 : i32 to vector<16xi32>
    tpu.vector_store_idx %arg16[%add3A_82, %broadcast_in_dim3A_86], %broadcast_in_dim3A_0 : memref<128x72xf32, #tpu.memory_space<vmem>>[vector<16xi32>, vector<16xi32>], vector<16xf32>,
    %broadcast_in_dim3A_87 = arith.constant 70 : i32
    %broadcast_in_dim3A_88 = vector.broadcast %broadcast_in_dim3A_87 : i32 to vector<16xi32>
    tpu.vector_store_idx %arg16[%add3A_82, %broadcast_in_dim3A_88], %broadcast_in_dim3A_0 : memref<128x72xf32, #tpu.memory_space<vmem>>[vector<16xi32>, vector<16xi32>], vector<16xf32>,
    %broadcast_in_dim3A_89 = arith.constant 71 : i32
    %broadcast_in_dim3A_90 = vector.broadcast %broadcast_in_dim3A_89 : i32 to vector<16xi32>
    tpu.vector_store_idx %arg16[%add3A_82, %broadcast_in_dim3A_90], %broadcast_in_dim3A_0 : memref<128x72xf32, #tpu.memory_space<vmem>>[vector<16xi32>, vector<16xi32>], vector<16xf32>,
    %barrier3A = arith.constant 0 : index
    tpu.barrier barrier_id(%barrier3A)
    %sub3A = arith.constant 2500 : i32
    %sub3A_91 = arith.subi %sub3A, %arg1 : i32
    %add3A_92 = arith.constant 16 : i32
    %add3A_93 = arith.addi %sub3A_91, %add3A_92 : i32
    %sub3A_94 = arith.constant 1 : i32
    %sub3A_95 = arith.subi %add3A_93, %sub3A_94 : i32
    %jit3A = arith.constant 16 : i32
    %div3A = arith.divsi %sub3A_95, %jit3A : i32
    %sign3A = arith.constant 0 : i32
    %sign3A_96 = arith.cmpi sgt, %sub3A_95, %sign3A : i32
    %sign3A_97 = arith.extui %sign3A_96 : i1 to i32
    %sign3A_98 = arith.constant 0 : i32
    %sign3A_99 = arith.cmpi slt, %sub3A_95, %sign3A_98 : i32
    %sign3A_100 = arith.extui %sign3A_99 : i1 to i32
    %sign3A_101 = arith.subi %sign3A_97, %sign3A_100 : i32
    %sign3A_102 = arith.constant 0 : i32
    %sign3A_103 = arith.cmpi sgt, %jit3A, %sign3A_102 : i32
    %sign3A_104 = arith.extui %sign3A_103 : i1 to i32
    %sign3A_105 = arith.constant 0 : i32
    %sign3A_106 = arith.cmpi slt, %jit3A, %sign3A_105 : i32
    %sign3A_107 = arith.extui %sign3A_106 : i1 to i32
    %sign3A_108 = arith.subi %sign3A_104, %sign3A_107 : i32
    %ne3A = arith.cmpi ne, %sign3A_101, %sign3A_108 : i32
    %rem3A = arith.remsi %sub3A_95, %jit3A : i32
    %ne3A_109 = arith.constant 0 : i32
    %ne3A_110 = arith.cmpi ne, %rem3A, %ne3A_109 : i32
    %and3A = arith.andi %ne3A, %ne3A_110 : i1
    %sub3A_111 = arith.constant 1 : i32
    %sub3A_112 = arith.subi %div3A, %sub3A_111 : i32
    %select_n3A = arith.select %and3A, %sub3A_112, %div3A : i32
    %while3A = arith.constant 0 : i32
    %while3A_113 = arith.constant 0 : i32
    %while3A_114 = arith.subi %select_n3A, %while3A_113 : i32
    %while3A_115 = arith.addi %while3A_113, %while3A_114 : i32
    %while3A_116 = arith.constant 1 : i32
    %while3A_117 = arith.divsi %while3A_114, %while3A_116 : i32
    %while3A_118 = arith.muli %while3A_117, %while3A_116 : i32
    %while3A_119 = arith.addi %while3A_113, %while3A_118 : i32
    %while3A_120 = arith.constant 1 : i32
    scf.for %while3A_133 = %while3A_113 to %while3A_119 step %while3A_120  : i32 {
      %mul3A_134 = arith.constant 16 : i32
      %mul3A_135 = arith.muli %while3A_133, %mul3A_134 : i32
      %add3A_136 = arith.addi %arg1, %mul3A_135 : i32
      %mul3A_137 = arith.constant 128 : i32
      %mul3A_138 = arith.muli %add3A_136, %mul3A_137 : i32
      "tpu.region"() ({
        %run_scoped3A = tpu.sem_alloc : memref<!tpu.dma_semaphore, #tpu.memory_space<semaphore_mem>>
        %dma_start3A_1013 = tpu.memref_slice %arg3[%mul3A_138] : memref<320000xi32, #tpu.memory_space<hbm>> -> memref<128xi32, #tpu.memory_space<hbm>>
        %dma_start3A_1014 = tpu.memref_slice %arg3[%mul3A_138] : memref<320000xi32, #tpu.memory_space<hbm>> -> memref<128xi32, #tpu.memory_space<hbm>>
        tpu.enqueue_dma source(%dma_start3A_1014 : memref<128xi32, #tpu.memory_space<hbm>>) target(%arg9 : memref<128xi32, #tpu.memory_space<vmem>>) target_semaphore(%run_scoped3A : memref<!tpu.dma_semaphore, #tpu.memory_space<semaphore_mem>>)
        %dma_wait3A_1015 = tpu.memref_slice %arg3[%mul3A_138] : memref<320000xi32, #tpu.memory_space<hbm>> -> memref<128xi32, #tpu.memory_space<hbm>>
        %dma_wait3A_1016 = tpu.memref_slice %arg3[%mul3A_138] : memref<320000xi32, #tpu.memory_space<hbm>> -> memref<128xi32, #tpu.memory_space<hbm>>
        tpu.wait_dma2 semaphore(%run_scoped3A : memref<!tpu.dma_semaphore, #tpu.memory_space<semaphore_mem>>) src(%dma_wait3A_1016 : memref<128xi32, #tpu.memory_space<hbm>>) dst(%arg9 : memref<128xi32, #tpu.memory_space<vmem>>)
        tpu.yield
      }) : () -> ()
      "tpu.region"() ({
        %run_scoped3A = tpu.sem_alloc : memref<!tpu.dma_semaphore, #tpu.memory_space<semaphore_mem>>
        %dma_start3A_1013 = tpu.memref_slice %arg2[%mul3A_138] : memref<320000xi32, #tpu.memory_space<hbm>> -> memref<128xi32, #tpu.memory_space<hbm>>
        %dma_start3A_1014 = tpu.memref_slice %arg2[%mul3A_138] : memref<320000xi32, #tpu.memory_space<hbm>> -> memref<128xi32, #tpu.memory_space<hbm>>
        tpu.enqueue_dma source(%dma_start3A_1014 : memref<128xi32, #tpu.memory_space<hbm>>) target(%arg10 : memref<128xi32, #tpu.memory_space<vmem>>) target_semaphore(%run_scoped3A : memref<!tpu.dma_semaphore, #tpu.memory_space<semaphore_mem>>)
        %dma_wait3A_1015 = tpu.memref_slice %arg2[%mul3A_138] : memref<320000xi32, #tpu.memory_space<hbm>> -> memref<128xi32, #tpu.memory_space<hbm>>
        %dma_wait3A_1016 = tpu.memref_slice %arg2[%mul3A_138] : memref<320000xi32, #tpu.memory_space<hbm>> -> memref<128xi32, #tpu.memory_space<hbm>>
        tpu.wait_dma2 semaphore(%run_scoped3A : memref<!tpu.dma_semaphore, #tpu.memory_space<semaphore_mem>>) src(%dma_wait3A_1016 : memref<128xi32, #tpu.memory_space<hbm>>) dst(%arg10 : memref<128xi32, #tpu.memory_space<vmem>>)
        tpu.yield
      }) : () -> ()
      %get3A = arith.constant 0 : index
      %get3A_139 = tpu.vector_load %arg9[%get3A] {strides = array<i32>} : memref<128xi32, #tpu.memory_space<vmem>>, vector<16xi32>,
      %mul3A_140 = arith.constant 10000 : i32
      %mul3A_141 = arith.muli %arg0, %mul3A_140 : i32
      %add3A_142 = vector.broadcast %mul3A_141 : i32 to vector<16xi32>
      %add3A_143 = arith.addi %get3A_139, %add3A_142 : vector<16xi32>
      %swap3A = arith.constant 0 : index
      %swap3A_144 = tpu.vector_load %arg11[%swap3A] {strides = array<i32>} : memref<128xi32, #tpu.memory_space<vmem>>, vector<16xi32>,
      tpu.vector_store %arg11[%swap3A], %add3A_143 {strides = array<i32>} : memref<128xi32, #tpu.memory_space<vmem>>, vector<16xi32>,
      %get3A_145 = arith.constant 16 : index
      %get3A_146 = tpu.vector_load %arg9[%get3A_145] {strides = array<i32>} : memref<128xi32, #tpu.memory_space<vmem>>, vector<16xi32>,
      %mul3A_147 = arith.constant 10000 : i32
      %mul3A_148 = arith.muli %arg0, %mul3A_147 : i32
      %add3A_149 = vector.broadcast %mul3A_148 : i32 to vector<16xi32>
      %add3A_150 = arith.addi %get3A_146, %add3A_149 : vector<16xi32>
      %swap3A_151 = arith.constant 16 : index
      %swap3A_152 = tpu.vector_load %arg11[%swap3A_151] {strides = array<i32>} : memref<128xi32, #tpu.memory_space<vmem>>, vector<16xi32>,
      tpu.vector_store %arg11[%swap3A_151], %add3A_150 {strides = array<i32>} : memref<128xi32, #tpu.memory_space<vmem>>, vector<16xi32>,
      %get3A_153 = arith.constant 32 : index
      %get3A_154 = tpu.vector_load %arg9[%get3A_153] {strides = array<i32>} : memref<128xi32, #tpu.memory_space<vmem>>, vector<16xi32>,
      %mul3A_155 = arith.constant 10000 : i32
      %mul3A_156 = arith.muli %arg0, %mul3A_155 : i32
      %add3A_157 = vector.broadcast %mul3A_156 : i32 to vector<16xi32>
      %add3A_158 = arith.addi %get3A_154, %add3A_157 : vector<16xi32>
      %swap3A_159 = arith.constant 32 : index
      %swap3A_160 = tpu.vector_load %arg11[%swap3A_159] {strides = array<i32>} : memref<128xi32, #tpu.memory_space<vmem>>, vector<16xi32>,
      tpu.vector_store %arg11[%swap3A_159], %add3A_158 {strides = array<i32>} : memref<128xi32, #tpu.memory_space<vmem>>, vector<16xi32>,
      %get3A_161 = arith.constant 48 : index
      %get3A_162 = tpu.vector_load %arg9[%get3A_161] {strides = array<i32>} : memref<128xi32, #tpu.memory_space<vmem>>, vector<16xi32>,
      %mul3A_163 = arith.constant 10000 : i32
      %mul3A_164 = arith.muli %arg0, %mul3A_163 : i32
      %add3A_165 = vector.broadcast %mul3A_164 : i32 to vector<16xi32>
      %add3A_166 = arith.addi %get3A_162, %add3A_165 : vector<16xi32>
      %swap3A_167 = arith.constant 48 : index
      %swap3A_168 = tpu.vector_load %arg11[%swap3A_167] {strides = array<i32>} : memref<128xi32, #tpu.memory_space<vmem>>, vector<16xi32>,
      tpu.vector_store %arg11[%swap3A_167], %add3A_166 {strides = array<i32>} : memref<128xi32, #tpu.memory_space<vmem>>, vector<16xi32>,
      %get3A_169 = arith.constant 64 : index
      %get3A_170 = tpu.vector_load %arg9[%get3A_169] {strides = array<i32>} : memref<128xi32, #tpu.memory_space<vmem>>, vector<16xi32>,
      %mul3A_171 = arith.constant 10000 : i32
      %mul3A_172 = arith.muli %arg0, %mul3A_171 : i32
      %add3A_173 = vector.broadcast %mul3A_172 : i32 to vector<16xi32>
      %add3A_174 = arith.addi %get3A_170, %add3A_173 : vector<16xi32>
      %swap3A_175 = arith.constant 64 : index
      %swap3A_176 = tpu.vector_load %arg11[%swap3A_175] {strides = array<i32>} : memref<128xi32, #tpu.memory_space<vmem>>, vector<16xi32>,
      tpu.vector_store %arg11[%swap3A_175], %add3A_174 {strides = array<i32>} : memref<128xi32, #tpu.memory_space<vmem>>, vector<16xi32>,
      %get3A_177 = arith.constant 80 : index
      %get3A_178 = tpu.vector_load %arg9[%get3A_177] {strides = array<i32>} : memref<128xi32, #tpu.memory_space<vmem>>, vector<16xi32>,
      %mul3A_179 = arith.constant 10000 : i32
      %mul3A_180 = arith.muli %arg0, %mul3A_179 : i32
      %add3A_181 = vector.broadcast %mul3A_180 : i32 to vector<16xi32>
      %add3A_182 = arith.addi %get3A_178, %add3A_181 : vector<16xi32>
      %swap3A_183 = arith.constant 80 : index
      %swap3A_184 = tpu.vector_load %arg11[%swap3A_183] {strides = array<i32>} : memref<128xi32, #tpu.memory_space<vmem>>, vector<16xi32>,
      tpu.vector_store %arg11[%swap3A_183], %add3A_182 {strides = array<i32>} : memref<128xi32, #tpu.memory_space<vmem>>, vector<16xi32>,
      %get3A_185 = arith.constant 96 : index
      %get3A_186 = tpu.vector_load %arg9[%get3A_185] {strides = array<i32>} : memref<128xi32, #tpu.memory_space<vmem>>, vector<16xi32>,
      %mul3A_187 = arith.constant 10000 : i32
      %mul3A_188 = arith.muli %arg0, %mul3A_187 : i32
      %add3A_189 = vector.broadcast %mul3A_188 : i32 to vector<16xi32>
      %add3A_190 = arith.addi %get3A_186, %add3A_189 : vector<16xi32>
      %swap3A_191 = arith.constant 96 : index
      %swap3A_192 = tpu.vector_load %arg11[%swap3A_191] {strides = array<i32>} : memref<128xi32, #tpu.memory_space<vmem>>, vector<16xi32>,
      tpu.vector_store %arg11[%swap3A_191], %add3A_190 {strides = array<i32>} : memref<128xi32, #tpu.memory_space<vmem>>, vector<16xi32>,
      %get3A_193 = arith.constant 112 : index
      %get3A_194 = tpu.vector_load %arg9[%get3A_193] {strides = array<i32>} : memref<128xi32, #tpu.memory_space<vmem>>, vector<16xi32>,
      %mul3A_195 = arith.constant 10000 : i32
      %mul3A_196 = arith.muli %arg0, %mul3A_195 : i32
      %add3A_197 = vector.broadcast %mul3A_196 : i32 to vector<16xi32>
      %add3A_198 = arith.addi %get3A_194, %add3A_197 : vector<16xi32>
      %swap3A_199 = arith.constant 112 : index
      %swap3A_200 = tpu.vector_load %arg11[%swap3A_199] {strides = array<i32>} : memref<128xi32, #tpu.memory_space<vmem>>, vector<16xi32>,
      tpu.vector_store %arg11[%swap3A_199], %add3A_198 {strides = array<i32>} : memref<128xi32, #tpu.memory_space<vmem>>, vector<16xi32>,
      %dma_start3A = arith.constant 0 : i32
      %dma_start3A_201 = arith.constant 0 : i32
      %dma_start3A_202 = tpu.memref_slice %arg4[%dma_start3A, %dma_start3A_201] : memref<10000x16xf32, #tpu.memory_space<hbm>> -> memref<10000x16xf32, #tpu.memory_space<hbm>>
      tpu.enqueue_indirect_dma source(%dma_start3A_202 : memref<10000x16xf32, #tpu.memory_space<hbm>>) target(%arg12 : memref<128x16xf32, #tpu.memory_space<vmem>>) offsets(%arg9 : memref<128xi32, #tpu.memory_space<vmem>>) semaphore(%arg19 : memref<!tpu.dma_semaphore, #tpu.memory_space<semaphore_mem>>)
      %dma_start3A_203 = arith.constant 0 : i32
      %dma_start3A_204 = arith.constant 0 : i32
      %dma_start3A_205 = tpu.memref_slice %arg4[%dma_start3A_203, %dma_start3A_204] : memref<10000x16xf32, #tpu.memory_space<hbm>> -> memref<10000x16xf32, #tpu.memory_space<hbm>>
      tpu.enqueue_indirect_dma source(%dma_start3A_205 : memref<10000x16xf32, #tpu.memory_space<hbm>>) target(%arg13 : memref<128x16xf32, #tpu.memory_space<vmem>>) offsets(%arg10 : memref<128xi32, #tpu.memory_space<vmem>>) semaphore(%arg20 : memref<!tpu.dma_semaphore, #tpu.memory_space<semaphore_mem>>)
      %dma_start3A_206 = arith.constant 0 : i32
      %dma_start3A_207 = arith.constant 0 : i32
      %dma_start3A_208 = tpu.memref_slice %arg5[%dma_start3A_206, %dma_start3A_207] : memref<20000x64xf32, #tpu.memory_space<hbm>> -> memref<20000x64xf32, #tpu.memory_space<hbm>>
      tpu.enqueue_indirect_dma source(%dma_start3A_208 : memref<20000x64xf32, #tpu.memory_space<hbm>>) target(%arg14 : memref<128x64xf32, #tpu.memory_space<vmem>>) offsets(%arg11 : memref<128xi32, #tpu.memory_space<vmem>>) semaphore(%arg21 : memref<!tpu.dma_semaphore, #tpu.memory_space<semaphore_mem>>)
      %dma_wait3A = arith.constant 0 : i32
      %dma_wait3A_209 = arith.constant 0 : i32
      %dma_wait3A_210 = tpu.memref_slice %arg4[%dma_wait3A, %dma_wait3A_209] : memref<10000x16xf32, #tpu.memory_space<hbm>> -> memref<10000x16xf32, #tpu.memory_space<hbm>>
      tpu.wait_indirect_dma semaphore(%arg19 : memref<!tpu.dma_semaphore, #tpu.memory_space<semaphore_mem>>) src(%dma_wait3A_210 : memref<10000x16xf32, #tpu.memory_space<hbm>>) dst(%arg12 : memref<128x16xf32, #tpu.memory_space<vmem>>)
      %dma_wait3A_211 = arith.constant 0 : i32
      %dma_wait3A_212 = arith.constant 0 : i32
      %dma_wait3A_213 = tpu.memref_slice %arg4[%dma_wait3A_211, %dma_wait3A_212] : memref<10000x16xf32, #tpu.memory_space<hbm>> -> memref<10000x16xf32, #tpu.memory_space<hbm>>
      tpu.wait_indirect_dma semaphore(%arg20 : memref<!tpu.dma_semaphore, #tpu.memory_space<semaphore_mem>>) src(%dma_wait3A_213 : memref<10000x16xf32, #tpu.memory_space<hbm>>) dst(%arg13 : memref<128x16xf32, #tpu.memory_space<vmem>>)
      %add3A_214 = arith.constant 0 : i32
      %add3A_215 = vector.broadcast %add3A_214 : i32 to vector<16xi32>
      %add3A_216 = arith.addi %add3A_215, %iota3A : vector<16xi32>
      %broadcast_in_dim3A_217 = arith.constant 0 : i32
      %broadcast_in_dim3A_218 = vector.broadcast %broadcast_in_dim3A_217 : i32 to vector<16xi32>
      %mul3A_219 = arith.constant 4 : i32
      %mul3A_220 = arith.muli %mul3A_219, %arg0 : i32
      %add3A_221 = arith.constant 0 : i32
      %add3A_222 = arith.addi %mul3A_220, %add3A_221 : i32
      %add3A_223 = vector.broadcast %add3A_222 : i32 to vector<16xi32>
      %add3A_224 = arith.addi %broadcast_in_dim3A_218, %add3A_223 : vector<16xi32>
      %broadcast_in_dim3A_225 = arith.constant 8 : i32
      %broadcast_in_dim3A_226 = vector.broadcast %broadcast_in_dim3A_225 : i32 to vector<16xi32>
      %mul3A_227 = arith.constant 4 : i32
      %mul3A_228 = arith.muli %mul3A_227, %arg0 : i32
      %add3A_229 = arith.constant 0 : i32
      %add3A_230 = arith.addi %mul3A_228, %add3A_229 : i32
      %add3A_231 = vector.broadcast %add3A_230 : i32 to vector<16xi32>
      %add3A_232 = arith.addi %broadcast_in_dim3A_226, %add3A_231 : vector<16xi32>
      %gather3A = tpu.vector_load_idx %arg12[%add3A_216, %add3A_224] : memref<128x16xf32, #tpu.memory_space<vmem>>[vector<16xi32>, vector<16xi32>], vector<16xf32>,
      %gather3A_233 = tpu.vector_load_idx %arg13[%add3A_216, %add3A_232] : memref<128x16xf32, #tpu.memory_space<vmem>>[vector<16xi32>, vector<16xi32>], vector<16xf32>,
      %add3A_234 = arith.addf %gather3A, %gather3A_233 : vector<16xf32>
      %exp3A = math.exp %add3A_234 : vector<16xf32>
      %broadcast_in_dim3A_235 = arith.constant 0 : i32
      %broadcast_in_dim3A_236 = vector.broadcast %broadcast_in_dim3A_235 : i32 to vector<16xi32>
      tpu.vector_store_idx %arg15[%add3A_216, %broadcast_in_dim3A_236], %exp3A : memref<128x4xf32, #tpu.memory_space<vmem>>[vector<16xi32>, vector<16xi32>], vector<16xf32>,
      %broadcast_in_dim3A_237 = arith.constant 64 : i32
      %broadcast_in_dim3A_238 = vector.broadcast %broadcast_in_dim3A_237 : i32 to vector<16xi32>
      tpu.vector_store_idx %arg16[%add3A_216, %broadcast_in_dim3A_238], %exp3A : memref<128x72xf32, #tpu.memory_space<vmem>>[vector<16xi32>, vector<16xi32>], vector<16xf32>,
      %broadcast_in_dim3A_239 = arith.constant 0 : i32
      %broadcast_in_dim3A_240 = vector.broadcast %broadcast_in_dim3A_239 : i32 to vector<16xi32>
      %mul3A_241 = arith.constant 4 : i32
      %mul3A_242 = arith.muli %mul3A_241, %arg0 : i32
      %add3A_243 = arith.constant 1 : i32
      %add3A_244 = arith.addi %mul3A_242, %add3A_243 : i32
      %add3A_245 = vector.broadcast %add3A_244 : i32 to vector<16xi32>
      %add3A_246 = arith.addi %broadcast_in_dim3A_240, %add3A_245 : vector<16xi32>
      %broadcast_in_dim3A_247 = arith.constant 8 : i32
      %broadcast_in_dim3A_248 = vector.broadcast %broadcast_in_dim3A_247 : i32 to vector<16xi32>
      %mul3A_249 = arith.constant 4 : i32
      %mul3A_250 = arith.muli %mul3A_249, %arg0 : i32
      %add3A_251 = arith.constant 1 : i32
      %add3A_252 = arith.addi %mul3A_250, %add3A_251 : i32
      %add3A_253 = vector.broadcast %add3A_252 : i32 to vector<16xi32>
      %add3A_254 = arith.addi %broadcast_in_dim3A_248, %add3A_253 : vector<16xi32>
      %gather3A_255 = tpu.vector_load_idx %arg12[%add3A_216, %add3A_246] : memref<128x16xf32, #tpu.memory_space<vmem>>[vector<16xi32>, vector<16xi32>], vector<16xf32>,
      %gather3A_256 = tpu.vector_load_idx %arg13[%add3A_216, %add3A_254] : memref<128x16xf32, #tpu.memory_space<vmem>>[vector<16xi32>, vector<16xi32>], vector<16xf32>,
      %add3A_257 = arith.addf %gather3A_255, %gather3A_256 : vector<16xf32>
      %exp3A_258 = math.exp %add3A_257 : vector<16xf32>
      %broadcast_in_dim3A_259 = arith.constant 1 : i32
      %broadcast_in_dim3A_260 = vector.broadcast %broadcast_in_dim3A_259 : i32 to vector<16xi32>
      tpu.vector_store_idx %arg15[%add3A_216, %broadcast_in_dim3A_260], %exp3A_258 : memref<128x4xf32, #tpu.memory_space<vmem>>[vector<16xi32>, vector<16xi32>], vector<16xf32>,
      %broadcast_in_dim3A_261 = arith.constant 65 : i32
      %broadcast_in_dim3A_262 = vector.broadcast %broadcast_in_dim3A_261 : i32 to vector<16xi32>
      tpu.vector_store_idx %arg16[%add3A_216, %broadcast_in_dim3A_262], %exp3A_258 : memref<128x72xf32, #tpu.memory_space<vmem>>[vector<16xi32>, vector<16xi32>], vector<16xf32>,
      %broadcast_in_dim3A_263 = arith.constant 0 : i32
      %broadcast_in_dim3A_264 = vector.broadcast %broadcast_in_dim3A_263 : i32 to vector<16xi32>
      %mul3A_265 = arith.constant 4 : i32
      %mul3A_266 = arith.muli %mul3A_265, %arg0 : i32
      %add3A_267 = arith.constant 2 : i32
      %add3A_268 = arith.addi %mul3A_266, %add3A_267 : i32
      %add3A_269 = vector.broadcast %add3A_268 : i32 to vector<16xi32>
      %add3A_270 = arith.addi %broadcast_in_dim3A_264, %add3A_269 : vector<16xi32>
      %broadcast_in_dim3A_271 = arith.constant 8 : i32
      %broadcast_in_dim3A_272 = vector.broadcast %broadcast_in_dim3A_271 : i32 to vector<16xi32>
      %mul3A_273 = arith.constant 4 : i32
      %mul3A_274 = arith.muli %mul3A_273, %arg0 : i32
      %add3A_275 = arith.constant 2 : i32
      %add3A_276 = arith.addi %mul3A_274, %add3A_275 : i32
      %add3A_277 = vector.broadcast %add3A_276 : i32 to vector<16xi32>
      %add3A_278 = arith.addi %broadcast_in_dim3A_272, %add3A_277 : vector<16xi32>
      %gather3A_279 = tpu.vector_load_idx %arg12[%add3A_216, %add3A_270] : memref<128x16xf32, #tpu.memory_space<vmem>>[vector<16xi32>, vector<16xi32>], vector<16xf32>,
      %gather3A_280 = tpu.vector_load_idx %arg13[%add3A_216, %add3A_278] : memref<128x16xf32, #tpu.memory_space<vmem>>[vector<16xi32>, vector<16xi32>], vector<16xf32>,
      %add3A_281 = arith.addf %gather3A_279, %gather3A_280 : vector<16xf32>
      %exp3A_282 = math.exp %add3A_281 : vector<16xf32>
      %broadcast_in_dim3A_283 = arith.constant 2 : i32
      %broadcast_in_dim3A_284 = vector.broadcast %broadcast_in_dim3A_283 : i32 to vector<16xi32>
      tpu.vector_store_idx %arg15[%add3A_216, %broadcast_in_dim3A_284], %exp3A_282 : memref<128x4xf32, #tpu.memory_space<vmem>>[vector<16xi32>, vector<16xi32>], vector<16xf32>,
      %broadcast_in_dim3A_285 = arith.constant 66 : i32
      %broadcast_in_dim3A_286 = vector.broadcast %broadcast_in_dim3A_285 : i32 to vector<16xi32>
      tpu.vector_store_idx %arg16[%add3A_216, %broadcast_in_dim3A_286], %exp3A_282 : memref<128x72xf32, #tpu.memory_space<vmem>>[vector<16xi32>, vector<16xi32>], vector<16xf32>,
      %broadcast_in_dim3A_287 = arith.constant 0 : i32
      %broadcast_in_dim3A_288 = vector.broadcast %broadcast_in_dim3A_287 : i32 to vector<16xi32>
      %mul3A_289 = arith.constant 4 : i32
      %mul3A_290 = arith.muli %mul3A_289, %arg0 : i32
      %add3A_291 = arith.constant 3 : i32
      %add3A_292 = arith.addi %mul3A_290, %add3A_291 : i32
      %add3A_293 = vector.broadcast %add3A_292 : i32 to vector<16xi32>
      %add3A_294 = arith.addi %broadcast_in_dim3A_288, %add3A_293 : vector<16xi32>
      %broadcast_in_dim3A_295 = arith.constant 8 : i32
      %broadcast_in_dim3A_296 = vector.broadcast %broadcast_in_dim3A_295 : i32 to vector<16xi32>
      %mul3A_297 = arith.constant 4 : i32
      %mul3A_298 = arith.muli %mul3A_297, %arg0 : i32
      %add3A_299 = arith.constant 3 : i32
      %add3A_300 = arith.addi %mul3A_298, %add3A_299 : i32
      %add3A_301 = vector.broadcast %add3A_300 : i32 to vector<16xi32>
      %add3A_302 = arith.addi %broadcast_in_dim3A_296, %add3A_301 : vector<16xi32>
      %gather3A_303 = tpu.vector_load_idx %arg12[%add3A_216, %add3A_294] : memref<128x16xf32, #tpu.memory_space<vmem>>[vector<16xi32>, vector<16xi32>], vector<16xf32>,
      %gather3A_304 = tpu.vector_load_idx %arg13[%add3A_216, %add3A_302] : memref<128x16xf32, #tpu.memory_space<vmem>>[vector<16xi32>, vector<16xi32>], vector<16xf32>,
      %add3A_305 = arith.addf %gather3A_303, %gather3A_304 : vector<16xf32>
      %exp3A_306 = math.exp %add3A_305 : vector<16xf32>
      %broadcast_in_dim3A_307 = arith.constant 3 : i32
      %broadcast_in_dim3A_308 = vector.broadcast %broadcast_in_dim3A_307 : i32 to vector<16xi32>
      tpu.vector_store_idx %arg15[%add3A_216, %broadcast_in_dim3A_308], %exp3A_306 : memref<128x4xf32, #tpu.memory_space<vmem>>[vector<16xi32>, vector<16xi32>], vector<16xf32>,
      %broadcast_in_dim3A_309 = arith.constant 67 : i32
      %broadcast_in_dim3A_310 = vector.broadcast %broadcast_in_dim3A_309 : i32 to vector<16xi32>
      tpu.vector_store_idx %arg16[%add3A_216, %broadcast_in_dim3A_310], %exp3A_306 : memref<128x72xf32, #tpu.memory_space<vmem>>[vector<16xi32>, vector<16xi32>], vector<16xf32>,
      %add3A_311 = arith.constant 16 : i32
      %add3A_312 = vector.broadcast %add3A_311 : i32 to vector<16xi32>
      %add3A_313 = arith.addi %add3A_312, %iota3A : vector<16xi32>
      %broadcast_in_dim3A_314 = arith.constant 0 : i32
      %broadcast_in_dim3A_315 = vector.broadcast %broadcast_in_dim3A_314 : i32 to vector<16xi32>
      %mul3A_316 = arith.constant 4 : i32
      %mul3A_317 = arith.muli %mul3A_316, %arg0 : i32
      %add3A_318 = arith.constant 0 : i32
      %add3A_319 = arith.addi %mul3A_317, %add3A_318 : i32
      %add3A_320 = vector.broadcast %add3A_319 : i32 to vector<16xi32>
      %add3A_321 = arith.addi %broadcast_in_dim3A_315, %add3A_320 : vector<16xi32>
      %broadcast_in_dim3A_322 = arith.constant 8 : i32
      %broadcast_in_dim3A_323 = vector.broadcast %broadcast_in_dim3A_322 : i32 to vector<16xi32>
      %mul3A_324 = arith.constant 4 : i32
      %mul3A_325 = arith.muli %mul3A_324, %arg0 : i32
      %add3A_326 = arith.constant 0 : i32
      %add3A_327 = arith.addi %mul3A_325, %add3A_326 : i32
      %add3A_328 = vector.broadcast %add3A_327 : i32 to vector<16xi32>
      %add3A_329 = arith.addi %broadcast_in_dim3A_323, %add3A_328 : vector<16xi32>
      %gather3A_330 = tpu.vector_load_idx %arg12[%add3A_313, %add3A_321] : memref<128x16xf32, #tpu.memory_space<vmem>>[vector<16xi32>, vector<16xi32>], vector<16xf32>,
      %gather3A_331 = tpu.vector_load_idx %arg13[%add3A_313, %add3A_329] : memref<128x16xf32, #tpu.memory_space<vmem>>[vector<16xi32>, vector<16xi32>], vector<16xf32>,
      %add3A_332 = arith.addf %gather3A_330, %gather3A_331 : vector<16xf32>
      %exp3A_333 = math.exp %add3A_332 : vector<16xf32>
      %broadcast_in_dim3A_334 = arith.constant 0 : i32
      %broadcast_in_dim3A_335 = vector.broadcast %broadcast_in_dim3A_334 : i32 to vector<16xi32>
      tpu.vector_store_idx %arg15[%add3A_313, %broadcast_in_dim3A_335], %exp3A_333 : memref<128x4xf32, #tpu.memory_space<vmem>>[vector<16xi32>, vector<16xi32>], vector<16xf32>,
      %broadcast_in_dim3A_336 = arith.constant 64 : i32
      %broadcast_in_dim3A_337 = vector.broadcast %broadcast_in_dim3A_336 : i32 to vector<16xi32>
      tpu.vector_store_idx %arg16[%add3A_313, %broadcast_in_dim3A_337], %exp3A_333 : memref<128x72xf32, #tpu.memory_space<vmem>>[vector<16xi32>, vector<16xi32>], vector<16xf32>,
      %broadcast_in_dim3A_338 = arith.constant 0 : i32
      %broadcast_in_dim3A_339 = vector.broadcast %broadcast_in_dim3A_338 : i32 to vector<16xi32>
      %mul3A_340 = arith.constant 4 : i32
      %mul3A_341 = arith.muli %mul3A_340, %arg0 : i32
      %add3A_342 = arith.constant 1 : i32
      %add3A_343 = arith.addi %mul3A_341, %add3A_342 : i32
      %add3A_344 = vector.broadcast %add3A_343 : i32 to vector<16xi32>
      %add3A_345 = arith.addi %broadcast_in_dim3A_339, %add3A_344 : vector<16xi32>
      %broadcast_in_dim3A_346 = arith.constant 8 : i32
      %broadcast_in_dim3A_347 = vector.broadcast %broadcast_in_dim3A_346 : i32 to vector<16xi32>
      %mul3A_348 = arith.constant 4 : i32
      %mul3A_349 = arith.muli %mul3A_348, %arg0 : i32
      %add3A_350 = arith.constant 1 : i32
      %add3A_351 = arith.addi %mul3A_349, %add3A_350 : i32
      %add3A_352 = vector.broadcast %add3A_351 : i32 to vector<16xi32>
      %add3A_353 = arith.addi %broadcast_in_dim3A_347, %add3A_352 : vector<16xi32>
      %gather3A_354 = tpu.vector_load_idx %arg12[%add3A_313, %add3A_345] : memref<128x16xf32, #tpu.memory_space<vmem>>[vector<16xi32>, vector<16xi32>], vector<16xf32>,
      %gather3A_355 = tpu.vector_load_idx %arg13[%add3A_313, %add3A_353] : memref<128x16xf32, #tpu.memory_space<vmem>>[vector<16xi32>, vector<16xi32>], vector<16xf32>,
      %add3A_356 = arith.addf %gather3A_354, %gather3A_355 : vector<16xf32>
      %exp3A_357 = math.exp %add3A_356 : vector<16xf32>
      %broadcast_in_dim3A_358 = arith.constant 1 : i32
      %broadcast_in_dim3A_359 = vector.broadcast %broadcast_in_dim3A_358 : i32 to vector<16xi32>
      tpu.vector_store_idx %arg15[%add3A_313, %broadcast_in_dim3A_359], %exp3A_357 : memref<128x4xf32, #tpu.memory_space<vmem>>[vector<16xi32>, vector<16xi32>], vector<16xf32>,
      %broadcast_in_dim3A_360 = arith.constant 65 : i32
      %broadcast_in_dim3A_361 = vector.broadcast %broadcast_in_dim3A_360 : i32 to vector<16xi32>
      tpu.vector_store_idx %arg16[%add3A_313, %broadcast_in_dim3A_361], %exp3A_357 : memref<128x72xf32, #tpu.memory_space<vmem>>[vector<16xi32>, vector<16xi32>], vector<16xf32>,
      %broadcast_in_dim3A_362 = arith.constant 0 : i32
      %broadcast_in_dim3A_363 = vector.broadcast %broadcast_in_dim3A_362 : i32 to vector<16xi32>
      %mul3A_364 = arith.constant 4 : i32
      %mul3A_365 = arith.muli %mul3A_364, %arg0 : i32
      %add3A_366 = arith.constant 2 : i32
      %add3A_367 = arith.addi %mul3A_365, %add3A_366 : i32
      %add3A_368 = vector.broadcast %add3A_367 : i32 to vector<16xi32>
      %add3A_369 = arith.addi %broadcast_in_dim3A_363, %add3A_368 : vector<16xi32>
      %broadcast_in_dim3A_370 = arith.constant 8 : i32
      %broadcast_in_dim3A_371 = vector.broadcast %broadcast_in_dim3A_370 : i32 to vector<16xi32>
      %mul3A_372 = arith.constant 4 : i32
      %mul3A_373 = arith.muli %mul3A_372, %arg0 : i32
      %add3A_374 = arith.constant 2 : i32
      %add3A_375 = arith.addi %mul3A_373, %add3A_374 : i32
      %add3A_376 = vector.broadcast %add3A_375 : i32 to vector<16xi32>
      %add3A_377 = arith.addi %broadcast_in_dim3A_371, %add3A_376 : vector<16xi32>
      %gather3A_378 = tpu.vector_load_idx %arg12[%add3A_313, %add3A_369] : memref<128x16xf32, #tpu.memory_space<vmem>>[vector<16xi32>, vector<16xi32>], vector<16xf32>,
      %gather3A_379 = tpu.vector_load_idx %arg13[%add3A_313, %add3A_377] : memref<128x16xf32, #tpu.memory_space<vmem>>[vector<16xi32>, vector<16xi32>], vector<16xf32>,
      %add3A_380 = arith.addf %gather3A_378, %gather3A_379 : vector<16xf32>
      %exp3A_381 = math.exp %add3A_380 : vector<16xf32>
      %broadcast_in_dim3A_382 = arith.constant 2 : i32
      %broadcast_in_dim3A_383 = vector.broadcast %broadcast_in_dim3A_382 : i32 to vector<16xi32>
      tpu.vector_store_idx %arg15[%add3A_313, %broadcast_in_dim3A_383], %exp3A_381 : memref<128x4xf32, #tpu.memory_space<vmem>>[vector<16xi32>, vector<16xi32>], vector<16xf32>,
      %broadcast_in_dim3A_384 = arith.constant 66 : i32
      %broadcast_in_dim3A_385 = vector.broadcast %broadcast_in_dim3A_384 : i32 to vector<16xi32>
      tpu.vector_store_idx %arg16[%add3A_313, %broadcast_in_dim3A_385], %exp3A_381 : memref<128x72xf32, #tpu.memory_space<vmem>>[vector<16xi32>, vector<16xi32>], vector<16xf32>,
      %broadcast_in_dim3A_386 = arith.constant 0 : i32
      %broadcast_in_dim3A_387 = vector.broadcast %broadcast_in_dim3A_386 : i32 to vector<16xi32>
      %mul3A_388 = arith.constant 4 : i32
      %mul3A_389 = arith.muli %mul3A_388, %arg0 : i32
      %add3A_390 = arith.constant 3 : i32
      %add3A_391 = arith.addi %mul3A_389, %add3A_390 : i32
      %add3A_392 = vector.broadcast %add3A_391 : i32 to vector<16xi32>
      %add3A_393 = arith.addi %broadcast_in_dim3A_387, %add3A_392 : vector<16xi32>
      %broadcast_in_dim3A_394 = arith.constant 8 : i32
      %broadcast_in_dim3A_395 = vector.broadcast %broadcast_in_dim3A_394 : i32 to vector<16xi32>
      %mul3A_396 = arith.constant 4 : i32
      %mul3A_397 = arith.muli %mul3A_396, %arg0 : i32
      %add3A_398 = arith.constant 3 : i32
      %add3A_399 = arith.addi %mul3A_397, %add3A_398 : i32
      %add3A_400 = vector.broadcast %add3A_399 : i32 to vector<16xi32>
      %add3A_401 = arith.addi %broadcast_in_dim3A_395, %add3A_400 : vector<16xi32>
      %gather3A_402 = tpu.vector_load_idx %arg12[%add3A_313, %add3A_393] : memref<128x16xf32, #tpu.memory_space<vmem>>[vector<16xi32>, vector<16xi32>], vector<16xf32>,
      %gather3A_403 = tpu.vector_load_idx %arg13[%add3A_313, %add3A_401] : memref<128x16xf32, #tpu.memory_space<vmem>>[vector<16xi32>, vector<16xi32>], vector<16xf32>,
      %add3A_404 = arith.addf %gather3A_402, %gather3A_403 : vector<16xf32>
      %exp3A_405 = math.exp %add3A_404 : vector<16xf32>
      %broadcast_in_dim3A_406 = arith.constant 3 : i32
      %broadcast_in_dim3A_407 = vector.broadcast %broadcast_in_dim3A_406 : i32 to vector<16xi32>
      tpu.vector_store_idx %arg15[%add3A_313, %broadcast_in_dim3A_407], %exp3A_405 : memref<128x4xf32, #tpu.memory_space<vmem>>[vector<16xi32>, vector<16xi32>], vector<16xf32>,
      %broadcast_in_dim3A_408 = arith.constant 67 : i32
      %broadcast_in_dim3A_409 = vector.broadcast %broadcast_in_dim3A_408 : i32 to vector<16xi32>
      tpu.vector_store_idx %arg16[%add3A_313, %broadcast_in_dim3A_409], %exp3A_405 : memref<128x72xf32, #tpu.memory_space<vmem>>[vector<16xi32>, vector<16xi32>], vector<16xf32>,
      %add3A_410 = arith.constant 32 : i32
      %add3A_411 = vector.broadcast %add3A_410 : i32 to vector<16xi32>
      %add3A_412 = arith.addi %add3A_411, %iota3A : vector<16xi32>
      %broadcast_in_dim3A_413 = arith.constant 0 : i32
      %broadcast_in_dim3A_414 = vector.broadcast %broadcast_in_dim3A_413 : i32 to vector<16xi32>
      %mul3A_415 = arith.constant 4 : i32
      %mul3A_416 = arith.muli %mul3A_415, %arg0 : i32
      %add3A_417 = arith.constant 0 : i32
      %add3A_418 = arith.addi %mul3A_416, %add3A_417 : i32
      %add3A_419 = vector.broadcast %add3A_418 : i32 to vector<16xi32>
      %add3A_420 = arith.addi %broadcast_in_dim3A_414, %add3A_419 : vector<16xi32>
      %broadcast_in_dim3A_421 = arith.constant 8 : i32
      %broadcast_in_dim3A_422 = vector.broadcast %broadcast_in_dim3A_421 : i32 to vector<16xi32>
      %mul3A_423 = arith.constant 4 : i32
      %mul3A_424 = arith.muli %mul3A_423, %arg0 : i32
      %add3A_425 = arith.constant 0 : i32
      %add3A_426 = arith.addi %mul3A_424, %add3A_425 : i32
      %add3A_427 = vector.broadcast %add3A_426 : i32 to vector<16xi32>
      %add3A_428 = arith.addi %broadcast_in_dim3A_422, %add3A_427 : vector<16xi32>
      %gather3A_429 = tpu.vector_load_idx %arg12[%add3A_412, %add3A_420] : memref<128x16xf32, #tpu.memory_space<vmem>>[vector<16xi32>, vector<16xi32>], vector<16xf32>,
      %gather3A_430 = tpu.vector_load_idx %arg13[%add3A_412, %add3A_428] : memref<128x16xf32, #tpu.memory_space<vmem>>[vector<16xi32>, vector<16xi32>], vector<16xf32>,
      %add3A_431 = arith.addf %gather3A_429, %gather3A_430 : vector<16xf32>
      %exp3A_432 = math.exp %add3A_431 : vector<16xf32>
      %broadcast_in_dim3A_433 = arith.constant 0 : i32
      %broadcast_in_dim3A_434 = vector.broadcast %broadcast_in_dim3A_433 : i32 to vector<16xi32>
      tpu.vector_store_idx %arg15[%add3A_412, %broadcast_in_dim3A_434], %exp3A_432 : memref<128x4xf32, #tpu.memory_space<vmem>>[vector<16xi32>, vector<16xi32>], vector<16xf32>,
      %broadcast_in_dim3A_435 = arith.constant 64 : i32
      %broadcast_in_dim3A_436 = vector.broadcast %broadcast_in_dim3A_435 : i32 to vector<16xi32>
      tpu.vector_store_idx %arg16[%add3A_412, %broadcast_in_dim3A_436], %exp3A_432 : memref<128x72xf32, #tpu.memory_space<vmem>>[vector<16xi32>, vector<16xi32>], vector<16xf32>,
      %broadcast_in_dim3A_437 = arith.constant 0 : i32
      %broadcast_in_dim3A_438 = vector.broadcast %broadcast_in_dim3A_437 : i32 to vector<16xi32>
      %mul3A_439 = arith.constant 4 : i32
      %mul3A_440 = arith.muli %mul3A_439, %arg0 : i32
      %add3A_441 = arith.constant 1 : i32
      %add3A_442 = arith.addi %mul3A_440, %add3A_441 : i32
      %add3A_443 = vector.broadcast %add3A_442 : i32 to vector<16xi32>
      %add3A_444 = arith.addi %broadcast_in_dim3A_438, %add3A_443 : vector<16xi32>
      %broadcast_in_dim3A_445 = arith.constant 8 : i32
      %broadcast_in_dim3A_446 = vector.broadcast %broadcast_in_dim3A_445 : i32 to vector<16xi32>
      %mul3A_447 = arith.constant 4 : i32
      %mul3A_448 = arith.muli %mul3A_447, %arg0 : i32
      %add3A_449 = arith.constant 1 : i32
      %add3A_450 = arith.addi %mul3A_448, %add3A_449 : i32
      %add3A_451 = vector.broadcast %add3A_450 : i32 to vector<16xi32>
      %add3A_452 = arith.addi %broadcast_in_dim3A_446, %add3A_451 : vector<16xi32>
      %gather3A_453 = tpu.vector_load_idx %arg12[%add3A_412, %add3A_444] : memref<128x16xf32, #tpu.memory_space<vmem>>[vector<16xi32>, vector<16xi32>], vector<16xf32>,
      %gather3A_454 = tpu.vector_load_idx %arg13[%add3A_412, %add3A_452] : memref<128x16xf32, #tpu.memory_space<vmem>>[vector<16xi32>, vector<16xi32>], vector<16xf32>,
      %add3A_455 = arith.addf %gather3A_453, %gather3A_454 : vector<16xf32>
      %exp3A_456 = math.exp %add3A_455 : vector<16xf32>
      %broadcast_in_dim3A_457 = arith.constant 1 : i32
      %broadcast_in_dim3A_458 = vector.broadcast %broadcast_in_dim3A_457 : i32 to vector<16xi32>
      tpu.vector_store_idx %arg15[%add3A_412, %broadcast_in_dim3A_458], %exp3A_456 : memref<128x4xf32, #tpu.memory_space<vmem>>[vector<16xi32>, vector<16xi32>], vector<16xf32>,
      %broadcast_in_dim3A_459 = arith.constant 65 : i32
      %broadcast_in_dim3A_460 = vector.broadcast %broadcast_in_dim3A_459 : i32 to vector<16xi32>
      tpu.vector_store_idx %arg16[%add3A_412, %broadcast_in_dim3A_460], %exp3A_456 : memref<128x72xf32, #tpu.memory_space<vmem>>[vector<16xi32>, vector<16xi32>], vector<16xf32>,
      %broadcast_in_dim3A_461 = arith.constant 0 : i32
      %broadcast_in_dim3A_462 = vector.broadcast %broadcast_in_dim3A_461 : i32 to vector<16xi32>
      %mul3A_463 = arith.constant 4 : i32
      %mul3A_464 = arith.muli %mul3A_463, %arg0 : i32
      %add3A_465 = arith.constant 2 : i32
      %add3A_466 = arith.addi %mul3A_464, %add3A_465 : i32
      %add3A_467 = vector.broadcast %add3A_466 : i32 to vector<16xi32>
      %add3A_468 = arith.addi %broadcast_in_dim3A_462, %add3A_467 : vector<16xi32>
      %broadcast_in_dim3A_469 = arith.constant 8 : i32
      %broadcast_in_dim3A_470 = vector.broadcast %broadcast_in_dim3A_469 : i32 to vector<16xi32>
      %mul3A_471 = arith.constant 4 : i32
      %mul3A_472 = arith.muli %mul3A_471, %arg0 : i32
      %add3A_473 = arith.constant 2 : i32
      %add3A_474 = arith.addi %mul3A_472, %add3A_473 : i32
      %add3A_475 = vector.broadcast %add3A_474 : i32 to vector<16xi32>
      %add3A_476 = arith.addi %broadcast_in_dim3A_470, %add3A_475 : vector<16xi32>
      %gather3A_477 = tpu.vector_load_idx %arg12[%add3A_412, %add3A_468] : memref<128x16xf32, #tpu.memory_space<vmem>>[vector<16xi32>, vector<16xi32>], vector<16xf32>,
      %gather3A_478 = tpu.vector_load_idx %arg13[%add3A_412, %add3A_476] : memref<128x16xf32, #tpu.memory_space<vmem>>[vector<16xi32>, vector<16xi32>], vector<16xf32>,
      %add3A_479 = arith.addf %gather3A_477, %gather3A_478 : vector<16xf32>
      %exp3A_480 = math.exp %add3A_479 : vector<16xf32>
      %broadcast_in_dim3A_481 = arith.constant 2 : i32
      %broadcast_in_dim3A_482 = vector.broadcast %broadcast_in_dim3A_481 : i32 to vector<16xi32>
      tpu.vector_store_idx %arg15[%add3A_412, %broadcast_in_dim3A_482], %exp3A_480 : memref<128x4xf32, #tpu.memory_space<vmem>>[vector<16xi32>, vector<16xi32>], vector<16xf32>,
      %broadcast_in_dim3A_483 = arith.constant 66 : i32
      %broadcast_in_dim3A_484 = vector.broadcast %broadcast_in_dim3A_483 : i32 to vector<16xi32>
      tpu.vector_store_idx %arg16[%add3A_412, %broadcast_in_dim3A_484], %exp3A_480 : memref<128x72xf32, #tpu.memory_space<vmem>>[vector<16xi32>, vector<16xi32>], vector<16xf32>,
      %broadcast_in_dim3A_485 = arith.constant 0 : i32
      %broadcast_in_dim3A_486 = vector.broadcast %broadcast_in_dim3A_485 : i32 to vector<16xi32>
      %mul3A_487 = arith.constant 4 : i32
      %mul3A_488 = arith.muli %mul3A_487, %arg0 : i32
      %add3A_489 = arith.constant 3 : i32
      %add3A_490 = arith.addi %mul3A_488, %add3A_489 : i32
      %add3A_491 = vector.broadcast %add3A_490 : i32 to vector<16xi32>
      %add3A_492 = arith.addi %broadcast_in_dim3A_486, %add3A_491 : vector<16xi32>
      %broadcast_in_dim3A_493 = arith.constant 8 : i32
      %broadcast_in_dim3A_494 = vector.broadcast %broadcast_in_dim3A_493 : i32 to vector<16xi32>
      %mul3A_495 = arith.constant 4 : i32
      %mul3A_496 = arith.muli %mul3A_495, %arg0 : i32
      %add3A_497 = arith.constant 3 : i32
      %add3A_498 = arith.addi %mul3A_496, %add3A_497 : i32
      %add3A_499 = vector.broadcast %add3A_498 : i32 to vector<16xi32>
      %add3A_500 = arith.addi %broadcast_in_dim3A_494, %add3A_499 : vector<16xi32>
      %gather3A_501 = tpu.vector_load_idx %arg12[%add3A_412, %add3A_492] : memref<128x16xf32, #tpu.memory_space<vmem>>[vector<16xi32>, vector<16xi32>], vector<16xf32>,
      %gather3A_502 = tpu.vector_load_idx %arg13[%add3A_412, %add3A_500] : memref<128x16xf32, #tpu.memory_space<vmem>>[vector<16xi32>, vector<16xi32>], vector<16xf32>,
      %add3A_503 = arith.addf %gather3A_501, %gather3A_502 : vector<16xf32>
      %exp3A_504 = math.exp %add3A_503 : vector<16xf32>
      %broadcast_in_dim3A_505 = arith.constant 3 : i32
      %broadcast_in_dim3A_506 = vector.broadcast %broadcast_in_dim3A_505 : i32 to vector<16xi32>
      tpu.vector_store_idx %arg15[%add3A_412, %broadcast_in_dim3A_506], %exp3A_504 : memref<128x4xf32, #tpu.memory_space<vmem>>[vector<16xi32>, vector<16xi32>], vector<16xf32>,
      %broadcast_in_dim3A_507 = arith.constant 67 : i32
      %broadcast_in_dim3A_508 = vector.broadcast %broadcast_in_dim3A_507 : i32 to vector<16xi32>
      tpu.vector_store_idx %arg16[%add3A_412, %broadcast_in_dim3A_508], %exp3A_504 : memref<128x72xf32, #tpu.memory_space<vmem>>[vector<16xi32>, vector<16xi32>], vector<16xf32>,
      %add3A_509 = arith.constant 48 : i32
      %add3A_510 = vector.broadcast %add3A_509 : i32 to vector<16xi32>
      %add3A_511 = arith.addi %add3A_510, %iota3A : vector<16xi32>
      %broadcast_in_dim3A_512 = arith.constant 0 : i32
      %broadcast_in_dim3A_513 = vector.broadcast %broadcast_in_dim3A_512 : i32 to vector<16xi32>
      %mul3A_514 = arith.constant 4 : i32
      %mul3A_515 = arith.muli %mul3A_514, %arg0 : i32
      %add3A_516 = arith.constant 0 : i32
      %add3A_517 = arith.addi %mul3A_515, %add3A_516 : i32
      %add3A_518 = vector.broadcast %add3A_517 : i32 to vector<16xi32>
      %add3A_519 = arith.addi %broadcast_in_dim3A_513, %add3A_518 : vector<16xi32>
      %broadcast_in_dim3A_520 = arith.constant 8 : i32
      %broadcast_in_dim3A_521 = vector.broadcast %broadcast_in_dim3A_520 : i32 to vector<16xi32>
      %mul3A_522 = arith.constant 4 : i32
      %mul3A_523 = arith.muli %mul3A_522, %arg0 : i32
      %add3A_524 = arith.constant 0 : i32
      %add3A_525 = arith.addi %mul3A_523, %add3A_524 : i32
      %add3A_526 = vector.broadcast %add3A_525 : i32 to vector<16xi32>
      %add3A_527 = arith.addi %broadcast_in_dim3A_521, %add3A_526 : vector<16xi32>
      %gather3A_528 = tpu.vector_load_idx %arg12[%add3A_511, %add3A_519] : memref<128x16xf32, #tpu.memory_space<vmem>>[vector<16xi32>, vector<16xi32>], vector<16xf32>,
      %gather3A_529 = tpu.vector_load_idx %arg13[%add3A_511, %add3A_527] : memref<128x16xf32, #tpu.memory_space<vmem>>[vector<16xi32>, vector<16xi32>], vector<16xf32>,
      %add3A_530 = arith.addf %gather3A_528, %gather3A_529 : vector<16xf32>
      %exp3A_531 = math.exp %add3A_530 : vector<16xf32>
      %broadcast_in_dim3A_532 = arith.constant 0 : i32
      %broadcast_in_dim3A_533 = vector.broadcast %broadcast_in_dim3A_532 : i32 to vector<16xi32>
      tpu.vector_store_idx %arg15[%add3A_511, %broadcast_in_dim3A_533], %exp3A_531 : memref<128x4xf32, #tpu.memory_space<vmem>>[vector<16xi32>, vector<16xi32>], vector<16xf32>,
      %broadcast_in_dim3A_534 = arith.constant 64 : i32
      %broadcast_in_dim3A_535 = vector.broadcast %broadcast_in_dim3A_534 : i32 to vector<16xi32>
      tpu.vector_store_idx %arg16[%add3A_511, %broadcast_in_dim3A_535], %exp3A_531 : memref<128x72xf32, #tpu.memory_space<vmem>>[vector<16xi32>, vector<16xi32>], vector<16xf32>,
      %broadcast_in_dim3A_536 = arith.constant 0 : i32
      %broadcast_in_dim3A_537 = vector.broadcast %broadcast_in_dim3A_536 : i32 to vector<16xi32>
      %mul3A_538 = arith.constant 4 : i32
      %mul3A_539 = arith.muli %mul3A_538, %arg0 : i32
      %add3A_540 = arith.constant 1 : i32
      %add3A_541 = arith.addi %mul3A_539, %add3A_540 : i32
      %add3A_542 = vector.broadcast %add3A_541 : i32 to vector<16xi32>
      %add3A_543 = arith.addi %broadcast_in_dim3A_537, %add3A_542 : vector<16xi32>
      %broadcast_in_dim3A_544 = arith.constant 8 : i32
      %broadcast_in_dim3A_545 = vector.broadcast %broadcast_in_dim3A_544 : i32 to vector<16xi32>
      %mul3A_546 = arith.constant 4 : i32
      %mul3A_547 = arith.muli %mul3A_546, %arg0 : i32
      %add3A_548 = arith.constant 1 : i32
      %add3A_549 = arith.addi %mul3A_547, %add3A_548 : i32
      %add3A_550 = vector.broadcast %add3A_549 : i32 to vector<16xi32>
      %add3A_551 = arith.addi %broadcast_in_dim3A_545, %add3A_550 : vector<16xi32>
      %gather3A_552 = tpu.vector_load_idx %arg12[%add3A_511, %add3A_543] : memref<128x16xf32, #tpu.memory_space<vmem>>[vector<16xi32>, vector<16xi32>], vector<16xf32>,
      %gather3A_553 = tpu.vector_load_idx %arg13[%add3A_511, %add3A_551] : memref<128x16xf32, #tpu.memory_space<vmem>>[vector<16xi32>, vector<16xi32>], vector<16xf32>,
      %add3A_554 = arith.addf %gather3A_552, %gather3A_553 : vector<16xf32>
      %exp3A_555 = math.exp %add3A_554 : vector<16xf32>
      %broadcast_in_dim3A_556 = arith.constant 1 : i32
      %broadcast_in_dim3A_557 = vector.broadcast %broadcast_in_dim3A_556 : i32 to vector<16xi32>
      tpu.vector_store_idx %arg15[%add3A_511, %broadcast_in_dim3A_557], %exp3A_555 : memref<128x4xf32, #tpu.memory_space<vmem>>[vector<16xi32>, vector<16xi32>], vector<16xf32>,
      %broadcast_in_dim3A_558 = arith.constant 65 : i32
      %broadcast_in_dim3A_559 = vector.broadcast %broadcast_in_dim3A_558 : i32 to vector<16xi32>
      tpu.vector_store_idx %arg16[%add3A_511, %broadcast_in_dim3A_559], %exp3A_555 : memref<128x72xf32, #tpu.memory_space<vmem>>[vector<16xi32>, vector<16xi32>], vector<16xf32>,
      %broadcast_in_dim3A_560 = arith.constant 0 : i32
      %broadcast_in_dim3A_561 = vector.broadcast %broadcast_in_dim3A_560 : i32 to vector<16xi32>
      %mul3A_562 = arith.constant 4 : i32
      %mul3A_563 = arith.muli %mul3A_562, %arg0 : i32
      %add3A_564 = arith.constant 2 : i32
      %add3A_565 = arith.addi %mul3A_563, %add3A_564 : i32
      %add3A_566 = vector.broadcast %add3A_565 : i32 to vector<16xi32>
      %add3A_567 = arith.addi %broadcast_in_dim3A_561, %add3A_566 : vector<16xi32>
      %broadcast_in_dim3A_568 = arith.constant 8 : i32
      %broadcast_in_dim3A_569 = vector.broadcast %broadcast_in_dim3A_568 : i32 to vector<16xi32>
      %mul3A_570 = arith.constant 4 : i32
      %mul3A_571 = arith.muli %mul3A_570, %arg0 : i32
      %add3A_572 = arith.constant 2 : i32
      %add3A_573 = arith.addi %mul3A_571, %add3A_572 : i32
      %add3A_574 = vector.broadcast %add3A_573 : i32 to vector<16xi32>
      %add3A_575 = arith.addi %broadcast_in_dim3A_569, %add3A_574 : vector<16xi32>
      %gather3A_576 = tpu.vector_load_idx %arg12[%add3A_511, %add3A_567] : memref<128x16xf32, #tpu.memory_space<vmem>>[vector<16xi32>, vector<16xi32>], vector<16xf32>,
      %gather3A_577 = tpu.vector_load_idx %arg13[%add3A_511, %add3A_575] : memref<128x16xf32, #tpu.memory_space<vmem>>[vector<16xi32>, vector<16xi32>], vector<16xf32>,
      %add3A_578 = arith.addf %gather3A_576, %gather3A_577 : vector<16xf32>
      %exp3A_579 = math.exp %add3A_578 : vector<16xf32>
      %broadcast_in_dim3A_580 = arith.constant 2 : i32
      %broadcast_in_dim3A_581 = vector.broadcast %broadcast_in_dim3A_580 : i32 to vector<16xi32>
      tpu.vector_store_idx %arg15[%add3A_511, %broadcast_in_dim3A_581], %exp3A_579 : memref<128x4xf32, #tpu.memory_space<vmem>>[vector<16xi32>, vector<16xi32>], vector<16xf32>,
      %broadcast_in_dim3A_582 = arith.constant 66 : i32
      %broadcast_in_dim3A_583 = vector.broadcast %broadcast_in_dim3A_582 : i32 to vector<16xi32>
      tpu.vector_store_idx %arg16[%add3A_511, %broadcast_in_dim3A_583], %exp3A_579 : memref<128x72xf32, #tpu.memory_space<vmem>>[vector<16xi32>, vector<16xi32>], vector<16xf32>,
      %broadcast_in_dim3A_584 = arith.constant 0 : i32
      %broadcast_in_dim3A_585 = vector.broadcast %broadcast_in_dim3A_584 : i32 to vector<16xi32>
      %mul3A_586 = arith.constant 4 : i32
      %mul3A_587 = arith.muli %mul3A_586, %arg0 : i32
      %add3A_588 = arith.constant 3 : i32
      %add3A_589 = arith.addi %mul3A_587, %add3A_588 : i32
      %add3A_590 = vector.broadcast %add3A_589 : i32 to vector<16xi32>
      %add3A_591 = arith.addi %broadcast_in_dim3A_585, %add3A_590 : vector<16xi32>
      %broadcast_in_dim3A_592 = arith.constant 8 : i32
      %broadcast_in_dim3A_593 = vector.broadcast %broadcast_in_dim3A_592 : i32 to vector<16xi32>
      %mul3A_594 = arith.constant 4 : i32
      %mul3A_595 = arith.muli %mul3A_594, %arg0 : i32
      %add3A_596 = arith.constant 3 : i32
      %add3A_597 = arith.addi %mul3A_595, %add3A_596 : i32
      %add3A_598 = vector.broadcast %add3A_597 : i32 to vector<16xi32>
      %add3A_599 = arith.addi %broadcast_in_dim3A_593, %add3A_598 : vector<16xi32>
      %gather3A_600 = tpu.vector_load_idx %arg12[%add3A_511, %add3A_591] : memref<128x16xf32, #tpu.memory_space<vmem>>[vector<16xi32>, vector<16xi32>], vector<16xf32>,
      %gather3A_601 = tpu.vector_load_idx %arg13[%add3A_511, %add3A_599] : memref<128x16xf32, #tpu.memory_space<vmem>>[vector<16xi32>, vector<16xi32>], vector<16xf32>,
      %add3A_602 = arith.addf %gather3A_600, %gather3A_601 : vector<16xf32>
      %exp3A_603 = math.exp %add3A_602 : vector<16xf32>
      %broadcast_in_dim3A_604 = arith.constant 3 : i32
      %broadcast_in_dim3A_605 = vector.broadcast %broadcast_in_dim3A_604 : i32 to vector<16xi32>
      tpu.vector_store_idx %arg15[%add3A_511, %broadcast_in_dim3A_605], %exp3A_603 : memref<128x4xf32, #tpu.memory_space<vmem>>[vector<16xi32>, vector<16xi32>], vector<16xf32>,
      %broadcast_in_dim3A_606 = arith.constant 67 : i32
      %broadcast_in_dim3A_607 = vector.broadcast %broadcast_in_dim3A_606 : i32 to vector<16xi32>
      tpu.vector_store_idx %arg16[%add3A_511, %broadcast_in_dim3A_607], %exp3A_603 : memref<128x72xf32, #tpu.memory_space<vmem>>[vector<16xi32>, vector<16xi32>], vector<16xf32>,
      %add3A_608 = arith.constant 64 : i32
      %add3A_609 = vector.broadcast %add3A_608 : i32 to vector<16xi32>
      %add3A_610 = arith.addi %add3A_609, %iota3A : vector<16xi32>
      %broadcast_in_dim3A_611 = arith.constant 0 : i32
      %broadcast_in_dim3A_612 = vector.broadcast %broadcast_in_dim3A_611 : i32 to vector<16xi32>
      %mul3A_613 = arith.constant 4 : i32
      %mul3A_614 = arith.muli %mul3A_613, %arg0 : i32
      %add3A_615 = arith.constant 0 : i32
      %add3A_616 = arith.addi %mul3A_614, %add3A_615 : i32
      %add3A_617 = vector.broadcast %add3A_616 : i32 to vector<16xi32>
      %add3A_618 = arith.addi %broadcast_in_dim3A_612, %add3A_617 : vector<16xi32>
      %broadcast_in_dim3A_619 = arith.constant 8 : i32
      %broadcast_in_dim3A_620 = vector.broadcast %broadcast_in_dim3A_619 : i32 to vector<16xi32>
      %mul3A_621 = arith.constant 4 : i32
      %mul3A_622 = arith.muli %mul3A_621, %arg0 : i32
      %add3A_623 = arith.constant 0 : i32
      %add3A_624 = arith.addi %mul3A_622, %add3A_623 : i32
      %add3A_625 = vector.broadcast %add3A_624 : i32 to vector<16xi32>
      %add3A_626 = arith.addi %broadcast_in_dim3A_620, %add3A_625 : vector<16xi32>
      %gather3A_627 = tpu.vector_load_idx %arg12[%add3A_610, %add3A_618] : memref<128x16xf32, #tpu.memory_space<vmem>>[vector<16xi32>, vector<16xi32>], vector<16xf32>,
      %gather3A_628 = tpu.vector_load_idx %arg13[%add3A_610, %add3A_626] : memref<128x16xf32, #tpu.memory_space<vmem>>[vector<16xi32>, vector<16xi32>], vector<16xf32>,
      %add3A_629 = arith.addf %gather3A_627, %gather3A_628 : vector<16xf32>
      %exp3A_630 = math.exp %add3A_629 : vector<16xf32>
      %broadcast_in_dim3A_631 = arith.constant 0 : i32
      %broadcast_in_dim3A_632 = vector.broadcast %broadcast_in_dim3A_631 : i32 to vector<16xi32>
      tpu.vector_store_idx %arg15[%add3A_610, %broadcast_in_dim3A_632], %exp3A_630 : memref<128x4xf32, #tpu.memory_space<vmem>>[vector<16xi32>, vector<16xi32>], vector<16xf32>,
      %broadcast_in_dim3A_633 = arith.constant 64 : i32
      %broadcast_in_dim3A_634 = vector.broadcast %broadcast_in_dim3A_633 : i32 to vector<16xi32>
      tpu.vector_store_idx %arg16[%add3A_610, %broadcast_in_dim3A_634], %exp3A_630 : memref<128x72xf32, #tpu.memory_space<vmem>>[vector<16xi32>, vector<16xi32>], vector<16xf32>,
      %broadcast_in_dim3A_635 = arith.constant 0 : i32
      %broadcast_in_dim3A_636 = vector.broadcast %broadcast_in_dim3A_635 : i32 to vector<16xi32>
      %mul3A_637 = arith.constant 4 : i32
      %mul3A_638 = arith.muli %mul3A_637, %arg0 : i32
      %add3A_639 = arith.constant 1 : i32
      %add3A_640 = arith.addi %mul3A_638, %add3A_639 : i32
      %add3A_641 = vector.broadcast %add3A_640 : i32 to vector<16xi32>
      %add3A_642 = arith.addi %broadcast_in_dim3A_636, %add3A_641 : vector<16xi32>
      %broadcast_in_dim3A_643 = arith.constant 8 : i32
      %broadcast_in_dim3A_644 = vector.broadcast %broadcast_in_dim3A_643 : i32 to vector<16xi32>
      %mul3A_645 = arith.constant 4 : i32
      %mul3A_646 = arith.muli %mul3A_645, %arg0 : i32
      %add3A_647 = arith.constant 1 : i32
      %add3A_648 = arith.addi %mul3A_646, %add3A_647 : i32
      %add3A_649 = vector.broadcast %add3A_648 : i32 to vector<16xi32>
      %add3A_650 = arith.addi %broadcast_in_dim3A_644, %add3A_649 : vector<16xi32>
      %gather3A_651 = tpu.vector_load_idx %arg12[%add3A_610, %add3A_642] : memref<128x16xf32, #tpu.memory_space<vmem>>[vector<16xi32>, vector<16xi32>], vector<16xf32>,
      %gather3A_652 = tpu.vector_load_idx %arg13[%add3A_610, %add3A_650] : memref<128x16xf32, #tpu.memory_space<vmem>>[vector<16xi32>, vector<16xi32>], vector<16xf32>,
      %add3A_653 = arith.addf %gather3A_651, %gather3A_652 : vector<16xf32>
      %exp3A_654 = math.exp %add3A_653 : vector<16xf32>
      %broadcast_in_dim3A_655 = arith.constant 1 : i32
      %broadcast_in_dim3A_656 = vector.broadcast %broadcast_in_dim3A_655 : i32 to vector<16xi32>
      tpu.vector_store_idx %arg15[%add3A_610, %broadcast_in_dim3A_656], %exp3A_654 : memref<128x4xf32, #tpu.memory_space<vmem>>[vector<16xi32>, vector<16xi32>], vector<16xf32>,
      %broadcast_in_dim3A_657 = arith.constant 65 : i32
      %broadcast_in_dim3A_658 = vector.broadcast %broadcast_in_dim3A_657 : i32 to vector<16xi32>
      tpu.vector_store_idx %arg16[%add3A_610, %broadcast_in_dim3A_658], %exp3A_654 : memref<128x72xf32, #tpu.memory_space<vmem>>[vector<16xi32>, vector<16xi32>], vector<16xf32>,
      %broadcast_in_dim3A_659 = arith.constant 0 : i32
      %broadcast_in_dim3A_660 = vector.broadcast %broadcast_in_dim3A_659 : i32 to vector<16xi32>
      %mul3A_661 = arith.constant 4 : i32
      %mul3A_662 = arith.muli %mul3A_661, %arg0 : i32
      %add3A_663 = arith.constant 2 : i32
      %add3A_664 = arith.addi %mul3A_662, %add3A_663 : i32
      %add3A_665 = vector.broadcast %add3A_664 : i32 to vector<16xi32>
      %add3A_666 = arith.addi %broadcast_in_dim3A_660, %add3A_665 : vector<16xi32>
      %broadcast_in_dim3A_667 = arith.constant 8 : i32
      %broadcast_in_dim3A_668 = vector.broadcast %broadcast_in_dim3A_667 : i32 to vector<16xi32>
      %mul3A_669 = arith.constant 4 : i32
      %mul3A_670 = arith.muli %mul3A_669, %arg0 : i32
      %add3A_671 = arith.constant 2 : i32
      %add3A_672 = arith.addi %mul3A_670, %add3A_671 : i32
      %add3A_673 = vector.broadcast %add3A_672 : i32 to vector<16xi32>
      %add3A_674 = arith.addi %broadcast_in_dim3A_668, %add3A_673 : vector<16xi32>
      %gather3A_675 = tpu.vector_load_idx %arg12[%add3A_610, %add3A_666] : memref<128x16xf32, #tpu.memory_space<vmem>>[vector<16xi32>, vector<16xi32>], vector<16xf32>,
      %gather3A_676 = tpu.vector_load_idx %arg13[%add3A_610, %add3A_674] : memref<128x16xf32, #tpu.memory_space<vmem>>[vector<16xi32>, vector<16xi32>], vector<16xf32>,
      %add3A_677 = arith.addf %gather3A_675, %gather3A_676 : vector<16xf32>
      %exp3A_678 = math.exp %add3A_677 : vector<16xf32>
      %broadcast_in_dim3A_679 = arith.constant 2 : i32
      %broadcast_in_dim3A_680 = vector.broadcast %broadcast_in_dim3A_679 : i32 to vector<16xi32>
      tpu.vector_store_idx %arg15[%add3A_610, %broadcast_in_dim3A_680], %exp3A_678 : memref<128x4xf32, #tpu.memory_space<vmem>>[vector<16xi32>, vector<16xi32>], vector<16xf32>,
      %broadcast_in_dim3A_681 = arith.constant 66 : i32
      %broadcast_in_dim3A_682 = vector.broadcast %broadcast_in_dim3A_681 : i32 to vector<16xi32>
      tpu.vector_store_idx %arg16[%add3A_610, %broadcast_in_dim3A_682], %exp3A_678 : memref<128x72xf32, #tpu.memory_space<vmem>>[vector<16xi32>, vector<16xi32>], vector<16xf32>,
      %broadcast_in_dim3A_683 = arith.constant 0 : i32
      %broadcast_in_dim3A_684 = vector.broadcast %broadcast_in_dim3A_683 : i32 to vector<16xi32>
      %mul3A_685 = arith.constant 4 : i32
      %mul3A_686 = arith.muli %mul3A_685, %arg0 : i32
      %add3A_687 = arith.constant 3 : i32
      %add3A_688 = arith.addi %mul3A_686, %add3A_687 : i32
      %add3A_689 = vector.broadcast %add3A_688 : i32 to vector<16xi32>
      %add3A_690 = arith.addi %broadcast_in_dim3A_684, %add3A_689 : vector<16xi32>
      %broadcast_in_dim3A_691 = arith.constant 8 : i32
      %broadcast_in_dim3A_692 = vector.broadcast %broadcast_in_dim3A_691 : i32 to vector<16xi32>
      %mul3A_693 = arith.constant 4 : i32
      %mul3A_694 = arith.muli %mul3A_693, %arg0 : i32
      %add3A_695 = arith.constant 3 : i32
      %add3A_696 = arith.addi %mul3A_694, %add3A_695 : i32
      %add3A_697 = vector.broadcast %add3A_696 : i32 to vector<16xi32>
      %add3A_698 = arith.addi %broadcast_in_dim3A_692, %add3A_697 : vector<16xi32>
      %gather3A_699 = tpu.vector_load_idx %arg12[%add3A_610, %add3A_690] : memref<128x16xf32, #tpu.memory_space<vmem>>[vector<16xi32>, vector<16xi32>], vector<16xf32>,
      %gather3A_700 = tpu.vector_load_idx %arg13[%add3A_610, %add3A_698] : memref<128x16xf32, #tpu.memory_space<vmem>>[vector<16xi32>, vector<16xi32>], vector<16xf32>,
      %add3A_701 = arith.addf %gather3A_699, %gather3A_700 : vector<16xf32>
      %exp3A_702 = math.exp %add3A_701 : vector<16xf32>
      %broadcast_in_dim3A_703 = arith.constant 3 : i32
      %broadcast_in_dim3A_704 = vector.broadcast %broadcast_in_dim3A_703 : i32 to vector<16xi32>
      tpu.vector_store_idx %arg15[%add3A_610, %broadcast_in_dim3A_704], %exp3A_702 : memref<128x4xf32, #tpu.memory_space<vmem>>[vector<16xi32>, vector<16xi32>], vector<16xf32>,
      %broadcast_in_dim3A_705 = arith.constant 67 : i32
      %broadcast_in_dim3A_706 = vector.broadcast %broadcast_in_dim3A_705 : i32 to vector<16xi32>
      tpu.vector_store_idx %arg16[%add3A_610, %broadcast_in_dim3A_706], %exp3A_702 : memref<128x72xf32, #tpu.memory_space<vmem>>[vector<16xi32>, vector<16xi32>], vector<16xf32>,
      %add3A_707 = arith.constant 80 : i32
      %add3A_708 = vector.broadcast %add3A_707 : i32 to vector<16xi32>
      %add3A_709 = arith.addi %add3A_708, %iota3A : vector<16xi32>
      %broadcast_in_dim3A_710 = arith.constant 0 : i32
      %broadcast_in_dim3A_711 = vector.broadcast %broadcast_in_dim3A_710 : i32 to vector<16xi32>
      %mul3A_712 = arith.constant 4 : i32
      %mul3A_713 = arith.muli %mul3A_712, %arg0 : i32
      %add3A_714 = arith.constant 0 : i32
      %add3A_715 = arith.addi %mul3A_713, %add3A_714 : i32
      %add3A_716 = vector.broadcast %add3A_715 : i32 to vector<16xi32>
      %add3A_717 = arith.addi %broadcast_in_dim3A_711, %add3A_716 : vector<16xi32>
      %broadcast_in_dim3A_718 = arith.constant 8 : i32
      %broadcast_in_dim3A_719 = vector.broadcast %broadcast_in_dim3A_718 : i32 to vector<16xi32>
      %mul3A_720 = arith.constant 4 : i32
      %mul3A_721 = arith.muli %mul3A_720, %arg0 : i32
      %add3A_722 = arith.constant 0 : i32
      %add3A_723 = arith.addi %mul3A_721, %add3A_722 : i32
      %add3A_724 = vector.broadcast %add3A_723 : i32 to vector<16xi32>
      %add3A_725 = arith.addi %broadcast_in_dim3A_719, %add3A_724 : vector<16xi32>
      %gather3A_726 = tpu.vector_load_idx %arg12[%add3A_709, %add3A_717] : memref<128x16xf32, #tpu.memory_space<vmem>>[vector<16xi32>, vector<16xi32>], vector<16xf32>,
      %gather3A_727 = tpu.vector_load_idx %arg13[%add3A_709, %add3A_725] : memref<128x16xf32, #tpu.memory_space<vmem>>[vector<16xi32>, vector<16xi32>], vector<16xf32>,
      %add3A_728 = arith.addf %gather3A_726, %gather3A_727 : vector<16xf32>
      %exp3A_729 = math.exp %add3A_728 : vector<16xf32>
      %broadcast_in_dim3A_730 = arith.constant 0 : i32
      %broadcast_in_dim3A_731 = vector.broadcast %broadcast_in_dim3A_730 : i32 to vector<16xi32>
      tpu.vector_store_idx %arg15[%add3A_709, %broadcast_in_dim3A_731], %exp3A_729 : memref<128x4xf32, #tpu.memory_space<vmem>>[vector<16xi32>, vector<16xi32>], vector<16xf32>,
      %broadcast_in_dim3A_732 = arith.constant 64 : i32
      %broadcast_in_dim3A_733 = vector.broadcast %broadcast_in_dim3A_732 : i32 to vector<16xi32>
      tpu.vector_store_idx %arg16[%add3A_709, %broadcast_in_dim3A_733], %exp3A_729 : memref<128x72xf32, #tpu.memory_space<vmem>>[vector<16xi32>, vector<16xi32>], vector<16xf32>,
      %broadcast_in_dim3A_734 = arith.constant 0 : i32
      %broadcast_in_dim3A_735 = vector.broadcast %broadcast_in_dim3A_734 : i32 to vector<16xi32>
      %mul3A_736 = arith.constant 4 : i32
      %mul3A_737 = arith.muli %mul3A_736, %arg0 : i32
      %add3A_738 = arith.constant 1 : i32
      %add3A_739 = arith.addi %mul3A_737, %add3A_738 : i32
      %add3A_740 = vector.broadcast %add3A_739 : i32 to vector<16xi32>
      %add3A_741 = arith.addi %broadcast_in_dim3A_735, %add3A_740 : vector<16xi32>
      %broadcast_in_dim3A_742 = arith.constant 8 : i32
      %broadcast_in_dim3A_743 = vector.broadcast %broadcast_in_dim3A_742 : i32 to vector<16xi32>
      %mul3A_744 = arith.constant 4 : i32
      %mul3A_745 = arith.muli %mul3A_744, %arg0 : i32
      %add3A_746 = arith.constant 1 : i32
      %add3A_747 = arith.addi %mul3A_745, %add3A_746 : i32
      %add3A_748 = vector.broadcast %add3A_747 : i32 to vector<16xi32>
      %add3A_749 = arith.addi %broadcast_in_dim3A_743, %add3A_748 : vector<16xi32>
      %gather3A_750 = tpu.vector_load_idx %arg12[%add3A_709, %add3A_741] : memref<128x16xf32, #tpu.memory_space<vmem>>[vector<16xi32>, vector<16xi32>], vector<16xf32>,
      %gather3A_751 = tpu.vector_load_idx %arg13[%add3A_709, %add3A_749] : memref<128x16xf32, #tpu.memory_space<vmem>>[vector<16xi32>, vector<16xi32>], vector<16xf32>,
      %add3A_752 = arith.addf %gather3A_750, %gather3A_751 : vector<16xf32>
      %exp3A_753 = math.exp %add3A_752 : vector<16xf32>
      %broadcast_in_dim3A_754 = arith.constant 1 : i32
      %broadcast_in_dim3A_755 = vector.broadcast %broadcast_in_dim3A_754 : i32 to vector<16xi32>
      tpu.vector_store_idx %arg15[%add3A_709, %broadcast_in_dim3A_755], %exp3A_753 : memref<128x4xf32, #tpu.memory_space<vmem>>[vector<16xi32>, vector<16xi32>], vector<16xf32>,
      %broadcast_in_dim3A_756 = arith.constant 65 : i32
      %broadcast_in_dim3A_757 = vector.broadcast %broadcast_in_dim3A_756 : i32 to vector<16xi32>
      tpu.vector_store_idx %arg16[%add3A_709, %broadcast_in_dim3A_757], %exp3A_753 : memref<128x72xf32, #tpu.memory_space<vmem>>[vector<16xi32>, vector<16xi32>], vector<16xf32>,
      %broadcast_in_dim3A_758 = arith.constant 0 : i32
      %broadcast_in_dim3A_759 = vector.broadcast %broadcast_in_dim3A_758 : i32 to vector<16xi32>
      %mul3A_760 = arith.constant 4 : i32
      %mul3A_761 = arith.muli %mul3A_760, %arg0 : i32
      %add3A_762 = arith.constant 2 : i32
      %add3A_763 = arith.addi %mul3A_761, %add3A_762 : i32
      %add3A_764 = vector.broadcast %add3A_763 : i32 to vector<16xi32>
      %add3A_765 = arith.addi %broadcast_in_dim3A_759, %add3A_764 : vector<16xi32>
      %broadcast_in_dim3A_766 = arith.constant 8 : i32
      %broadcast_in_dim3A_767 = vector.broadcast %broadcast_in_dim3A_766 : i32 to vector<16xi32>
      %mul3A_768 = arith.constant 4 : i32
      %mul3A_769 = arith.muli %mul3A_768, %arg0 : i32
      %add3A_770 = arith.constant 2 : i32
      %add3A_771 = arith.addi %mul3A_769, %add3A_770 : i32
      %add3A_772 = vector.broadcast %add3A_771 : i32 to vector<16xi32>
      %add3A_773 = arith.addi %broadcast_in_dim3A_767, %add3A_772 : vector<16xi32>
      %gather3A_774 = tpu.vector_load_idx %arg12[%add3A_709, %add3A_765] : memref<128x16xf32, #tpu.memory_space<vmem>>[vector<16xi32>, vector<16xi32>], vector<16xf32>,
      %gather3A_775 = tpu.vector_load_idx %arg13[%add3A_709, %add3A_773] : memref<128x16xf32, #tpu.memory_space<vmem>>[vector<16xi32>, vector<16xi32>], vector<16xf32>,
      %add3A_776 = arith.addf %gather3A_774, %gather3A_775 : vector<16xf32>
      %exp3A_777 = math.exp %add3A_776 : vector<16xf32>
      %broadcast_in_dim3A_778 = arith.constant 2 : i32
      %broadcast_in_dim3A_779 = vector.broadcast %broadcast_in_dim3A_778 : i32 to vector<16xi32>
      tpu.vector_store_idx %arg15[%add3A_709, %broadcast_in_dim3A_779], %exp3A_777 : memref<128x4xf32, #tpu.memory_space<vmem>>[vector<16xi32>, vector<16xi32>], vector<16xf32>,
      %broadcast_in_dim3A_780 = arith.constant 66 : i32
      %broadcast_in_dim3A_781 = vector.broadcast %broadcast_in_dim3A_780 : i32 to vector<16xi32>
      tpu.vector_store_idx %arg16[%add3A_709, %broadcast_in_dim3A_781], %exp3A_777 : memref<128x72xf32, #tpu.memory_space<vmem>>[vector<16xi32>, vector<16xi32>], vector<16xf32>,
      %broadcast_in_dim3A_782 = arith.constant 0 : i32
      %broadcast_in_dim3A_783 = vector.broadcast %broadcast_in_dim3A_782 : i32 to vector<16xi32>
      %mul3A_784 = arith.constant 4 : i32
      %mul3A_785 = arith.muli %mul3A_784, %arg0 : i32
      %add3A_786 = arith.constant 3 : i32
      %add3A_787 = arith.addi %mul3A_785, %add3A_786 : i32
      %add3A_788 = vector.broadcast %add3A_787 : i32 to vector<16xi32>
      %add3A_789 = arith.addi %broadcast_in_dim3A_783, %add3A_788 : vector<16xi32>
      %broadcast_in_dim3A_790 = arith.constant 8 : i32
      %broadcast_in_dim3A_791 = vector.broadcast %broadcast_in_dim3A_790 : i32 to vector<16xi32>
      %mul3A_792 = arith.constant 4 : i32
      %mul3A_793 = arith.muli %mul3A_792, %arg0 : i32
      %add3A_794 = arith.constant 3 : i32
      %add3A_795 = arith.addi %mul3A_793, %add3A_794 : i32
      %add3A_796 = vector.broadcast %add3A_795 : i32 to vector<16xi32>
      %add3A_797 = arith.addi %broadcast_in_dim3A_791, %add3A_796 : vector<16xi32>
      %gather3A_798 = tpu.vector_load_idx %arg12[%add3A_709, %add3A_789] : memref<128x16xf32, #tpu.memory_space<vmem>>[vector<16xi32>, vector<16xi32>], vector<16xf32>,
      %gather3A_799 = tpu.vector_load_idx %arg13[%add3A_709, %add3A_797] : memref<128x16xf32, #tpu.memory_space<vmem>>[vector<16xi32>, vector<16xi32>], vector<16xf32>,
      %add3A_800 = arith.addf %gather3A_798, %gather3A_799 : vector<16xf32>
      %exp3A_801 = math.exp %add3A_800 : vector<16xf32>
      %broadcast_in_dim3A_802 = arith.constant 3 : i32
      %broadcast_in_dim3A_803 = vector.broadcast %broadcast_in_dim3A_802 : i32 to vector<16xi32>
      tpu.vector_store_idx %arg15[%add3A_709, %broadcast_in_dim3A_803], %exp3A_801 : memref<128x4xf32, #tpu.memory_space<vmem>>[vector<16xi32>, vector<16xi32>], vector<16xf32>,
      %broadcast_in_dim3A_804 = arith.constant 67 : i32
      %broadcast_in_dim3A_805 = vector.broadcast %broadcast_in_dim3A_804 : i32 to vector<16xi32>
      tpu.vector_store_idx %arg16[%add3A_709, %broadcast_in_dim3A_805], %exp3A_801 : memref<128x72xf32, #tpu.memory_space<vmem>>[vector<16xi32>, vector<16xi32>], vector<16xf32>,
      %add3A_806 = arith.constant 96 : i32
      %add3A_807 = vector.broadcast %add3A_806 : i32 to vector<16xi32>
      %add3A_808 = arith.addi %add3A_807, %iota3A : vector<16xi32>
      %broadcast_in_dim3A_809 = arith.constant 0 : i32
      %broadcast_in_dim3A_810 = vector.broadcast %broadcast_in_dim3A_809 : i32 to vector<16xi32>
      %mul3A_811 = arith.constant 4 : i32
      %mul3A_812 = arith.muli %mul3A_811, %arg0 : i32
      %add3A_813 = arith.constant 0 : i32
      %add3A_814 = arith.addi %mul3A_812, %add3A_813 : i32
      %add3A_815 = vector.broadcast %add3A_814 : i32 to vector<16xi32>
      %add3A_816 = arith.addi %broadcast_in_dim3A_810, %add3A_815 : vector<16xi32>
      %broadcast_in_dim3A_817 = arith.constant 8 : i32
      %broadcast_in_dim3A_818 = vector.broadcast %broadcast_in_dim3A_817 : i32 to vector<16xi32>
      %mul3A_819 = arith.constant 4 : i32
      %mul3A_820 = arith.muli %mul3A_819, %arg0 : i32
      %add3A_821 = arith.constant 0 : i32
      %add3A_822 = arith.addi %mul3A_820, %add3A_821 : i32
      %add3A_823 = vector.broadcast %add3A_822 : i32 to vector<16xi32>
      %add3A_824 = arith.addi %broadcast_in_dim3A_818, %add3A_823 : vector<16xi32>
      %gather3A_825 = tpu.vector_load_idx %arg12[%add3A_808, %add3A_816] : memref<128x16xf32, #tpu.memory_space<vmem>>[vector<16xi32>, vector<16xi32>], vector<16xf32>,
      %gather3A_826 = tpu.vector_load_idx %arg13[%add3A_808, %add3A_824] : memref<128x16xf32, #tpu.memory_space<vmem>>[vector<16xi32>, vector<16xi32>], vector<16xf32>,
      %add3A_827 = arith.addf %gather3A_825, %gather3A_826 : vector<16xf32>
      %exp3A_828 = math.exp %add3A_827 : vector<16xf32>
      %broadcast_in_dim3A_829 = arith.constant 0 : i32
      %broadcast_in_dim3A_830 = vector.broadcast %broadcast_in_dim3A_829 : i32 to vector<16xi32>
      tpu.vector_store_idx %arg15[%add3A_808, %broadcast_in_dim3A_830], %exp3A_828 : memref<128x4xf32, #tpu.memory_space<vmem>>[vector<16xi32>, vector<16xi32>], vector<16xf32>,
      %broadcast_in_dim3A_831 = arith.constant 64 : i32
      %broadcast_in_dim3A_832 = vector.broadcast %broadcast_in_dim3A_831 : i32 to vector<16xi32>
      tpu.vector_store_idx %arg16[%add3A_808, %broadcast_in_dim3A_832], %exp3A_828 : memref<128x72xf32, #tpu.memory_space<vmem>>[vector<16xi32>, vector<16xi32>], vector<16xf32>,
      %broadcast_in_dim3A_833 = arith.constant 0 : i32
      %broadcast_in_dim3A_834 = vector.broadcast %broadcast_in_dim3A_833 : i32 to vector<16xi32>
      %mul3A_835 = arith.constant 4 : i32
      %mul3A_836 = arith.muli %mul3A_835, %arg0 : i32
      %add3A_837 = arith.constant 1 : i32
      %add3A_838 = arith.addi %mul3A_836, %add3A_837 : i32
      %add3A_839 = vector.broadcast %add3A_838 : i32 to vector<16xi32>
      %add3A_840 = arith.addi %broadcast_in_dim3A_834, %add3A_839 : vector<16xi32>
      %broadcast_in_dim3A_841 = arith.constant 8 : i32
      %broadcast_in_dim3A_842 = vector.broadcast %broadcast_in_dim3A_841 : i32 to vector<16xi32>
      %mul3A_843 = arith.constant 4 : i32
      %mul3A_844 = arith.muli %mul3A_843, %arg0 : i32
      %add3A_845 = arith.constant 1 : i32
      %add3A_846 = arith.addi %mul3A_844, %add3A_845 : i32
      %add3A_847 = vector.broadcast %add3A_846 : i32 to vector<16xi32>
      %add3A_848 = arith.addi %broadcast_in_dim3A_842, %add3A_847 : vector<16xi32>
      %gather3A_849 = tpu.vector_load_idx %arg12[%add3A_808, %add3A_840] : memref<128x16xf32, #tpu.memory_space<vmem>>[vector<16xi32>, vector<16xi32>], vector<16xf32>,
      %gather3A_850 = tpu.vector_load_idx %arg13[%add3A_808, %add3A_848] : memref<128x16xf32, #tpu.memory_space<vmem>>[vector<16xi32>, vector<16xi32>], vector<16xf32>,
      %add3A_851 = arith.addf %gather3A_849, %gather3A_850 : vector<16xf32>
      %exp3A_852 = math.exp %add3A_851 : vector<16xf32>
      %broadcast_in_dim3A_853 = arith.constant 1 : i32
      %broadcast_in_dim3A_854 = vector.broadcast %broadcast_in_dim3A_853 : i32 to vector<16xi32>
      tpu.vector_store_idx %arg15[%add3A_808, %broadcast_in_dim3A_854], %exp3A_852 : memref<128x4xf32, #tpu.memory_space<vmem>>[vector<16xi32>, vector<16xi32>], vector<16xf32>,
      %broadcast_in_dim3A_855 = arith.constant 65 : i32
      %broadcast_in_dim3A_856 = vector.broadcast %broadcast_in_dim3A_855 : i32 to vector<16xi32>
      tpu.vector_store_idx %arg16[%add3A_808, %broadcast_in_dim3A_856], %exp3A_852 : memref<128x72xf32, #tpu.memory_space<vmem>>[vector<16xi32>, vector<16xi32>], vector<16xf32>,
      %broadcast_in_dim3A_857 = arith.constant 0 : i32
      %broadcast_in_dim3A_858 = vector.broadcast %broadcast_in_dim3A_857 : i32 to vector<16xi32>
      %mul3A_859 = arith.constant 4 : i32
      %mul3A_860 = arith.muli %mul3A_859, %arg0 : i32
      %add3A_861 = arith.constant 2 : i32
      %add3A_862 = arith.addi %mul3A_860, %add3A_861 : i32
      %add3A_863 = vector.broadcast %add3A_862 : i32 to vector<16xi32>
      %add3A_864 = arith.addi %broadcast_in_dim3A_858, %add3A_863 : vector<16xi32>
      %broadcast_in_dim3A_865 = arith.constant 8 : i32
      %broadcast_in_dim3A_866 = vector.broadcast %broadcast_in_dim3A_865 : i32 to vector<16xi32>
      %mul3A_867 = arith.constant 4 : i32
      %mul3A_868 = arith.muli %mul3A_867, %arg0 : i32
      %add3A_869 = arith.constant 2 : i32
      %add3A_870 = arith.addi %mul3A_868, %add3A_869 : i32
      %add3A_871 = vector.broadcast %add3A_870 : i32 to vector<16xi32>
      %add3A_872 = arith.addi %broadcast_in_dim3A_866, %add3A_871 : vector<16xi32>
      %gather3A_873 = tpu.vector_load_idx %arg12[%add3A_808, %add3A_864] : memref<128x16xf32, #tpu.memory_space<vmem>>[vector<16xi32>, vector<16xi32>], vector<16xf32>,
      %gather3A_874 = tpu.vector_load_idx %arg13[%add3A_808, %add3A_872] : memref<128x16xf32, #tpu.memory_space<vmem>>[vector<16xi32>, vector<16xi32>], vector<16xf32>,
      %add3A_875 = arith.addf %gather3A_873, %gather3A_874 : vector<16xf32>
      %exp3A_876 = math.exp %add3A_875 : vector<16xf32>
      %broadcast_in_dim3A_877 = arith.constant 2 : i32
      %broadcast_in_dim3A_878 = vector.broadcast %broadcast_in_dim3A_877 : i32 to vector<16xi32>
      tpu.vector_store_idx %arg15[%add3A_808, %broadcast_in_dim3A_878], %exp3A_876 : memref<128x4xf32, #tpu.memory_space<vmem>>[vector<16xi32>, vector<16xi32>], vector<16xf32>,
      %broadcast_in_dim3A_879 = arith.constant 66 : i32
      %broadcast_in_dim3A_880 = vector.broadcast %broadcast_in_dim3A_879 : i32 to vector<16xi32>
      tpu.vector_store_idx %arg16[%add3A_808, %broadcast_in_dim3A_880], %exp3A_876 : memref<128x72xf32, #tpu.memory_space<vmem>>[vector<16xi32>, vector<16xi32>], vector<16xf32>,
      %broadcast_in_dim3A_881 = arith.constant 0 : i32
      %broadcast_in_dim3A_882 = vector.broadcast %broadcast_in_dim3A_881 : i32 to vector<16xi32>
      %mul3A_883 = arith.constant 4 : i32
      %mul3A_884 = arith.muli %mul3A_883, %arg0 : i32
      %add3A_885 = arith.constant 3 : i32
      %add3A_886 = arith.addi %mul3A_884, %add3A_885 : i32
      %add3A_887 = vector.broadcast %add3A_886 : i32 to vector<16xi32>
      %add3A_888 = arith.addi %broadcast_in_dim3A_882, %add3A_887 : vector<16xi32>
      %broadcast_in_dim3A_889 = arith.constant 8 : i32
      %broadcast_in_dim3A_890 = vector.broadcast %broadcast_in_dim3A_889 : i32 to vector<16xi32>
      %mul3A_891 = arith.constant 4 : i32
      %mul3A_892 = arith.muli %mul3A_891, %arg0 : i32
      %add3A_893 = arith.constant 3 : i32
      %add3A_894 = arith.addi %mul3A_892, %add3A_893 : i32
      %add3A_895 = vector.broadcast %add3A_894 : i32 to vector<16xi32>
      %add3A_896 = arith.addi %broadcast_in_dim3A_890, %add3A_895 : vector<16xi32>
      %gather3A_897 = tpu.vector_load_idx %arg12[%add3A_808, %add3A_888] : memref<128x16xf32, #tpu.memory_space<vmem>>[vector<16xi32>, vector<16xi32>], vector<16xf32>,
      %gather3A_898 = tpu.vector_load_idx %arg13[%add3A_808, %add3A_896] : memref<128x16xf32, #tpu.memory_space<vmem>>[vector<16xi32>, vector<16xi32>], vector<16xf32>,
      %add3A_899 = arith.addf %gather3A_897, %gather3A_898 : vector<16xf32>
      %exp3A_900 = math.exp %add3A_899 : vector<16xf32>
      %broadcast_in_dim3A_901 = arith.constant 3 : i32
      %broadcast_in_dim3A_902 = vector.broadcast %broadcast_in_dim3A_901 : i32 to vector<16xi32>
      tpu.vector_store_idx %arg15[%add3A_808, %broadcast_in_dim3A_902], %exp3A_900 : memref<128x4xf32, #tpu.memory_space<vmem>>[vector<16xi32>, vector<16xi32>], vector<16xf32>,
      %broadcast_in_dim3A_903 = arith.constant 67 : i32
      %broadcast_in_dim3A_904 = vector.broadcast %broadcast_in_dim3A_903 : i32 to vector<16xi32>
      tpu.vector_store_idx %arg16[%add3A_808, %broadcast_in_dim3A_904], %exp3A_900 : memref<128x72xf32, #tpu.memory_space<vmem>>[vector<16xi32>, vector<16xi32>], vector<16xf32>,
      %add3A_905 = arith.constant 112 : i32
      %add3A_906 = vector.broadcast %add3A_905 : i32 to vector<16xi32>
      %add3A_907 = arith.addi %add3A_906, %iota3A : vector<16xi32>
      %broadcast_in_dim3A_908 = arith.constant 0 : i32
      %broadcast_in_dim3A_909 = vector.broadcast %broadcast_in_dim3A_908 : i32 to vector<16xi32>
      %mul3A_910 = arith.constant 4 : i32
      %mul3A_911 = arith.muli %mul3A_910, %arg0 : i32
      %add3A_912 = arith.constant 0 : i32
      %add3A_913 = arith.addi %mul3A_911, %add3A_912 : i32
      %add3A_914 = vector.broadcast %add3A_913 : i32 to vector<16xi32>
      %add3A_915 = arith.addi %broadcast_in_dim3A_909, %add3A_914 : vector<16xi32>
      %broadcast_in_dim3A_916 = arith.constant 8 : i32
      %broadcast_in_dim3A_917 = vector.broadcast %broadcast_in_dim3A_916 : i32 to vector<16xi32>
      %mul3A_918 = arith.constant 4 : i32
      %mul3A_919 = arith.muli %mul3A_918, %arg0 : i32
      %add3A_920 = arith.constant 0 : i32
      %add3A_921 = arith.addi %mul3A_919, %add3A_920 : i32
      %add3A_922 = vector.broadcast %add3A_921 : i32 to vector<16xi32>
      %add3A_923 = arith.addi %broadcast_in_dim3A_917, %add3A_922 : vector<16xi32>
      %gather3A_924 = tpu.vector_load_idx %arg12[%add3A_907, %add3A_915] : memref<128x16xf32, #tpu.memory_space<vmem>>[vector<16xi32>, vector<16xi32>], vector<16xf32>,
      %gather3A_925 = tpu.vector_load_idx %arg13[%add3A_907, %add3A_923] : memref<128x16xf32, #tpu.memory_space<vmem>>[vector<16xi32>, vector<16xi32>], vector<16xf32>,
      %add3A_926 = arith.addf %gather3A_924, %gather3A_925 : vector<16xf32>
      %exp3A_927 = math.exp %add3A_926 : vector<16xf32>
      %broadcast_in_dim3A_928 = arith.constant 0 : i32
      %broadcast_in_dim3A_929 = vector.broadcast %broadcast_in_dim3A_928 : i32 to vector<16xi32>
      tpu.vector_store_idx %arg15[%add3A_907, %broadcast_in_dim3A_929], %exp3A_927 : memref<128x4xf32, #tpu.memory_space<vmem>>[vector<16xi32>, vector<16xi32>], vector<16xf32>,
      %broadcast_in_dim3A_930 = arith.constant 64 : i32
      %broadcast_in_dim3A_931 = vector.broadcast %broadcast_in_dim3A_930 : i32 to vector<16xi32>
      tpu.vector_store_idx %arg16[%add3A_907, %broadcast_in_dim3A_931], %exp3A_927 : memref<128x72xf32, #tpu.memory_space<vmem>>[vector<16xi32>, vector<16xi32>], vector<16xf32>,
      %broadcast_in_dim3A_932 = arith.constant 0 : i32
      %broadcast_in_dim3A_933 = vector.broadcast %broadcast_in_dim3A_932 : i32 to vector<16xi32>
      %mul3A_934 = arith.constant 4 : i32
      %mul3A_935 = arith.muli %mul3A_934, %arg0 : i32
      %add3A_936 = arith.constant 1 : i32
      %add3A_937 = arith.addi %mul3A_935, %add3A_936 : i32
      %add3A_938 = vector.broadcast %add3A_937 : i32 to vector<16xi32>
      %add3A_939 = arith.addi %broadcast_in_dim3A_933, %add3A_938 : vector<16xi32>
      %broadcast_in_dim3A_940 = arith.constant 8 : i32
      %broadcast_in_dim3A_941 = vector.broadcast %broadcast_in_dim3A_940 : i32 to vector<16xi32>
      %mul3A_942 = arith.constant 4 : i32
      %mul3A_943 = arith.muli %mul3A_942, %arg0 : i32
      %add3A_944 = arith.constant 1 : i32
      %add3A_945 = arith.addi %mul3A_943, %add3A_944 : i32
      %add3A_946 = vector.broadcast %add3A_945 : i32 to vector<16xi32>
      %add3A_947 = arith.addi %broadcast_in_dim3A_941, %add3A_946 : vector<16xi32>
      %gather3A_948 = tpu.vector_load_idx %arg12[%add3A_907, %add3A_939] : memref<128x16xf32, #tpu.memory_space<vmem>>[vector<16xi32>, vector<16xi32>], vector<16xf32>,
      %gather3A_949 = tpu.vector_load_idx %arg13[%add3A_907, %add3A_947] : memref<128x16xf32, #tpu.memory_space<vmem>>[vector<16xi32>, vector<16xi32>], vector<16xf32>,
      %add3A_950 = arith.addf %gather3A_948, %gather3A_949 : vector<16xf32>
      %exp3A_951 = math.exp %add3A_950 : vector<16xf32>
      %broadcast_in_dim3A_952 = arith.constant 1 : i32
      %broadcast_in_dim3A_953 = vector.broadcast %broadcast_in_dim3A_952 : i32 to vector<16xi32>
      tpu.vector_store_idx %arg15[%add3A_907, %broadcast_in_dim3A_953], %exp3A_951 : memref<128x4xf32, #tpu.memory_space<vmem>>[vector<16xi32>, vector<16xi32>], vector<16xf32>,
      %broadcast_in_dim3A_954 = arith.constant 65 : i32
      %broadcast_in_dim3A_955 = vector.broadcast %broadcast_in_dim3A_954 : i32 to vector<16xi32>
      tpu.vector_store_idx %arg16[%add3A_907, %broadcast_in_dim3A_955], %exp3A_951 : memref<128x72xf32, #tpu.memory_space<vmem>>[vector<16xi32>, vector<16xi32>], vector<16xf32>,
      %broadcast_in_dim3A_956 = arith.constant 0 : i32
      %broadcast_in_dim3A_957 = vector.broadcast %broadcast_in_dim3A_956 : i32 to vector<16xi32>
      %mul3A_958 = arith.constant 4 : i32
      %mul3A_959 = arith.muli %mul3A_958, %arg0 : i32
      %add3A_960 = arith.constant 2 : i32
      %add3A_961 = arith.addi %mul3A_959, %add3A_960 : i32
      %add3A_962 = vector.broadcast %add3A_961 : i32 to vector<16xi32>
      %add3A_963 = arith.addi %broadcast_in_dim3A_957, %add3A_962 : vector<16xi32>
      %broadcast_in_dim3A_964 = arith.constant 8 : i32
      %broadcast_in_dim3A_965 = vector.broadcast %broadcast_in_dim3A_964 : i32 to vector<16xi32>
      %mul3A_966 = arith.constant 4 : i32
      %mul3A_967 = arith.muli %mul3A_966, %arg0 : i32
      %add3A_968 = arith.constant 2 : i32
      %add3A_969 = arith.addi %mul3A_967, %add3A_968 : i32
      %add3A_970 = vector.broadcast %add3A_969 : i32 to vector<16xi32>
      %add3A_971 = arith.addi %broadcast_in_dim3A_965, %add3A_970 : vector<16xi32>
      %gather3A_972 = tpu.vector_load_idx %arg12[%add3A_907, %add3A_963] : memref<128x16xf32, #tpu.memory_space<vmem>>[vector<16xi32>, vector<16xi32>], vector<16xf32>,
      %gather3A_973 = tpu.vector_load_idx %arg13[%add3A_907, %add3A_971] : memref<128x16xf32, #tpu.memory_space<vmem>>[vector<16xi32>, vector<16xi32>], vector<16xf32>,
      %add3A_974 = arith.addf %gather3A_972, %gather3A_973 : vector<16xf32>
      %exp3A_975 = math.exp %add3A_974 : vector<16xf32>
      %broadcast_in_dim3A_976 = arith.constant 2 : i32
      %broadcast_in_dim3A_977 = vector.broadcast %broadcast_in_dim3A_976 : i32 to vector<16xi32>
      tpu.vector_store_idx %arg15[%add3A_907, %broadcast_in_dim3A_977], %exp3A_975 : memref<128x4xf32, #tpu.memory_space<vmem>>[vector<16xi32>, vector<16xi32>], vector<16xf32>,
      %broadcast_in_dim3A_978 = arith.constant 66 : i32
      %broadcast_in_dim3A_979 = vector.broadcast %broadcast_in_dim3A_978 : i32 to vector<16xi32>
      tpu.vector_store_idx %arg16[%add3A_907, %broadcast_in_dim3A_979], %exp3A_975 : memref<128x72xf32, #tpu.memory_space<vmem>>[vector<16xi32>, vector<16xi32>], vector<16xf32>,
      %broadcast_in_dim3A_980 = arith.constant 0 : i32
      %broadcast_in_dim3A_981 = vector.broadcast %broadcast_in_dim3A_980 : i32 to vector<16xi32>
      %mul3A_982 = arith.constant 4 : i32
      %mul3A_983 = arith.muli %mul3A_982, %arg0 : i32
      %add3A_984 = arith.constant 3 : i32
      %add3A_985 = arith.addi %mul3A_983, %add3A_984 : i32
      %add3A_986 = vector.broadcast %add3A_985 : i32 to vector<16xi32>
      %add3A_987 = arith.addi %broadcast_in_dim3A_981, %add3A_986 : vector<16xi32>
      %broadcast_in_dim3A_988 = arith.constant 8 : i32
      %broadcast_in_dim3A_989 = vector.broadcast %broadcast_in_dim3A_988 : i32 to vector<16xi32>
      %mul3A_990 = arith.constant 4 : i32
      %mul3A_991 = arith.muli %mul3A_990, %arg0 : i32
      %add3A_992 = arith.constant 3 : i32
      %add3A_993 = arith.addi %mul3A_991, %add3A_992 : i32
      %add3A_994 = vector.broadcast %add3A_993 : i32 to vector<16xi32>
      %add3A_995 = arith.addi %broadcast_in_dim3A_989, %add3A_994 : vector<16xi32>
      %gather3A_996 = tpu.vector_load_idx %arg12[%add3A_907, %add3A_987] : memref<128x16xf32, #tpu.memory_space<vmem>>[vector<16xi32>, vector<16xi32>], vector<16xf32>,
      %gather3A_997 = tpu.vector_load_idx %arg13[%add3A_907, %add3A_995] : memref<128x16xf32, #tpu.memory_space<vmem>>[vector<16xi32>, vector<16xi32>], vector<16xf32>,
      %add3A_998 = arith.addf %gather3A_996, %gather3A_997 : vector<16xf32>
      %exp3A_999 = math.exp %add3A_998 : vector<16xf32>
      %broadcast_in_dim3A_1000 = arith.constant 3 : i32
      %broadcast_in_dim3A_1001 = vector.broadcast %broadcast_in_dim3A_1000 : i32 to vector<16xi32>
      tpu.vector_store_idx %arg15[%add3A_907, %broadcast_in_dim3A_1001], %exp3A_999 : memref<128x4xf32, #tpu.memory_space<vmem>>[vector<16xi32>, vector<16xi32>], vector<16xf32>,
      %broadcast_in_dim3A_1002 = arith.constant 67 : i32
      %broadcast_in_dim3A_1003 = vector.broadcast %broadcast_in_dim3A_1002 : i32 to vector<16xi32>
      tpu.vector_store_idx %arg16[%add3A_907, %broadcast_in_dim3A_1003], %exp3A_999 : memref<128x72xf32, #tpu.memory_space<vmem>>[vector<16xi32>, vector<16xi32>], vector<16xf32>,
      %dma_wait3A_1004 = arith.constant 0 : i32
      %dma_wait3A_1005 = arith.constant 0 : i32
      %dma_wait3A_1006 = tpu.memref_slice %arg5[%dma_wait3A_1004, %dma_wait3A_1005] : memref<20000x64xf32, #tpu.memory_space<hbm>> -> memref<20000x64xf32, #tpu.memory_space<hbm>>
      tpu.wait_indirect_dma semaphore(%arg21 : memref<!tpu.dma_semaphore, #tpu.memory_space<semaphore_mem>>) src(%dma_wait3A_1006 : memref<20000x64xf32, #tpu.memory_space<hbm>>) dst(%arg14 : memref<128x64xf32, #tpu.memory_space<vmem>>)
      %scan3A_1007 = arith.constant 0 : i32
      %scan3A_1008 = arith.constant 0 : i32
      %scan3A_1009 = arith.constant 128 : i32
      %scan3A_1010 = arith.addi %scan3A_1008, %scan3A_1009 : i32
      %scan3A_1011 = arith.constant 1 : i32
      scf.for %scan3A_1013 = %scan3A_1008 to %scan3A_1010 step %scan3A_1011  : i32 {
        %broadcast_in_dim3A_1014 = vector.broadcast %scan3A_1013 : i32 to vector<16xi32>
        %broadcast_in_dim3A_1015 = arith.constant 0 : i32
        %broadcast_in_dim3A_1016 = vector.broadcast %broadcast_in_dim3A_1015 : i32 to vector<16xi32>
        %gather3A_1017 = tpu.vector_load_idx %arg15[%broadcast_in_dim3A_1014, %broadcast_in_dim3A_1016] : memref<128x4xf32, #tpu.memory_space<vmem>>[vector<16xi32>, vector<16xi32>], vector<16xf32>,
        %get3A_1018 = arith.index_cast %scan3A_1013 : i32 to index
        %get3A_1019 = arith.constant 0 : index
        %get3A_1020 = tpu.vector_load %arg14[%get3A_1018, %get3A_1019] {strides = array<i32>} : memref<128x64xf32, #tpu.memory_space<vmem>>, vector<16xf32>,
        %mul3A_1021 = arith.mulf %get3A_1020, %gather3A_1017 : vector<16xf32>
        %swap3A_1022 = arith.index_cast %scan3A_1013 : i32 to index
        %swap3A_1023 = arith.constant 0 : index
        %swap3A_1024 = tpu.vector_load %arg16[%swap3A_1022, %swap3A_1023] {strides = array<i32>} : memref<128x72xf32, #tpu.memory_space<vmem>>, vector<16xf32>,
        tpu.vector_store %arg16[%swap3A_1022, %swap3A_1023], %mul3A_1021 {strides = array<i32>} : memref<128x72xf32, #tpu.memory_space<vmem>>, vector<16xf32>,
        %broadcast_in_dim3A_1025 = vector.broadcast %scan3A_1013 : i32 to vector<16xi32>
        %broadcast_in_dim3A_1026 = arith.constant 1 : i32
        %broadcast_in_dim3A_1027 = vector.broadcast %broadcast_in_dim3A_1026 : i32 to vector<16xi32>
        %gather3A_1028 = tpu.vector_load_idx %arg15[%broadcast_in_dim3A_1025, %broadcast_in_dim3A_1027] : memref<128x4xf32, #tpu.memory_space<vmem>>[vector<16xi32>, vector<16xi32>], vector<16xf32>,
        %get3A_1029 = arith.index_cast %scan3A_1013 : i32 to index
        %get3A_1030 = arith.constant 16 : index
        %get3A_1031 = tpu.vector_load %arg14[%get3A_1029, %get3A_1030] {strides = array<i32>} : memref<128x64xf32, #tpu.memory_space<vmem>>, vector<16xf32>,
        %mul3A_1032 = arith.mulf %get3A_1031, %gather3A_1028 : vector<16xf32>
        %swap3A_1033 = arith.index_cast %scan3A_1013 : i32 to index
        %swap3A_1034 = arith.constant 16 : index
        %swap3A_1035 = tpu.vector_load %arg16[%swap3A_1033, %swap3A_1034] {strides = array<i32>} : memref<128x72xf32, #tpu.memory_space<vmem>>, vector<16xf32>,
        tpu.vector_store %arg16[%swap3A_1033, %swap3A_1034], %mul3A_1032 {strides = array<i32>} : memref<128x72xf32, #tpu.memory_space<vmem>>, vector<16xf32>,
        %broadcast_in_dim3A_1036 = vector.broadcast %scan3A_1013 : i32 to vector<16xi32>
        %broadcast_in_dim3A_1037 = arith.constant 2 : i32
        %broadcast_in_dim3A_1038 = vector.broadcast %broadcast_in_dim3A_1037 : i32 to vector<16xi32>
        %gather3A_1039 = tpu.vector_load_idx %arg15[%broadcast_in_dim3A_1036, %broadcast_in_dim3A_1038] : memref<128x4xf32, #tpu.memory_space<vmem>>[vector<16xi32>, vector<16xi32>], vector<16xf32>,
        %get3A_1040 = arith.index_cast %scan3A_1013 : i32 to index
        %get3A_1041 = arith.constant 32 : index
        %get3A_1042 = tpu.vector_load %arg14[%get3A_1040, %get3A_1041] {strides = array<i32>} : memref<128x64xf32, #tpu.memory_space<vmem>>, vector<16xf32>,
        %mul3A_1043 = arith.mulf %get3A_1042, %gather3A_1039 : vector<16xf32>
        %swap3A_1044 = arith.index_cast %scan3A_1013 : i32 to index
        %swap3A_1045 = arith.constant 32 : index
        %swap3A_1046 = tpu.vector_load %arg16[%swap3A_1044, %swap3A_1045] {strides = array<i32>} : memref<128x72xf32, #tpu.memory_space<vmem>>, vector<16xf32>,
        tpu.vector_store %arg16[%swap3A_1044, %swap3A_1045], %mul3A_1043 {strides = array<i32>} : memref<128x72xf32, #tpu.memory_space<vmem>>, vector<16xf32>,
        %broadcast_in_dim3A_1047 = vector.broadcast %scan3A_1013 : i32 to vector<16xi32>
        %broadcast_in_dim3A_1048 = arith.constant 3 : i32
        %broadcast_in_dim3A_1049 = vector.broadcast %broadcast_in_dim3A_1048 : i32 to vector<16xi32>
        %gather3A_1050 = tpu.vector_load_idx %arg15[%broadcast_in_dim3A_1047, %broadcast_in_dim3A_1049] : memref<128x4xf32, #tpu.memory_space<vmem>>[vector<16xi32>, vector<16xi32>], vector<16xf32>,
        %get3A_1051 = arith.index_cast %scan3A_1013 : i32 to index
        %get3A_1052 = arith.constant 48 : index
        %get3A_1053 = tpu.vector_load %arg14[%get3A_1051, %get3A_1052] {strides = array<i32>} : memref<128x64xf32, #tpu.memory_space<vmem>>, vector<16xf32>,
        %mul3A_1054 = arith.mulf %get3A_1053, %gather3A_1050 : vector<16xf32>
        %swap3A_1055 = arith.index_cast %scan3A_1013 : i32 to index
        %swap3A_1056 = arith.constant 48 : index
        %swap3A_1057 = tpu.vector_load %arg16[%swap3A_1055, %swap3A_1056] {strides = array<i32>} : memref<128x72xf32, #tpu.memory_space<vmem>>, vector<16xf32>,
        tpu.vector_store %arg16[%swap3A_1055, %swap3A_1056], %mul3A_1054 {strides = array<i32>} : memref<128x72xf32, #tpu.memory_space<vmem>>, vector<16xf32>,
      }
      %scan3A_1012 = arith.constant 128 : i32
      "tpu.region"() ({
        %run_scoped3A = tpu.sem_alloc : memref<!tpu.dma_semaphore, #tpu.memory_space<semaphore_mem>>
        %dma_start3A_1013 = arith.constant 0 : i32
        %dma_start3A_1014 = arith.constant 0 : i32
        %dma_start3A_1015 = tpu.memref_slice %arg8[%dma_start3A_1013, %dma_start3A_1014] : memref<10000x72xf32, #tpu.memory_space<vmem_shared>> -> memref<10000x72xf32, #tpu.memory_space<vmem_shared>>
        tpu.enqueue_indirect_dma source(%arg16 : memref<128x72xf32, #tpu.memory_space<vmem>>) target(%dma_start3A_1015 : memref<10000x72xf32, #tpu.memory_space<vmem_shared>>) offsets(%arg10 : memref<128xi32, #tpu.memory_space<vmem>>) semaphore(%run_scoped3A : memref<!tpu.dma_semaphore, #tpu.memory_space<semaphore_mem>>) {add = true}
        %dma_wait3A_1016 = arith.constant 0 : i32
        %dma_wait3A_1017 = arith.constant 0 : i32
        %dma_wait3A_1018 = tpu.memref_slice %arg8[%dma_wait3A_1016, %dma_wait3A_1017] : memref<10000x72xf32, #tpu.memory_space<vmem_shared>> -> memref<10000x72xf32, #tpu.memory_space<vmem_shared>>
        tpu.wait_indirect_dma semaphore(%run_scoped3A : memref<!tpu.dma_semaphore, #tpu.memory_space<semaphore_mem>>) src(%arg16 : memref<128x72xf32, #tpu.memory_space<vmem>>) dst(%dma_wait3A_1018 : memref<10000x72xf32, #tpu.memory_space<vmem_shared>>)
        tpu.yield
      }) : () -> ()
    }
    %while3A_121 = arith.constant 1 : i32
    scf.for %while3A_133 = %while3A_119 to %while3A_115 step %while3A_121  : i32 {
      %mul3A_134 = arith.constant 16 : i32
      %mul3A_135 = arith.muli %while3A_133, %mul3A_134 : i32
      %add3A_136 = arith.addi %arg1, %mul3A_135 : i32
      %mul3A_137 = arith.constant 128 : i32
      %mul3A_138 = arith.muli %add3A_136, %mul3A_137 : i32
      "tpu.region"() ({
        %run_scoped3A = tpu.sem_alloc : memref<!tpu.dma_semaphore, #tpu.memory_space<semaphore_mem>>
        %dma_start3A_1013 = tpu.memref_slice %arg3[%mul3A_138] : memref<320000xi32, #tpu.memory_space<hbm>> -> memref<128xi32, #tpu.memory_space<hbm>>
        %dma_start3A_1014 = tpu.memref_slice %arg3[%mul3A_138] : memref<320000xi32, #tpu.memory_space<hbm>> -> memref<128xi32, #tpu.memory_space<hbm>>
        tpu.enqueue_dma source(%dma_start3A_1014 : memref<128xi32, #tpu.memory_space<hbm>>) target(%arg9 : memref<128xi32, #tpu.memory_space<vmem>>) target_semaphore(%run_scoped3A : memref<!tpu.dma_semaphore, #tpu.memory_space<semaphore_mem>>)
        %dma_wait3A_1015 = tpu.memref_slice %arg3[%mul3A_138] : memref<320000xi32, #tpu.memory_space<hbm>> -> memref<128xi32, #tpu.memory_space<hbm>>
        %dma_wait3A_1016 = tpu.memref_slice %arg3[%mul3A_138] : memref<320000xi32, #tpu.memory_space<hbm>> -> memref<128xi32, #tpu.memory_space<hbm>>
        tpu.wait_dma2 semaphore(%run_scoped3A : memref<!tpu.dma_semaphore, #tpu.memory_space<semaphore_mem>>) src(%dma_wait3A_1016 : memref<128xi32, #tpu.memory_space<hbm>>) dst(%arg9 : memref<128xi32, #tpu.memory_space<vmem>>)
        tpu.yield
      }) : () -> ()
      "tpu.region"() ({
        %run_scoped3A = tpu.sem_alloc : memref<!tpu.dma_semaphore, #tpu.memory_space<semaphore_mem>>
        %dma_start3A_1013 = tpu.memref_slice %arg2[%mul3A_138] : memref<320000xi32, #tpu.memory_space<hbm>> -> memref<128xi32, #tpu.memory_space<hbm>>
        %dma_start3A_1014 = tpu.memref_slice %arg2[%mul3A_138] : memref<320000xi32, #tpu.memory_space<hbm>> -> memref<128xi32, #tpu.memory_space<hbm>>
        tpu.enqueue_dma source(%dma_start3A_1014 : memref<128xi32, #tpu.memory_space<hbm>>) target(%arg10 : memref<128xi32, #tpu.memory_space<vmem>>) target_semaphore(%run_scoped3A : memref<!tpu.dma_semaphore, #tpu.memory_space<semaphore_mem>>)
        %dma_wait3A_1015 = tpu.memref_slice %arg2[%mul3A_138] : memref<320000xi32, #tpu.memory_space<hbm>> -> memref<128xi32, #tpu.memory_space<hbm>>
        %dma_wait3A_1016 = tpu.memref_slice %arg2[%mul3A_138] : memref<320000xi32, #tpu.memory_space<hbm>> -> memref<128xi32, #tpu.memory_space<hbm>>
        tpu.wait_dma2 semaphore(%run_scoped3A : memref<!tpu.dma_semaphore, #tpu.memory_space<semaphore_mem>>) src(%dma_wait3A_1016 : memref<128xi32, #tpu.memory_space<hbm>>) dst(%arg10 : memref<128xi32, #tpu.memory_space<vmem>>)
        tpu.yield
      }) : () -> ()
      %get3A = arith.constant 0 : index
      %get3A_139 = tpu.vector_load %arg9[%get3A] {strides = array<i32>} : memref<128xi32, #tpu.memory_space<vmem>>, vector<16xi32>,
      %mul3A_140 = arith.constant 10000 : i32
      %mul3A_141 = arith.muli %arg0, %mul3A_140 : i32
      %add3A_142 = vector.broadcast %mul3A_141 : i32 to vector<16xi32>
      %add3A_143 = arith.addi %get3A_139, %add3A_142 : vector<16xi32>
      %swap3A = arith.constant 0 : index
      %swap3A_144 = tpu.vector_load %arg11[%swap3A] {strides = array<i32>} : memref<128xi32, #tpu.memory_space<vmem>>, vector<16xi32>,
      tpu.vector_store %arg11[%swap3A], %add3A_143 {strides = array<i32>} : memref<128xi32, #tpu.memory_space<vmem>>, vector<16xi32>,
      %get3A_145 = arith.constant 16 : index
      %get3A_146 = tpu.vector_load %arg9[%get3A_145] {strides = array<i32>} : memref<128xi32, #tpu.memory_space<vmem>>, vector<16xi32>,
      %mul3A_147 = arith.constant 10000 : i32
      %mul3A_148 = arith.muli %arg0, %mul3A_147 : i32
      %add3A_149 = vector.broadcast %mul3A_148 : i32 to vector<16xi32>
      %add3A_150 = arith.addi %get3A_146, %add3A_149 : vector<16xi32>
      %swap3A_151 = arith.constant 16 : index
      %swap3A_152 = tpu.vector_load %arg11[%swap3A_151] {strides = array<i32>} : memref<128xi32, #tpu.memory_space<vmem>>, vector<16xi32>,
      tpu.vector_store %arg11[%swap3A_151], %add3A_150 {strides = array<i32>} : memref<128xi32, #tpu.memory_space<vmem>>, vector<16xi32>,
      %get3A_153 = arith.constant 32 : index
      %get3A_154 = tpu.vector_load %arg9[%get3A_153] {strides = array<i32>} : memref<128xi32, #tpu.memory_space<vmem>>, vector<16xi32>,
      %mul3A_155 = arith.constant 10000 : i32
      %mul3A_156 = arith.muli %arg0, %mul3A_155 : i32
      %add3A_157 = vector.broadcast %mul3A_156 : i32 to vector<16xi32>
      %add3A_158 = arith.addi %get3A_154, %add3A_157 : vector<16xi32>
      %swap3A_159 = arith.constant 32 : index
      %swap3A_160 = tpu.vector_load %arg11[%swap3A_159] {strides = array<i32>} : memref<128xi32, #tpu.memory_space<vmem>>, vector<16xi32>,
      tpu.vector_store %arg11[%swap3A_159], %add3A_158 {strides = array<i32>} : memref<128xi32, #tpu.memory_space<vmem>>, vector<16xi32>,
      %get3A_161 = arith.constant 48 : index
      %get3A_162 = tpu.vector_load %arg9[%get3A_161] {strides = array<i32>} : memref<128xi32, #tpu.memory_space<vmem>>, vector<16xi32>,
      %mul3A_163 = arith.constant 10000 : i32
      %mul3A_164 = arith.muli %arg0, %mul3A_163 : i32
      %add3A_165 = vector.broadcast %mul3A_164 : i32 to vector<16xi32>
      %add3A_166 = arith.addi %get3A_162, %add3A_165 : vector<16xi32>
      %swap3A_167 = arith.constant 48 : index
      %swap3A_168 = tpu.vector_load %arg11[%swap3A_167] {strides = array<i32>} : memref<128xi32, #tpu.memory_space<vmem>>, vector<16xi32>,
      tpu.vector_store %arg11[%swap3A_167], %add3A_166 {strides = array<i32>} : memref<128xi32, #tpu.memory_space<vmem>>, vector<16xi32>,
      %get3A_169 = arith.constant 64 : index
      %get3A_170 = tpu.vector_load %arg9[%get3A_169] {strides = array<i32>} : memref<128xi32, #tpu.memory_space<vmem>>, vector<16xi32>,
      %mul3A_171 = arith.constant 10000 : i32
      %mul3A_172 = arith.muli %arg0, %mul3A_171 : i32
      %add3A_173 = vector.broadcast %mul3A_172 : i32 to vector<16xi32>
      %add3A_174 = arith.addi %get3A_170, %add3A_173 : vector<16xi32>
      %swap3A_175 = arith.constant 64 : index
      %swap3A_176 = tpu.vector_load %arg11[%swap3A_175] {strides = array<i32>} : memref<128xi32, #tpu.memory_space<vmem>>, vector<16xi32>,
      tpu.vector_store %arg11[%swap3A_175], %add3A_174 {strides = array<i32>} : memref<128xi32, #tpu.memory_space<vmem>>, vector<16xi32>,
      %get3A_177 = arith.constant 80 : index
      %get3A_178 = tpu.vector_load %arg9[%get3A_177] {strides = array<i32>} : memref<128xi32, #tpu.memory_space<vmem>>, vector<16xi32>,
      %mul3A_179 = arith.constant 10000 : i32
      %mul3A_180 = arith.muli %arg0, %mul3A_179 : i32
      %add3A_181 = vector.broadcast %mul3A_180 : i32 to vector<16xi32>
      %add3A_182 = arith.addi %get3A_178, %add3A_181 : vector<16xi32>
      %swap3A_183 = arith.constant 80 : index
      %swap3A_184 = tpu.vector_load %arg11[%swap3A_183] {strides = array<i32>} : memref<128xi32, #tpu.memory_space<vmem>>, vector<16xi32>,
      tpu.vector_store %arg11[%swap3A_183], %add3A_182 {strides = array<i32>} : memref<128xi32, #tpu.memory_space<vmem>>, vector<16xi32>,
      %get3A_185 = arith.constant 96 : index
      %get3A_186 = tpu.vector_load %arg9[%get3A_185] {strides = array<i32>} : memref<128xi32, #tpu.memory_space<vmem>>, vector<16xi32>,
      %mul3A_187 = arith.constant 10000 : i32
      %mul3A_188 = arith.muli %arg0, %mul3A_187 : i32
      %add3A_189 = vector.broadcast %mul3A_188 : i32 to vector<16xi32>
      %add3A_190 = arith.addi %get3A_186, %add3A_189 : vector<16xi32>
      %swap3A_191 = arith.constant 96 : index
      %swap3A_192 = tpu.vector_load %arg11[%swap3A_191] {strides = array<i32>} : memref<128xi32, #tpu.memory_space<vmem>>, vector<16xi32>,
      tpu.vector_store %arg11[%swap3A_191], %add3A_190 {strides = array<i32>} : memref<128xi32, #tpu.memory_space<vmem>>, vector<16xi32>,
      %get3A_193 = arith.constant 112 : index
      %get3A_194 = tpu.vector_load %arg9[%get3A_193] {strides = array<i32>} : memref<128xi32, #tpu.memory_space<vmem>>, vector<16xi32>,
      %mul3A_195 = arith.constant 10000 : i32
      %mul3A_196 = arith.muli %arg0, %mul3A_195 : i32
      %add3A_197 = vector.broadcast %mul3A_196 : i32 to vector<16xi32>
      %add3A_198 = arith.addi %get3A_194, %add3A_197 : vector<16xi32>
      %swap3A_199 = arith.constant 112 : index
      %swap3A_200 = tpu.vector_load %arg11[%swap3A_199] {strides = array<i32>} : memref<128xi32, #tpu.memory_space<vmem>>, vector<16xi32>,
      tpu.vector_store %arg11[%swap3A_199], %add3A_198 {strides = array<i32>} : memref<128xi32, #tpu.memory_space<vmem>>, vector<16xi32>,
      %dma_start3A = arith.constant 0 : i32
      %dma_start3A_201 = arith.constant 0 : i32
      %dma_start3A_202 = tpu.memref_slice %arg4[%dma_start3A, %dma_start3A_201] : memref<10000x16xf32, #tpu.memory_space<hbm>> -> memref<10000x16xf32, #tpu.memory_space<hbm>>
      tpu.enqueue_indirect_dma source(%dma_start3A_202 : memref<10000x16xf32, #tpu.memory_space<hbm>>) target(%arg12 : memref<128x16xf32, #tpu.memory_space<vmem>>) offsets(%arg9 : memref<128xi32, #tpu.memory_space<vmem>>) semaphore(%arg19 : memref<!tpu.dma_semaphore, #tpu.memory_space<semaphore_mem>>)
      %dma_start3A_203 = arith.constant 0 : i32
      %dma_start3A_204 = arith.constant 0 : i32
      %dma_start3A_205 = tpu.memref_slice %arg4[%dma_start3A_203, %dma_start3A_204] : memref<10000x16xf32, #tpu.memory_space<hbm>> -> memref<10000x16xf32, #tpu.memory_space<hbm>>
      tpu.enqueue_indirect_dma source(%dma_start3A_205 : memref<10000x16xf32, #tpu.memory_space<hbm>>) target(%arg13 : memref<128x16xf32, #tpu.memory_space<vmem>>) offsets(%arg10 : memref<128xi32, #tpu.memory_space<vmem>>) semaphore(%arg20 : memref<!tpu.dma_semaphore, #tpu.memory_space<semaphore_mem>>)
      %dma_start3A_206 = arith.constant 0 : i32
      %dma_start3A_207 = arith.constant 0 : i32
      %dma_start3A_208 = tpu.memref_slice %arg5[%dma_start3A_206, %dma_start3A_207] : memref<20000x64xf32, #tpu.memory_space<hbm>> -> memref<20000x64xf32, #tpu.memory_space<hbm>>
      tpu.enqueue_indirect_dma source(%dma_start3A_208 : memref<20000x64xf32, #tpu.memory_space<hbm>>) target(%arg14 : memref<128x64xf32, #tpu.memory_space<vmem>>) offsets(%arg11 : memref<128xi32, #tpu.memory_space<vmem>>) semaphore(%arg21 : memref<!tpu.dma_semaphore, #tpu.memory_space<semaphore_mem>>)
      %dma_wait3A = arith.constant 0 : i32
      %dma_wait3A_209 = arith.constant 0 : i32
      %dma_wait3A_210 = tpu.memref_slice %arg4[%dma_wait3A, %dma_wait3A_209] : memref<10000x16xf32, #tpu.memory_space<hbm>> -> memref<10000x16xf32, #tpu.memory_space<hbm>>
      tpu.wait_indirect_dma semaphore(%arg19 : memref<!tpu.dma_semaphore, #tpu.memory_space<semaphore_mem>>) src(%dma_wait3A_210 : memref<10000x16xf32, #tpu.memory_space<hbm>>) dst(%arg12 : memref<128x16xf32, #tpu.memory_space<vmem>>)
      %dma_wait3A_211 = arith.constant 0 : i32
      %dma_wait3A_212 = arith.constant 0 : i32
      %dma_wait3A_213 = tpu.memref_slice %arg4[%dma_wait3A_211, %dma_wait3A_212] : memref<10000x16xf32, #tpu.memory_space<hbm>> -> memref<10000x16xf32, #tpu.memory_space<hbm>>
      tpu.wait_indirect_dma semaphore(%arg20 : memref<!tpu.dma_semaphore, #tpu.memory_space<semaphore_mem>>) src(%dma_wait3A_213 : memref<10000x16xf32, #tpu.memory_space<hbm>>) dst(%arg13 : memref<128x16xf32, #tpu.memory_space<vmem>>)
      %add3A_214 = arith.constant 0 : i32
      %add3A_215 = vector.broadcast %add3A_214 : i32 to vector<16xi32>
      %add3A_216 = arith.addi %add3A_215, %iota3A : vector<16xi32>
      %broadcast_in_dim3A_217 = arith.constant 0 : i32
      %broadcast_in_dim3A_218 = vector.broadcast %broadcast_in_dim3A_217 : i32 to vector<16xi32>
      %mul3A_219 = arith.constant 4 : i32
      %mul3A_220 = arith.muli %mul3A_219, %arg0 : i32
      %add3A_221 = arith.constant 0 : i32
      %add3A_222 = arith.addi %mul3A_220, %add3A_221 : i32
      %add3A_223 = vector.broadcast %add3A_222 : i32 to vector<16xi32>
      %add3A_224 = arith.addi %broadcast_in_dim3A_218, %add3A_223 : vector<16xi32>
      %broadcast_in_dim3A_225 = arith.constant 8 : i32
      %broadcast_in_dim3A_226 = vector.broadcast %broadcast_in_dim3A_225 : i32 to vector<16xi32>
      %mul3A_227 = arith.constant 4 : i32
      %mul3A_228 = arith.muli %mul3A_227, %arg0 : i32
      %add3A_229 = arith.constant 0 : i32
      %add3A_230 = arith.addi %mul3A_228, %add3A_229 : i32
      %add3A_231 = vector.broadcast %add3A_230 : i32 to vector<16xi32>
      %add3A_232 = arith.addi %broadcast_in_dim3A_226, %add3A_231 : vector<16xi32>
      %gather3A = tpu.vector_load_idx %arg12[%add3A_216, %add3A_224] : memref<128x16xf32, #tpu.memory_space<vmem>>[vector<16xi32>, vector<16xi32>], vector<16xf32>,
      %gather3A_233 = tpu.vector_load_idx %arg13[%add3A_216, %add3A_232] : memref<128x16xf32, #tpu.memory_space<vmem>>[vector<16xi32>, vector<16xi32>], vector<16xf32>,
      %add3A_234 = arith.addf %gather3A, %gather3A_233 : vector<16xf32>
      %exp3A = math.exp %add3A_234 : vector<16xf32>
      %broadcast_in_dim3A_235 = arith.constant 0 : i32
      %broadcast_in_dim3A_236 = vector.broadcast %broadcast_in_dim3A_235 : i32 to vector<16xi32>
      tpu.vector_store_idx %arg15[%add3A_216, %broadcast_in_dim3A_236], %exp3A : memref<128x4xf32, #tpu.memory_space<vmem>>[vector<16xi32>, vector<16xi32>], vector<16xf32>,
      %broadcast_in_dim3A_237 = arith.constant 64 : i32
      %broadcast_in_dim3A_238 = vector.broadcast %broadcast_in_dim3A_237 : i32 to vector<16xi32>
      tpu.vector_store_idx %arg16[%add3A_216, %broadcast_in_dim3A_238], %exp3A : memref<128x72xf32, #tpu.memory_space<vmem>>[vector<16xi32>, vector<16xi32>], vector<16xf32>,
      %broadcast_in_dim3A_239 = arith.constant 0 : i32
      %broadcast_in_dim3A_240 = vector.broadcast %broadcast_in_dim3A_239 : i32 to vector<16xi32>
      %mul3A_241 = arith.constant 4 : i32
      %mul3A_242 = arith.muli %mul3A_241, %arg0 : i32
      %add3A_243 = arith.constant 1 : i32
      %add3A_244 = arith.addi %mul3A_242, %add3A_243 : i32
      %add3A_245 = vector.broadcast %add3A_244 : i32 to vector<16xi32>
      %add3A_246 = arith.addi %broadcast_in_dim3A_240, %add3A_245 : vector<16xi32>
      %broadcast_in_dim3A_247 = arith.constant 8 : i32
      %broadcast_in_dim3A_248 = vector.broadcast %broadcast_in_dim3A_247 : i32 to vector<16xi32>
      %mul3A_249 = arith.constant 4 : i32
      %mul3A_250 = arith.muli %mul3A_249, %arg0 : i32
      %add3A_251 = arith.constant 1 : i32
      %add3A_252 = arith.addi %mul3A_250, %add3A_251 : i32
      %add3A_253 = vector.broadcast %add3A_252 : i32 to vector<16xi32>
      %add3A_254 = arith.addi %broadcast_in_dim3A_248, %add3A_253 : vector<16xi32>
      %gather3A_255 = tpu.vector_load_idx %arg12[%add3A_216, %add3A_246] : memref<128x16xf32, #tpu.memory_space<vmem>>[vector<16xi32>, vector<16xi32>], vector<16xf32>,
      %gather3A_256 = tpu.vector_load_idx %arg13[%add3A_216, %add3A_254] : memref<128x16xf32, #tpu.memory_space<vmem>>[vector<16xi32>, vector<16xi32>], vector<16xf32>,
      %add3A_257 = arith.addf %gather3A_255, %gather3A_256 : vector<16xf32>
      %exp3A_258 = math.exp %add3A_257 : vector<16xf32>
      %broadcast_in_dim3A_259 = arith.constant 1 : i32
      %broadcast_in_dim3A_260 = vector.broadcast %broadcast_in_dim3A_259 : i32 to vector<16xi32>
      tpu.vector_store_idx %arg15[%add3A_216, %broadcast_in_dim3A_260], %exp3A_258 : memref<128x4xf32, #tpu.memory_space<vmem>>[vector<16xi32>, vector<16xi32>], vector<16xf32>,
      %broadcast_in_dim3A_261 = arith.constant 65 : i32
      %broadcast_in_dim3A_262 = vector.broadcast %broadcast_in_dim3A_261 : i32 to vector<16xi32>
      tpu.vector_store_idx %arg16[%add3A_216, %broadcast_in_dim3A_262], %exp3A_258 : memref<128x72xf32, #tpu.memory_space<vmem>>[vector<16xi32>, vector<16xi32>], vector<16xf32>,
      %broadcast_in_dim3A_263 = arith.constant 0 : i32
      %broadcast_in_dim3A_264 = vector.broadcast %broadcast_in_dim3A_263 : i32 to vector<16xi32>
      %mul3A_265 = arith.constant 4 : i32
      %mul3A_266 = arith.muli %mul3A_265, %arg0 : i32
      %add3A_267 = arith.constant 2 : i32
      %add3A_268 = arith.addi %mul3A_266, %add3A_267 : i32
      %add3A_269 = vector.broadcast %add3A_268 : i32 to vector<16xi32>
      %add3A_270 = arith.addi %broadcast_in_dim3A_264, %add3A_269 : vector<16xi32>
      %broadcast_in_dim3A_271 = arith.constant 8 : i32
      %broadcast_in_dim3A_272 = vector.broadcast %broadcast_in_dim3A_271 : i32 to vector<16xi32>
      %mul3A_273 = arith.constant 4 : i32
      %mul3A_274 = arith.muli %mul3A_273, %arg0 : i32
      %add3A_275 = arith.constant 2 : i32
      %add3A_276 = arith.addi %mul3A_274, %add3A_275 : i32
      %add3A_277 = vector.broadcast %add3A_276 : i32 to vector<16xi32>
      %add3A_278 = arith.addi %broadcast_in_dim3A_272, %add3A_277 : vector<16xi32>
      %gather3A_279 = tpu.vector_load_idx %arg12[%add3A_216, %add3A_270] : memref<128x16xf32, #tpu.memory_space<vmem>>[vector<16xi32>, vector<16xi32>], vector<16xf32>,
      %gather3A_280 = tpu.vector_load_idx %arg13[%add3A_216, %add3A_278] : memref<128x16xf32, #tpu.memory_space<vmem>>[vector<16xi32>, vector<16xi32>], vector<16xf32>,
      %add3A_281 = arith.addf %gather3A_279, %gather3A_280 : vector<16xf32>
      %exp3A_282 = math.exp %add3A_281 : vector<16xf32>
      %broadcast_in_dim3A_283 = arith.constant 2 : i32
      %broadcast_in_dim3A_284 = vector.broadcast %broadcast_in_dim3A_283 : i32 to vector<16xi32>
      tpu.vector_store_idx %arg15[%add3A_216, %broadcast_in_dim3A_284], %exp3A_282 : memref<128x4xf32, #tpu.memory_space<vmem>>[vector<16xi32>, vector<16xi32>], vector<16xf32>,
      %broadcast_in_dim3A_285 = arith.constant 66 : i32
      %broadcast_in_dim3A_286 = vector.broadcast %broadcast_in_dim3A_285 : i32 to vector<16xi32>
      tpu.vector_store_idx %arg16[%add3A_216, %broadcast_in_dim3A_286], %exp3A_282 : memref<128x72xf32, #tpu.memory_space<vmem>>[vector<16xi32>, vector<16xi32>], vector<16xf32>,
      %broadcast_in_dim3A_287 = arith.constant 0 : i32
      %broadcast_in_dim3A_288 = vector.broadcast %broadcast_in_dim3A_287 : i32 to vector<16xi32>
      %mul3A_289 = arith.constant 4 : i32
      %mul3A_290 = arith.muli %mul3A_289, %arg0 : i32
      %add3A_291 = arith.constant 3 : i32
      %add3A_292 = arith.addi %mul3A_290, %add3A_291 : i32
      %add3A_293 = vector.broadcast %add3A_292 : i32 to vector<16xi32>
      %add3A_294 = arith.addi %broadcast_in_dim3A_288, %add3A_293 : vector<16xi32>
      %broadcast_in_dim3A_295 = arith.constant 8 : i32
      %broadcast_in_dim3A_296 = vector.broadcast %broadcast_in_dim3A_295 : i32 to vector<16xi32>
      %mul3A_297 = arith.constant 4 : i32
      %mul3A_298 = arith.muli %mul3A_297, %arg0 : i32
      %add3A_299 = arith.constant 3 : i32
      %add3A_300 = arith.addi %mul3A_298, %add3A_299 : i32
      %add3A_301 = vector.broadcast %add3A_300 : i32 to vector<16xi32>
      %add3A_302 = arith.addi %broadcast_in_dim3A_296, %add3A_301 : vector<16xi32>
      %gather3A_303 = tpu.vector_load_idx %arg12[%add3A_216, %add3A_294] : memref<128x16xf32, #tpu.memory_space<vmem>>[vector<16xi32>, vector<16xi32>], vector<16xf32>,
      %gather3A_304 = tpu.vector_load_idx %arg13[%add3A_216, %add3A_302] : memref<128x16xf32, #tpu.memory_space<vmem>>[vector<16xi32>, vector<16xi32>], vector<16xf32>,
      %add3A_305 = arith.addf %gather3A_303, %gather3A_304 : vector<16xf32>
      %exp3A_306 = math.exp %add3A_305 : vector<16xf32>
      %broadcast_in_dim3A_307 = arith.constant 3 : i32
      %broadcast_in_dim3A_308 = vector.broadcast %broadcast_in_dim3A_307 : i32 to vector<16xi32>
      tpu.vector_store_idx %arg15[%add3A_216, %broadcast_in_dim3A_308], %exp3A_306 : memref<128x4xf32, #tpu.memory_space<vmem>>[vector<16xi32>, vector<16xi32>], vector<16xf32>,
      %broadcast_in_dim3A_309 = arith.constant 67 : i32
      %broadcast_in_dim3A_310 = vector.broadcast %broadcast_in_dim3A_309 : i32 to vector<16xi32>
      tpu.vector_store_idx %arg16[%add3A_216, %broadcast_in_dim3A_310], %exp3A_306 : memref<128x72xf32, #tpu.memory_space<vmem>>[vector<16xi32>, vector<16xi32>], vector<16xf32>,
      %add3A_311 = arith.constant 16 : i32
      %add3A_312 = vector.broadcast %add3A_311 : i32 to vector<16xi32>
      %add3A_313 = arith.addi %add3A_312, %iota3A : vector<16xi32>
      %broadcast_in_dim3A_314 = arith.constant 0 : i32
      %broadcast_in_dim3A_315 = vector.broadcast %broadcast_in_dim3A_314 : i32 to vector<16xi32>
      %mul3A_316 = arith.constant 4 : i32
      %mul3A_317 = arith.muli %mul3A_316, %arg0 : i32
      %add3A_318 = arith.constant 0 : i32
      %add3A_319 = arith.addi %mul3A_317, %add3A_318 : i32
      %add3A_320 = vector.broadcast %add3A_319 : i32 to vector<16xi32>
      %add3A_321 = arith.addi %broadcast_in_dim3A_315, %add3A_320 : vector<16xi32>
      %broadcast_in_dim3A_322 = arith.constant 8 : i32
      %broadcast_in_dim3A_323 = vector.broadcast %broadcast_in_dim3A_322 : i32 to vector<16xi32>
      %mul3A_324 = arith.constant 4 : i32
      %mul3A_325 = arith.muli %mul3A_324, %arg0 : i32
      %add3A_326 = arith.constant 0 : i32
      %add3A_327 = arith.addi %mul3A_325, %add3A_326 : i32
      %add3A_328 = vector.broadcast %add3A_327 : i32 to vector<16xi32>
      %add3A_329 = arith.addi %broadcast_in_dim3A_323, %add3A_328 : vector<16xi32>
      %gather3A_330 = tpu.vector_load_idx %arg12[%add3A_313, %add3A_321] : memref<128x16xf32, #tpu.memory_space<vmem>>[vector<16xi32>, vector<16xi32>], vector<16xf32>,
      %gather3A_331 = tpu.vector_load_idx %arg13[%add3A_313, %add3A_329] : memref<128x16xf32, #tpu.memory_space<vmem>>[vector<16xi32>, vector<16xi32>], vector<16xf32>,
      %add3A_332 = arith.addf %gather3A_330, %gather3A_331 : vector<16xf32>
      %exp3A_333 = math.exp %add3A_332 : vector<16xf32>
      %broadcast_in_dim3A_334 = arith.constant 0 : i32
      %broadcast_in_dim3A_335 = vector.broadcast %broadcast_in_dim3A_334 : i32 to vector<16xi32>
      tpu.vector_store_idx %arg15[%add3A_313, %broadcast_in_dim3A_335], %exp3A_333 : memref<128x4xf32, #tpu.memory_space<vmem>>[vector<16xi32>, vector<16xi32>], vector<16xf32>,
      %broadcast_in_dim3A_336 = arith.constant 64 : i32
      %broadcast_in_dim3A_337 = vector.broadcast %broadcast_in_dim3A_336 : i32 to vector<16xi32>
      tpu.vector_store_idx %arg16[%add3A_313, %broadcast_in_dim3A_337], %exp3A_333 : memref<128x72xf32, #tpu.memory_space<vmem>>[vector<16xi32>, vector<16xi32>], vector<16xf32>,
      %broadcast_in_dim3A_338 = arith.constant 0 : i32
      %broadcast_in_dim3A_339 = vector.broadcast %broadcast_in_dim3A_338 : i32 to vector<16xi32>
      %mul3A_340 = arith.constant 4 : i32
      %mul3A_341 = arith.muli %mul3A_340, %arg0 : i32
      %add3A_342 = arith.constant 1 : i32
      %add3A_343 = arith.addi %mul3A_341, %add3A_342 : i32
      %add3A_344 = vector.broadcast %add3A_343 : i32 to vector<16xi32>
      %add3A_345 = arith.addi %broadcast_in_dim3A_339, %add3A_344 : vector<16xi32>
      %broadcast_in_dim3A_346 = arith.constant 8 : i32
      %broadcast_in_dim3A_347 = vector.broadcast %broadcast_in_dim3A_346 : i32 to vector<16xi32>
      %mul3A_348 = arith.constant 4 : i32
      %mul3A_349 = arith.muli %mul3A_348, %arg0 : i32
      %add3A_350 = arith.constant 1 : i32
      %add3A_351 = arith.addi %mul3A_349, %add3A_350 : i32
      %add3A_352 = vector.broadcast %add3A_351 : i32 to vector<16xi32>
      %add3A_353 = arith.addi %broadcast_in_dim3A_347, %add3A_352 : vector<16xi32>
      %gather3A_354 = tpu.vector_load_idx %arg12[%add3A_313, %add3A_345] : memref<128x16xf32, #tpu.memory_space<vmem>>[vector<16xi32>, vector<16xi32>], vector<16xf32>,
      %gather3A_355 = tpu.vector_load_idx %arg13[%add3A_313, %add3A_353] : memref<128x16xf32, #tpu.memory_space<vmem>>[vector<16xi32>, vector<16xi32>], vector<16xf32>,
      %add3A_356 = arith.addf %gather3A_354, %gather3A_355 : vector<16xf32>
      %exp3A_357 = math.exp %add3A_356 : vector<16xf32>
      %broadcast_in_dim3A_358 = arith.constant 1 : i32
      %broadcast_in_dim3A_359 = vector.broadcast %broadcast_in_dim3A_358 : i32 to vector<16xi32>
      tpu.vector_store_idx %arg15[%add3A_313, %broadcast_in_dim3A_359], %exp3A_357 : memref<128x4xf32, #tpu.memory_space<vmem>>[vector<16xi32>, vector<16xi32>], vector<16xf32>,
      %broadcast_in_dim3A_360 = arith.constant 65 : i32
      %broadcast_in_dim3A_361 = vector.broadcast %broadcast_in_dim3A_360 : i32 to vector<16xi32>
      tpu.vector_store_idx %arg16[%add3A_313, %broadcast_in_dim3A_361], %exp3A_357 : memref<128x72xf32, #tpu.memory_space<vmem>>[vector<16xi32>, vector<16xi32>], vector<16xf32>,
      %broadcast_in_dim3A_362 = arith.constant 0 : i32
      %broadcast_in_dim3A_363 = vector.broadcast %broadcast_in_dim3A_362 : i32 to vector<16xi32>
      %mul3A_364 = arith.constant 4 : i32
      %mul3A_365 = arith.muli %mul3A_364, %arg0 : i32
      %add3A_366 = arith.constant 2 : i32
      %add3A_367 = arith.addi %mul3A_365, %add3A_366 : i32
      %add3A_368 = vector.broadcast %add3A_367 : i32 to vector<16xi32>
      %add3A_369 = arith.addi %broadcast_in_dim3A_363, %add3A_368 : vector<16xi32>
      %broadcast_in_dim3A_370 = arith.constant 8 : i32
      %broadcast_in_dim3A_371 = vector.broadcast %broadcast_in_dim3A_370 : i32 to vector<16xi32>
      %mul3A_372 = arith.constant 4 : i32
      %mul3A_373 = arith.muli %mul3A_372, %arg0 : i32
      %add3A_374 = arith.constant 2 : i32
      %add3A_375 = arith.addi %mul3A_373, %add3A_374 : i32
      %add3A_376 = vector.broadcast %add3A_375 : i32 to vector<16xi32>
      %add3A_377 = arith.addi %broadcast_in_dim3A_371, %add3A_376 : vector<16xi32>
      %gather3A_378 = tpu.vector_load_idx %arg12[%add3A_313, %add3A_369] : memref<128x16xf32, #tpu.memory_space<vmem>>[vector<16xi32>, vector<16xi32>], vector<16xf32>,
      %gather3A_379 = tpu.vector_load_idx %arg13[%add3A_313, %add3A_377] : memref<128x16xf32, #tpu.memory_space<vmem>>[vector<16xi32>, vector<16xi32>], vector<16xf32>,
      %add3A_380 = arith.addf %gather3A_378, %gather3A_379 : vector<16xf32>
      %exp3A_381 = math.exp %add3A_380 : vector<16xf32>
      %broadcast_in_dim3A_382 = arith.constant 2 : i32
      %broadcast_in_dim3A_383 = vector.broadcast %broadcast_in_dim3A_382 : i32 to vector<16xi32>
      tpu.vector_store_idx %arg15[%add3A_313, %broadcast_in_dim3A_383], %exp3A_381 : memref<128x4xf32, #tpu.memory_space<vmem>>[vector<16xi32>, vector<16xi32>], vector<16xf32>,
      %broadcast_in_dim3A_384 = arith.constant 66 : i32
      %broadcast_in_dim3A_385 = vector.broadcast %broadcast_in_dim3A_384 : i32 to vector<16xi32>
      tpu.vector_store_idx %arg16[%add3A_313, %broadcast_in_dim3A_385], %exp3A_381 : memref<128x72xf32, #tpu.memory_space<vmem>>[vector<16xi32>, vector<16xi32>], vector<16xf32>,
      %broadcast_in_dim3A_386 = arith.constant 0 : i32
      %broadcast_in_dim3A_387 = vector.broadcast %broadcast_in_dim3A_386 : i32 to vector<16xi32>
      %mul3A_388 = arith.constant 4 : i32
      %mul3A_389 = arith.muli %mul3A_388, %arg0 : i32
      %add3A_390 = arith.constant 3 : i32
      %add3A_391 = arith.addi %mul3A_389, %add3A_390 : i32
      %add3A_392 = vector.broadcast %add3A_391 : i32 to vector<16xi32>
      %add3A_393 = arith.addi %broadcast_in_dim3A_387, %add3A_392 : vector<16xi32>
      %broadcast_in_dim3A_394 = arith.constant 8 : i32
      %broadcast_in_dim3A_395 = vector.broadcast %broadcast_in_dim3A_394 : i32 to vector<16xi32>
      %mul3A_396 = arith.constant 4 : i32
      %mul3A_397 = arith.muli %mul3A_396, %arg0 : i32
      %add3A_398 = arith.constant 3 : i32
      %add3A_399 = arith.addi %mul3A_397, %add3A_398 : i32
      %add3A_400 = vector.broadcast %add3A_399 : i32 to vector<16xi32>
      %add3A_401 = arith.addi %broadcast_in_dim3A_395, %add3A_400 : vector<16xi32>
      %gather3A_402 = tpu.vector_load_idx %arg12[%add3A_313, %add3A_393] : memref<128x16xf32, #tpu.memory_space<vmem>>[vector<16xi32>, vector<16xi32>], vector<16xf32>,
      %gather3A_403 = tpu.vector_load_idx %arg13[%add3A_313, %add3A_401] : memref<128x16xf32, #tpu.memory_space<vmem>>[vector<16xi32>, vector<16xi32>], vector<16xf32>,
      %add3A_404 = arith.addf %gather3A_402, %gather3A_403 : vector<16xf32>
      %exp3A_405 = math.exp %add3A_404 : vector<16xf32>
      %broadcast_in_dim3A_406 = arith.constant 3 : i32
      %broadcast_in_dim3A_407 = vector.broadcast %broadcast_in_dim3A_406 : i32 to vector<16xi32>
      tpu.vector_store_idx %arg15[%add3A_313, %broadcast_in_dim3A_407], %exp3A_405 : memref<128x4xf32, #tpu.memory_space<vmem>>[vector<16xi32>, vector<16xi32>], vector<16xf32>,
      %broadcast_in_dim3A_408 = arith.constant 67 : i32
      %broadcast_in_dim3A_409 = vector.broadcast %broadcast_in_dim3A_408 : i32 to vector<16xi32>
      tpu.vector_store_idx %arg16[%add3A_313, %broadcast_in_dim3A_409], %exp3A_405 : memref<128x72xf32, #tpu.memory_space<vmem>>[vector<16xi32>, vector<16xi32>], vector<16xf32>,
      %add3A_410 = arith.constant 32 : i32
      %add3A_411 = vector.broadcast %add3A_410 : i32 to vector<16xi32>
      %add3A_412 = arith.addi %add3A_411, %iota3A : vector<16xi32>
      %broadcast_in_dim3A_413 = arith.constant 0 : i32
      %broadcast_in_dim3A_414 = vector.broadcast %broadcast_in_dim3A_413 : i32 to vector<16xi32>
      %mul3A_415 = arith.constant 4 : i32
      %mul3A_416 = arith.muli %mul3A_415, %arg0 : i32
      %add3A_417 = arith.constant 0 : i32
      %add3A_418 = arith.addi %mul3A_416, %add3A_417 : i32
      %add3A_419 = vector.broadcast %add3A_418 : i32 to vector<16xi32>
      %add3A_420 = arith.addi %broadcast_in_dim3A_414, %add3A_419 : vector<16xi32>
      %broadcast_in_dim3A_421 = arith.constant 8 : i32
      %broadcast_in_dim3A_422 = vector.broadcast %broadcast_in_dim3A_421 : i32 to vector<16xi32>
      %mul3A_423 = arith.constant 4 : i32
      %mul3A_424 = arith.muli %mul3A_423, %arg0 : i32
      %add3A_425 = arith.constant 0 : i32
      %add3A_426 = arith.addi %mul3A_424, %add3A_425 : i32
      %add3A_427 = vector.broadcast %add3A_426 : i32 to vector<16xi32>
      %add3A_428 = arith.addi %broadcast_in_dim3A_422, %add3A_427 : vector<16xi32>
      %gather3A_429 = tpu.vector_load_idx %arg12[%add3A_412, %add3A_420] : memref<128x16xf32, #tpu.memory_space<vmem>>[vector<16xi32>, vector<16xi32>], vector<16xf32>,
      %gather3A_430 = tpu.vector_load_idx %arg13[%add3A_412, %add3A_428] : memref<128x16xf32, #tpu.memory_space<vmem>>[vector<16xi32>, vector<16xi32>], vector<16xf32>,
      %add3A_431 = arith.addf %gather3A_429, %gather3A_430 : vector<16xf32>
      %exp3A_432 = math.exp %add3A_431 : vector<16xf32>
      %broadcast_in_dim3A_433 = arith.constant 0 : i32
      %broadcast_in_dim3A_434 = vector.broadcast %broadcast_in_dim3A_433 : i32 to vector<16xi32>
      tpu.vector_store_idx %arg15[%add3A_412, %broadcast_in_dim3A_434], %exp3A_432 : memref<128x4xf32, #tpu.memory_space<vmem>>[vector<16xi32>, vector<16xi32>], vector<16xf32>,
      %broadcast_in_dim3A_435 = arith.constant 64 : i32
      %broadcast_in_dim3A_436 = vector.broadcast %broadcast_in_dim3A_435 : i32 to vector<16xi32>
      tpu.vector_store_idx %arg16[%add3A_412, %broadcast_in_dim3A_436], %exp3A_432 : memref<128x72xf32, #tpu.memory_space<vmem>>[vector<16xi32>, vector<16xi32>], vector<16xf32>,
      %broadcast_in_dim3A_437 = arith.constant 0 : i32
      %broadcast_in_dim3A_438 = vector.broadcast %broadcast_in_dim3A_437 : i32 to vector<16xi32>
      %mul3A_439 = arith.constant 4 : i32
      %mul3A_440 = arith.muli %mul3A_439, %arg0 : i32
      %add3A_441 = arith.constant 1 : i32
      %add3A_442 = arith.addi %mul3A_440, %add3A_441 : i32
      %add3A_443 = vector.broadcast %add3A_442 : i32 to vector<16xi32>
      %add3A_444 = arith.addi %broadcast_in_dim3A_438, %add3A_443 : vector<16xi32>
      %broadcast_in_dim3A_445 = arith.constant 8 : i32
      %broadcast_in_dim3A_446 = vector.broadcast %broadcast_in_dim3A_445 : i32 to vector<16xi32>
      %mul3A_447 = arith.constant 4 : i32
      %mul3A_448 = arith.muli %mul3A_447, %arg0 : i32
      %add3A_449 = arith.constant 1 : i32
      %add3A_450 = arith.addi %mul3A_448, %add3A_449 : i32
      %add3A_451 = vector.broadcast %add3A_450 : i32 to vector<16xi32>
      %add3A_452 = arith.addi %broadcast_in_dim3A_446, %add3A_451 : vector<16xi32>
      %gather3A_453 = tpu.vector_load_idx %arg12[%add3A_412, %add3A_444] : memref<128x16xf32, #tpu.memory_space<vmem>>[vector<16xi32>, vector<16xi32>], vector<16xf32>,
      %gather3A_454 = tpu.vector_load_idx %arg13[%add3A_412, %add3A_452] : memref<128x16xf32, #tpu.memory_space<vmem>>[vector<16xi32>, vector<16xi32>], vector<16xf32>,
      %add3A_455 = arith.addf %gather3A_453, %gather3A_454 : vector<16xf32>
      %exp3A_456 = math.exp %add3A_455 : vector<16xf32>
      %broadcast_in_dim3A_457 = arith.constant 1 : i32
      %broadcast_in_dim3A_458 = vector.broadcast %broadcast_in_dim3A_457 : i32 to vector<16xi32>
      tpu.vector_store_idx %arg15[%add3A_412, %broadcast_in_dim3A_458], %exp3A_456 : memref<128x4xf32, #tpu.memory_space<vmem>>[vector<16xi32>, vector<16xi32>], vector<16xf32>,
      %broadcast_in_dim3A_459 = arith.constant 65 : i32
      %broadcast_in_dim3A_460 = vector.broadcast %broadcast_in_dim3A_459 : i32 to vector<16xi32>
      tpu.vector_store_idx %arg16[%add3A_412, %broadcast_in_dim3A_460], %exp3A_456 : memref<128x72xf32, #tpu.memory_space<vmem>>[vector<16xi32>, vector<16xi32>], vector<16xf32>,
      %broadcast_in_dim3A_461 = arith.constant 0 : i32
      %broadcast_in_dim3A_462 = vector.broadcast %broadcast_in_dim3A_461 : i32 to vector<16xi32>
      %mul3A_463 = arith.constant 4 : i32
      %mul3A_464 = arith.muli %mul3A_463, %arg0 : i32
      %add3A_465 = arith.constant 2 : i32
      %add3A_466 = arith.addi %mul3A_464, %add3A_465 : i32
      %add3A_467 = vector.broadcast %add3A_466 : i32 to vector<16xi32>
      %add3A_468 = arith.addi %broadcast_in_dim3A_462, %add3A_467 : vector<16xi32>
      %broadcast_in_dim3A_469 = arith.constant 8 : i32
      %broadcast_in_dim3A_470 = vector.broadcast %broadcast_in_dim3A_469 : i32 to vector<16xi32>
      %mul3A_471 = arith.constant 4 : i32
      %mul3A_472 = arith.muli %mul3A_471, %arg0 : i32
      %add3A_473 = arith.constant 2 : i32
      %add3A_474 = arith.addi %mul3A_472, %add3A_473 : i32
      %add3A_475 = vector.broadcast %add3A_474 : i32 to vector<16xi32>
      %add3A_476 = arith.addi %broadcast_in_dim3A_470, %add3A_475 : vector<16xi32>
      %gather3A_477 = tpu.vector_load_idx %arg12[%add3A_412, %add3A_468] : memref<128x16xf32, #tpu.memory_space<vmem>>[vector<16xi32>, vector<16xi32>], vector<16xf32>,
      %gather3A_478 = tpu.vector_load_idx %arg13[%add3A_412, %add3A_476] : memref<128x16xf32, #tpu.memory_space<vmem>>[vector<16xi32>, vector<16xi32>], vector<16xf32>,
      %add3A_479 = arith.addf %gather3A_477, %gather3A_478 : vector<16xf32>
      %exp3A_480 = math.exp %add3A_479 : vector<16xf32>
      %broadcast_in_dim3A_481 = arith.constant 2 : i32
      %broadcast_in_dim3A_482 = vector.broadcast %broadcast_in_dim3A_481 : i32 to vector<16xi32>
      tpu.vector_store_idx %arg15[%add3A_412, %broadcast_in_dim3A_482], %exp3A_480 : memref<128x4xf32, #tpu.memory_space<vmem>>[vector<16xi32>, vector<16xi32>], vector<16xf32>,
      %broadcast_in_dim3A_483 = arith.constant 66 : i32
      %broadcast_in_dim3A_484 = vector.broadcast %broadcast_in_dim3A_483 : i32 to vector<16xi32>
      tpu.vector_store_idx %arg16[%add3A_412, %broadcast_in_dim3A_484], %exp3A_480 : memref<128x72xf32, #tpu.memory_space<vmem>>[vector<16xi32>, vector<16xi32>], vector<16xf32>,
      %broadcast_in_dim3A_485 = arith.constant 0 : i32
      %broadcast_in_dim3A_486 = vector.broadcast %broadcast_in_dim3A_485 : i32 to vector<16xi32>
      %mul3A_487 = arith.constant 4 : i32
      %mul3A_488 = arith.muli %mul3A_487, %arg0 : i32
      %add3A_489 = arith.constant 3 : i32
      %add3A_490 = arith.addi %mul3A_488, %add3A_489 : i32
      %add3A_491 = vector.broadcast %add3A_490 : i32 to vector<16xi32>
      %add3A_492 = arith.addi %broadcast_in_dim3A_486, %add3A_491 : vector<16xi32>
      %broadcast_in_dim3A_493 = arith.constant 8 : i32
      %broadcast_in_dim3A_494 = vector.broadcast %broadcast_in_dim3A_493 : i32 to vector<16xi32>
      %mul3A_495 = arith.constant 4 : i32
      %mul3A_496 = arith.muli %mul3A_495, %arg0 : i32
      %add3A_497 = arith.constant 3 : i32
      %add3A_498 = arith.addi %mul3A_496, %add3A_497 : i32
      %add3A_499 = vector.broadcast %add3A_498 : i32 to vector<16xi32>
      %add3A_500 = arith.addi %broadcast_in_dim3A_494, %add3A_499 : vector<16xi32>
      %gather3A_501 = tpu.vector_load_idx %arg12[%add3A_412, %add3A_492] : memref<128x16xf32, #tpu.memory_space<vmem>>[vector<16xi32>, vector<16xi32>], vector<16xf32>,
      %gather3A_502 = tpu.vector_load_idx %arg13[%add3A_412, %add3A_500] : memref<128x16xf32, #tpu.memory_space<vmem>>[vector<16xi32>, vector<16xi32>], vector<16xf32>,
      %add3A_503 = arith.addf %gather3A_501, %gather3A_502 : vector<16xf32>
      %exp3A_504 = math.exp %add3A_503 : vector<16xf32>
      %broadcast_in_dim3A_505 = arith.constant 3 : i32
      %broadcast_in_dim3A_506 = vector.broadcast %broadcast_in_dim3A_505 : i32 to vector<16xi32>
      tpu.vector_store_idx %arg15[%add3A_412, %broadcast_in_dim3A_506], %exp3A_504 : memref<128x4xf32, #tpu.memory_space<vmem>>[vector<16xi32>, vector<16xi32>], vector<16xf32>,
      %broadcast_in_dim3A_507 = arith.constant 67 : i32
      %broadcast_in_dim3A_508 = vector.broadcast %broadcast_in_dim3A_507 : i32 to vector<16xi32>
      tpu.vector_store_idx %arg16[%add3A_412, %broadcast_in_dim3A_508], %exp3A_504 : memref<128x72xf32, #tpu.memory_space<vmem>>[vector<16xi32>, vector<16xi32>], vector<16xf32>,
      %add3A_509 = arith.constant 48 : i32
      %add3A_510 = vector.broadcast %add3A_509 : i32 to vector<16xi32>
      %add3A_511 = arith.addi %add3A_510, %iota3A : vector<16xi32>
      %broadcast_in_dim3A_512 = arith.constant 0 : i32
      %broadcast_in_dim3A_513 = vector.broadcast %broadcast_in_dim3A_512 : i32 to vector<16xi32>
      %mul3A_514 = arith.constant 4 : i32
      %mul3A_515 = arith.muli %mul3A_514, %arg0 : i32
      %add3A_516 = arith.constant 0 : i32
      %add3A_517 = arith.addi %mul3A_515, %add3A_516 : i32
      %add3A_518 = vector.broadcast %add3A_517 : i32 to vector<16xi32>
      %add3A_519 = arith.addi %broadcast_in_dim3A_513, %add3A_518 : vector<16xi32>
      %broadcast_in_dim3A_520 = arith.constant 8 : i32
      %broadcast_in_dim3A_521 = vector.broadcast %broadcast_in_dim3A_520 : i32 to vector<16xi32>
      %mul3A_522 = arith.constant 4 : i32
      %mul3A_523 = arith.muli %mul3A_522, %arg0 : i32
      %add3A_524 = arith.constant 0 : i32
      %add3A_525 = arith.addi %mul3A_523, %add3A_524 : i32
      %add3A_526 = vector.broadcast %add3A_525 : i32 to vector<16xi32>
      %add3A_527 = arith.addi %broadcast_in_dim3A_521, %add3A_526 : vector<16xi32>
      %gather3A_528 = tpu.vector_load_idx %arg12[%add3A_511, %add3A_519] : memref<128x16xf32, #tpu.memory_space<vmem>>[vector<16xi32>, vector<16xi32>], vector<16xf32>,
      %gather3A_529 = tpu.vector_load_idx %arg13[%add3A_511, %add3A_527] : memref<128x16xf32, #tpu.memory_space<vmem>>[vector<16xi32>, vector<16xi32>], vector<16xf32>,
      %add3A_530 = arith.addf %gather3A_528, %gather3A_529 : vector<16xf32>
      %exp3A_531 = math.exp %add3A_530 : vector<16xf32>
      %broadcast_in_dim3A_532 = arith.constant 0 : i32
      %broadcast_in_dim3A_533 = vector.broadcast %broadcast_in_dim3A_532 : i32 to vector<16xi32>
      tpu.vector_store_idx %arg15[%add3A_511, %broadcast_in_dim3A_533], %exp3A_531 : memref<128x4xf32, #tpu.memory_space<vmem>>[vector<16xi32>, vector<16xi32>], vector<16xf32>,
      %broadcast_in_dim3A_534 = arith.constant 64 : i32
      %broadcast_in_dim3A_535 = vector.broadcast %broadcast_in_dim3A_534 : i32 to vector<16xi32>
      tpu.vector_store_idx %arg16[%add3A_511, %broadcast_in_dim3A_535], %exp3A_531 : memref<128x72xf32, #tpu.memory_space<vmem>>[vector<16xi32>, vector<16xi32>], vector<16xf32>,
      %broadcast_in_dim3A_536 = arith.constant 0 : i32
      %broadcast_in_dim3A_537 = vector.broadcast %broadcast_in_dim3A_536 : i32 to vector<16xi32>
      %mul3A_538 = arith.constant 4 : i32
      %mul3A_539 = arith.muli %mul3A_538, %arg0 : i32
      %add3A_540 = arith.constant 1 : i32
      %add3A_541 = arith.addi %mul3A_539, %add3A_540 : i32
      %add3A_542 = vector.broadcast %add3A_541 : i32 to vector<16xi32>
      %add3A_543 = arith.addi %broadcast_in_dim3A_537, %add3A_542 : vector<16xi32>
      %broadcast_in_dim3A_544 = arith.constant 8 : i32
      %broadcast_in_dim3A_545 = vector.broadcast %broadcast_in_dim3A_544 : i32 to vector<16xi32>
      %mul3A_546 = arith.constant 4 : i32
      %mul3A_547 = arith.muli %mul3A_546, %arg0 : i32
      %add3A_548 = arith.constant 1 : i32
      %add3A_549 = arith.addi %mul3A_547, %add3A_548 : i32
      %add3A_550 = vector.broadcast %add3A_549 : i32 to vector<16xi32>
      %add3A_551 = arith.addi %broadcast_in_dim3A_545, %add3A_550 : vector<16xi32>
      %gather3A_552 = tpu.vector_load_idx %arg12[%add3A_511, %add3A_543] : memref<128x16xf32, #tpu.memory_space<vmem>>[vector<16xi32>, vector<16xi32>], vector<16xf32>,
      %gather3A_553 = tpu.vector_load_idx %arg13[%add3A_511, %add3A_551] : memref<128x16xf32, #tpu.memory_space<vmem>>[vector<16xi32>, vector<16xi32>], vector<16xf32>,
      %add3A_554 = arith.addf %gather3A_552, %gather3A_553 : vector<16xf32>
      %exp3A_555 = math.exp %add3A_554 : vector<16xf32>
      %broadcast_in_dim3A_556 = arith.constant 1 : i32
      %broadcast_in_dim3A_557 = vector.broadcast %broadcast_in_dim3A_556 : i32 to vector<16xi32>
      tpu.vector_store_idx %arg15[%add3A_511, %broadcast_in_dim3A_557], %exp3A_555 : memref<128x4xf32, #tpu.memory_space<vmem>>[vector<16xi32>, vector<16xi32>], vector<16xf32>,
      %broadcast_in_dim3A_558 = arith.constant 65 : i32
      %broadcast_in_dim3A_559 = vector.broadcast %broadcast_in_dim3A_558 : i32 to vector<16xi32>
      tpu.vector_store_idx %arg16[%add3A_511, %broadcast_in_dim3A_559], %exp3A_555 : memref<128x72xf32, #tpu.memory_space<vmem>>[vector<16xi32>, vector<16xi32>], vector<16xf32>,
      %broadcast_in_dim3A_560 = arith.constant 0 : i32
      %broadcast_in_dim3A_561 = vector.broadcast %broadcast_in_dim3A_560 : i32 to vector<16xi32>
      %mul3A_562 = arith.constant 4 : i32
      %mul3A_563 = arith.muli %mul3A_562, %arg0 : i32
      %add3A_564 = arith.constant 2 : i32
      %add3A_565 = arith.addi %mul3A_563, %add3A_564 : i32
      %add3A_566 = vector.broadcast %add3A_565 : i32 to vector<16xi32>
      %add3A_567 = arith.addi %broadcast_in_dim3A_561, %add3A_566 : vector<16xi32>
      %broadcast_in_dim3A_568 = arith.constant 8 : i32
      %broadcast_in_dim3A_569 = vector.broadcast %broadcast_in_dim3A_568 : i32 to vector<16xi32>
      %mul3A_570 = arith.constant 4 : i32
      %mul3A_571 = arith.muli %mul3A_570, %arg0 : i32
      %add3A_572 = arith.constant 2 : i32
      %add3A_573 = arith.addi %mul3A_571, %add3A_572 : i32
      %add3A_574 = vector.broadcast %add3A_573 : i32 to vector<16xi32>
      %add3A_575 = arith.addi %broadcast_in_dim3A_569, %add3A_574 : vector<16xi32>
      %gather3A_576 = tpu.vector_load_idx %arg12[%add3A_511, %add3A_567] : memref<128x16xf32, #tpu.memory_space<vmem>>[vector<16xi32>, vector<16xi32>], vector<16xf32>,
      %gather3A_577 = tpu.vector_load_idx %arg13[%add3A_511, %add3A_575] : memref<128x16xf32, #tpu.memory_space<vmem>>[vector<16xi32>, vector<16xi32>], vector<16xf32>,
      %add3A_578 = arith.addf %gather3A_576, %gather3A_577 : vector<16xf32>
      %exp3A_579 = math.exp %add3A_578 : vector<16xf32>
      %broadcast_in_dim3A_580 = arith.constant 2 : i32
      %broadcast_in_dim3A_581 = vector.broadcast %broadcast_in_dim3A_580 : i32 to vector<16xi32>
      tpu.vector_store_idx %arg15[%add3A_511, %broadcast_in_dim3A_581], %exp3A_579 : memref<128x4xf32, #tpu.memory_space<vmem>>[vector<16xi32>, vector<16xi32>], vector<16xf32>,
      %broadcast_in_dim3A_582 = arith.constant 66 : i32
      %broadcast_in_dim3A_583 = vector.broadcast %broadcast_in_dim3A_582 : i32 to vector<16xi32>
      tpu.vector_store_idx %arg16[%add3A_511, %broadcast_in_dim3A_583], %exp3A_579 : memref<128x72xf32, #tpu.memory_space<vmem>>[vector<16xi32>, vector<16xi32>], vector<16xf32>,
      %broadcast_in_dim3A_584 = arith.constant 0 : i32
      %broadcast_in_dim3A_585 = vector.broadcast %broadcast_in_dim3A_584 : i32 to vector<16xi32>
      %mul3A_586 = arith.constant 4 : i32
      %mul3A_587 = arith.muli %mul3A_586, %arg0 : i32
      %add3A_588 = arith.constant 3 : i32
      %add3A_589 = arith.addi %mul3A_587, %add3A_588 : i32
      %add3A_590 = vector.broadcast %add3A_589 : i32 to vector<16xi32>
      %add3A_591 = arith.addi %broadcast_in_dim3A_585, %add3A_590 : vector<16xi32>
      %broadcast_in_dim3A_592 = arith.constant 8 : i32
      %broadcast_in_dim3A_593 = vector.broadcast %broadcast_in_dim3A_592 : i32 to vector<16xi32>
      %mul3A_594 = arith.constant 4 : i32
      %mul3A_595 = arith.muli %mul3A_594, %arg0 : i32
      %add3A_596 = arith.constant 3 : i32
      %add3A_597 = arith.addi %mul3A_595, %add3A_596 : i32
      %add3A_598 = vector.broadcast %add3A_597 : i32 to vector<16xi32>
      %add3A_599 = arith.addi %broadcast_in_dim3A_593, %add3A_598 : vector<16xi32>
      %gather3A_600 = tpu.vector_load_idx %arg12[%add3A_511, %add3A_591] : memref<128x16xf32, #tpu.memory_space<vmem>>[vector<16xi32>, vector<16xi32>], vector<16xf32>,
      %gather3A_601 = tpu.vector_load_idx %arg13[%add3A_511, %add3A_599] : memref<128x16xf32, #tpu.memory_space<vmem>>[vector<16xi32>, vector<16xi32>], vector<16xf32>,
      %add3A_602 = arith.addf %gather3A_600, %gather3A_601 : vector<16xf32>
      %exp3A_603 = math.exp %add3A_602 : vector<16xf32>
      %broadcast_in_dim3A_604 = arith.constant 3 : i32
      %broadcast_in_dim3A_605 = vector.broadcast %broadcast_in_dim3A_604 : i32 to vector<16xi32>
      tpu.vector_store_idx %arg15[%add3A_511, %broadcast_in_dim3A_605], %exp3A_603 : memref<128x4xf32, #tpu.memory_space<vmem>>[vector<16xi32>, vector<16xi32>], vector<16xf32>,
      %broadcast_in_dim3A_606 = arith.constant 67 : i32
      %broadcast_in_dim3A_607 = vector.broadcast %broadcast_in_dim3A_606 : i32 to vector<16xi32>
      tpu.vector_store_idx %arg16[%add3A_511, %broadcast_in_dim3A_607], %exp3A_603 : memref<128x72xf32, #tpu.memory_space<vmem>>[vector<16xi32>, vector<16xi32>], vector<16xf32>,
      %add3A_608 = arith.constant 64 : i32
      %add3A_609 = vector.broadcast %add3A_608 : i32 to vector<16xi32>
      %add3A_610 = arith.addi %add3A_609, %iota3A : vector<16xi32>
      %broadcast_in_dim3A_611 = arith.constant 0 : i32
      %broadcast_in_dim3A_612 = vector.broadcast %broadcast_in_dim3A_611 : i32 to vector<16xi32>
      %mul3A_613 = arith.constant 4 : i32
      %mul3A_614 = arith.muli %mul3A_613, %arg0 : i32
      %add3A_615 = arith.constant 0 : i32
      %add3A_616 = arith.addi %mul3A_614, %add3A_615 : i32
      %add3A_617 = vector.broadcast %add3A_616 : i32 to vector<16xi32>
      %add3A_618 = arith.addi %broadcast_in_dim3A_612, %add3A_617 : vector<16xi32>
      %broadcast_in_dim3A_619 = arith.constant 8 : i32
      %broadcast_in_dim3A_620 = vector.broadcast %broadcast_in_dim3A_619 : i32 to vector<16xi32>
      %mul3A_621 = arith.constant 4 : i32
      %mul3A_622 = arith.muli %mul3A_621, %arg0 : i32
      %add3A_623 = arith.constant 0 : i32
      %add3A_624 = arith.addi %mul3A_622, %add3A_623 : i32
      %add3A_625 = vector.broadcast %add3A_624 : i32 to vector<16xi32>
      %add3A_626 = arith.addi %broadcast_in_dim3A_620, %add3A_625 : vector<16xi32>
      %gather3A_627 = tpu.vector_load_idx %arg12[%add3A_610, %add3A_618] : memref<128x16xf32, #tpu.memory_space<vmem>>[vector<16xi32>, vector<16xi32>], vector<16xf32>,
      %gather3A_628 = tpu.vector_load_idx %arg13[%add3A_610, %add3A_626] : memref<128x16xf32, #tpu.memory_space<vmem>>[vector<16xi32>, vector<16xi32>], vector<16xf32>,
      %add3A_629 = arith.addf %gather3A_627, %gather3A_628 : vector<16xf32>
      %exp3A_630 = math.exp %add3A_629 : vector<16xf32>
      %broadcast_in_dim3A_631 = arith.constant 0 : i32
      %broadcast_in_dim3A_632 = vector.broadcast %broadcast_in_dim3A_631 : i32 to vector<16xi32>
      tpu.vector_store_idx %arg15[%add3A_610, %broadcast_in_dim3A_632], %exp3A_630 : memref<128x4xf32, #tpu.memory_space<vmem>>[vector<16xi32>, vector<16xi32>], vector<16xf32>,
      %broadcast_in_dim3A_633 = arith.constant 64 : i32
      %broadcast_in_dim3A_634 = vector.broadcast %broadcast_in_dim3A_633 : i32 to vector<16xi32>
      tpu.vector_store_idx %arg16[%add3A_610, %broadcast_in_dim3A_634], %exp3A_630 : memref<128x72xf32, #tpu.memory_space<vmem>>[vector<16xi32>, vector<16xi32>], vector<16xf32>,
      %broadcast_in_dim3A_635 = arith.constant 0 : i32
      %broadcast_in_dim3A_636 = vector.broadcast %broadcast_in_dim3A_635 : i32 to vector<16xi32>
      %mul3A_637 = arith.constant 4 : i32
      %mul3A_638 = arith.muli %mul3A_637, %arg0 : i32
      %add3A_639 = arith.constant 1 : i32
      %add3A_640 = arith.addi %mul3A_638, %add3A_639 : i32
      %add3A_641 = vector.broadcast %add3A_640 : i32 to vector<16xi32>
      %add3A_642 = arith.addi %broadcast_in_dim3A_636, %add3A_641 : vector<16xi32>
      %broadcast_in_dim3A_643 = arith.constant 8 : i32
      %broadcast_in_dim3A_644 = vector.broadcast %broadcast_in_dim3A_643 : i32 to vector<16xi32>
      %mul3A_645 = arith.constant 4 : i32
      %mul3A_646 = arith.muli %mul3A_645, %arg0 : i32
      %add3A_647 = arith.constant 1 : i32
      %add3A_648 = arith.addi %mul3A_646, %add3A_647 : i32
      %add3A_649 = vector.broadcast %add3A_648 : i32 to vector<16xi32>
      %add3A_650 = arith.addi %broadcast_in_dim3A_644, %add3A_649 : vector<16xi32>
      %gather3A_651 = tpu.vector_load_idx %arg12[%add3A_610, %add3A_642] : memref<128x16xf32, #tpu.memory_space<vmem>>[vector<16xi32>, vector<16xi32>], vector<16xf32>,
      %gather3A_652 = tpu.vector_load_idx %arg13[%add3A_610, %add3A_650] : memref<128x16xf32, #tpu.memory_space<vmem>>[vector<16xi32>, vector<16xi32>], vector<16xf32>,
      %add3A_653 = arith.addf %gather3A_651, %gather3A_652 : vector<16xf32>
      %exp3A_654 = math.exp %add3A_653 : vector<16xf32>
      %broadcast_in_dim3A_655 = arith.constant 1 : i32
      %broadcast_in_dim3A_656 = vector.broadcast %broadcast_in_dim3A_655 : i32 to vector<16xi32>
      tpu.vector_store_idx %arg15[%add3A_610, %broadcast_in_dim3A_656], %exp3A_654 : memref<128x4xf32, #tpu.memory_space<vmem>>[vector<16xi32>, vector<16xi32>], vector<16xf32>,
      %broadcast_in_dim3A_657 = arith.constant 65 : i32
      %broadcast_in_dim3A_658 = vector.broadcast %broadcast_in_dim3A_657 : i32 to vector<16xi32>
      tpu.vector_store_idx %arg16[%add3A_610, %broadcast_in_dim3A_658], %exp3A_654 : memref<128x72xf32, #tpu.memory_space<vmem>>[vector<16xi32>, vector<16xi32>], vector<16xf32>,
      %broadcast_in_dim3A_659 = arith.constant 0 : i32
      %broadcast_in_dim3A_660 = vector.broadcast %broadcast_in_dim3A_659 : i32 to vector<16xi32>
      %mul3A_661 = arith.constant 4 : i32
      %mul3A_662 = arith.muli %mul3A_661, %arg0 : i32
      %add3A_663 = arith.constant 2 : i32
      %add3A_664 = arith.addi %mul3A_662, %add3A_663 : i32
      %add3A_665 = vector.broadcast %add3A_664 : i32 to vector<16xi32>
      %add3A_666 = arith.addi %broadcast_in_dim3A_660, %add3A_665 : vector<16xi32>
      %broadcast_in_dim3A_667 = arith.constant 8 : i32
      %broadcast_in_dim3A_668 = vector.broadcast %broadcast_in_dim3A_667 : i32 to vector<16xi32>
      %mul3A_669 = arith.constant 4 : i32
      %mul3A_670 = arith.muli %mul3A_669, %arg0 : i32
      %add3A_671 = arith.constant 2 : i32
      %add3A_672 = arith.addi %mul3A_670, %add3A_671 : i32
      %add3A_673 = vector.broadcast %add3A_672 : i32 to vector<16xi32>
      %add3A_674 = arith.addi %broadcast_in_dim3A_668, %add3A_673 : vector<16xi32>
      %gather3A_675 = tpu.vector_load_idx %arg12[%add3A_610, %add3A_666] : memref<128x16xf32, #tpu.memory_space<vmem>>[vector<16xi32>, vector<16xi32>], vector<16xf32>,
      %gather3A_676 = tpu.vector_load_idx %arg13[%add3A_610, %add3A_674] : memref<128x16xf32, #tpu.memory_space<vmem>>[vector<16xi32>, vector<16xi32>], vector<16xf32>,
      %add3A_677 = arith.addf %gather3A_675, %gather3A_676 : vector<16xf32>
      %exp3A_678 = math.exp %add3A_677 : vector<16xf32>
      %broadcast_in_dim3A_679 = arith.constant 2 : i32
      %broadcast_in_dim3A_680 = vector.broadcast %broadcast_in_dim3A_679 : i32 to vector<16xi32>
      tpu.vector_store_idx %arg15[%add3A_610, %broadcast_in_dim3A_680], %exp3A_678 : memref<128x4xf32, #tpu.memory_space<vmem>>[vector<16xi32>, vector<16xi32>], vector<16xf32>,
      %broadcast_in_dim3A_681 = arith.constant 66 : i32
      %broadcast_in_dim3A_682 = vector.broadcast %broadcast_in_dim3A_681 : i32 to vector<16xi32>
      tpu.vector_store_idx %arg16[%add3A_610, %broadcast_in_dim3A_682], %exp3A_678 : memref<128x72xf32, #tpu.memory_space<vmem>>[vector<16xi32>, vector<16xi32>], vector<16xf32>,
      %broadcast_in_dim3A_683 = arith.constant 0 : i32
      %broadcast_in_dim3A_684 = vector.broadcast %broadcast_in_dim3A_683 : i32 to vector<16xi32>
      %mul3A_685 = arith.constant 4 : i32
      %mul3A_686 = arith.muli %mul3A_685, %arg0 : i32
      %add3A_687 = arith.constant 3 : i32
      %add3A_688 = arith.addi %mul3A_686, %add3A_687 : i32
      %add3A_689 = vector.broadcast %add3A_688 : i32 to vector<16xi32>
      %add3A_690 = arith.addi %broadcast_in_dim3A_684, %add3A_689 : vector<16xi32>
      %broadcast_in_dim3A_691 = arith.constant 8 : i32
      %broadcast_in_dim3A_692 = vector.broadcast %broadcast_in_dim3A_691 : i32 to vector<16xi32>
      %mul3A_693 = arith.constant 4 : i32
      %mul3A_694 = arith.muli %mul3A_693, %arg0 : i32
      %add3A_695 = arith.constant 3 : i32
      %add3A_696 = arith.addi %mul3A_694, %add3A_695 : i32
      %add3A_697 = vector.broadcast %add3A_696 : i32 to vector<16xi32>
      %add3A_698 = arith.addi %broadcast_in_dim3A_692, %add3A_697 : vector<16xi32>
      %gather3A_699 = tpu.vector_load_idx %arg12[%add3A_610, %add3A_690] : memref<128x16xf32, #tpu.memory_space<vmem>>[vector<16xi32>, vector<16xi32>], vector<16xf32>,
      %gather3A_700 = tpu.vector_load_idx %arg13[%add3A_610, %add3A_698] : memref<128x16xf32, #tpu.memory_space<vmem>>[vector<16xi32>, vector<16xi32>], vector<16xf32>,
      %add3A_701 = arith.addf %gather3A_699, %gather3A_700 : vector<16xf32>
      %exp3A_702 = math.exp %add3A_701 : vector<16xf32>
      %broadcast_in_dim3A_703 = arith.constant 3 : i32
      %broadcast_in_dim3A_704 = vector.broadcast %broadcast_in_dim3A_703 : i32 to vector<16xi32>
      tpu.vector_store_idx %arg15[%add3A_610, %broadcast_in_dim3A_704], %exp3A_702 : memref<128x4xf32, #tpu.memory_space<vmem>>[vector<16xi32>, vector<16xi32>], vector<16xf32>,
      %broadcast_in_dim3A_705 = arith.constant 67 : i32
      %broadcast_in_dim3A_706 = vector.broadcast %broadcast_in_dim3A_705 : i32 to vector<16xi32>
      tpu.vector_store_idx %arg16[%add3A_610, %broadcast_in_dim3A_706], %exp3A_702 : memref<128x72xf32, #tpu.memory_space<vmem>>[vector<16xi32>, vector<16xi32>], vector<16xf32>,
      %add3A_707 = arith.constant 80 : i32
      %add3A_708 = vector.broadcast %add3A_707 : i32 to vector<16xi32>
      %add3A_709 = arith.addi %add3A_708, %iota3A : vector<16xi32>
      %broadcast_in_dim3A_710 = arith.constant 0 : i32
      %broadcast_in_dim3A_711 = vector.broadcast %broadcast_in_dim3A_710 : i32 to vector<16xi32>
      %mul3A_712 = arith.constant 4 : i32
      %mul3A_713 = arith.muli %mul3A_712, %arg0 : i32
      %add3A_714 = arith.constant 0 : i32
      %add3A_715 = arith.addi %mul3A_713, %add3A_714 : i32
      %add3A_716 = vector.broadcast %add3A_715 : i32 to vector<16xi32>
      %add3A_717 = arith.addi %broadcast_in_dim3A_711, %add3A_716 : vector<16xi32>
      %broadcast_in_dim3A_718 = arith.constant 8 : i32
      %broadcast_in_dim3A_719 = vector.broadcast %broadcast_in_dim3A_718 : i32 to vector<16xi32>
      %mul3A_720 = arith.constant 4 : i32
      %mul3A_721 = arith.muli %mul3A_720, %arg0 : i32
      %add3A_722 = arith.constant 0 : i32
      %add3A_723 = arith.addi %mul3A_721, %add3A_722 : i32
      %add3A_724 = vector.broadcast %add3A_723 : i32 to vector<16xi32>
      %add3A_725 = arith.addi %broadcast_in_dim3A_719, %add3A_724 : vector<16xi32>
      %gather3A_726 = tpu.vector_load_idx %arg12[%add3A_709, %add3A_717] : memref<128x16xf32, #tpu.memory_space<vmem>>[vector<16xi32>, vector<16xi32>], vector<16xf32>,
      %gather3A_727 = tpu.vector_load_idx %arg13[%add3A_709, %add3A_725] : memref<128x16xf32, #tpu.memory_space<vmem>>[vector<16xi32>, vector<16xi32>], vector<16xf32>,
      %add3A_728 = arith.addf %gather3A_726, %gather3A_727 : vector<16xf32>
      %exp3A_729 = math.exp %add3A_728 : vector<16xf32>
      %broadcast_in_dim3A_730 = arith.constant 0 : i32
      %broadcast_in_dim3A_731 = vector.broadcast %broadcast_in_dim3A_730 : i32 to vector<16xi32>
      tpu.vector_store_idx %arg15[%add3A_709, %broadcast_in_dim3A_731], %exp3A_729 : memref<128x4xf32, #tpu.memory_space<vmem>>[vector<16xi32>, vector<16xi32>], vector<16xf32>,
      %broadcast_in_dim3A_732 = arith.constant 64 : i32
      %broadcast_in_dim3A_733 = vector.broadcast %broadcast_in_dim3A_732 : i32 to vector<16xi32>
      tpu.vector_store_idx %arg16[%add3A_709, %broadcast_in_dim3A_733], %exp3A_729 : memref<128x72xf32, #tpu.memory_space<vmem>>[vector<16xi32>, vector<16xi32>], vector<16xf32>,
      %broadcast_in_dim3A_734 = arith.constant 0 : i32
      %broadcast_in_dim3A_735 = vector.broadcast %broadcast_in_dim3A_734 : i32 to vector<16xi32>
      %mul3A_736 = arith.constant 4 : i32
      %mul3A_737 = arith.muli %mul3A_736, %arg0 : i32
      %add3A_738 = arith.constant 1 : i32
      %add3A_739 = arith.addi %mul3A_737, %add3A_738 : i32
      %add3A_740 = vector.broadcast %add3A_739 : i32 to vector<16xi32>
      %add3A_741 = arith.addi %broadcast_in_dim3A_735, %add3A_740 : vector<16xi32>
      %broadcast_in_dim3A_742 = arith.constant 8 : i32
      %broadcast_in_dim3A_743 = vector.broadcast %broadcast_in_dim3A_742 : i32 to vector<16xi32>
      %mul3A_744 = arith.constant 4 : i32
      %mul3A_745 = arith.muli %mul3A_744, %arg0 : i32
      %add3A_746 = arith.constant 1 : i32
      %add3A_747 = arith.addi %mul3A_745, %add3A_746 : i32
      %add3A_748 = vector.broadcast %add3A_747 : i32 to vector<16xi32>
      %add3A_749 = arith.addi %broadcast_in_dim3A_743, %add3A_748 : vector<16xi32>
      %gather3A_750 = tpu.vector_load_idx %arg12[%add3A_709, %add3A_741] : memref<128x16xf32, #tpu.memory_space<vmem>>[vector<16xi32>, vector<16xi32>], vector<16xf32>,
      %gather3A_751 = tpu.vector_load_idx %arg13[%add3A_709, %add3A_749] : memref<128x16xf32, #tpu.memory_space<vmem>>[vector<16xi32>, vector<16xi32>], vector<16xf32>,
      %add3A_752 = arith.addf %gather3A_750, %gather3A_751 : vector<16xf32>
      %exp3A_753 = math.exp %add3A_752 : vector<16xf32>
      %broadcast_in_dim3A_754 = arith.constant 1 : i32
      %broadcast_in_dim3A_755 = vector.broadcast %broadcast_in_dim3A_754 : i32 to vector<16xi32>
      tpu.vector_store_idx %arg15[%add3A_709, %broadcast_in_dim3A_755], %exp3A_753 : memref<128x4xf32, #tpu.memory_space<vmem>>[vector<16xi32>, vector<16xi32>], vector<16xf32>,
      %broadcast_in_dim3A_756 = arith.constant 65 : i32
      %broadcast_in_dim3A_757 = vector.broadcast %broadcast_in_dim3A_756 : i32 to vector<16xi32>
      tpu.vector_store_idx %arg16[%add3A_709, %broadcast_in_dim3A_757], %exp3A_753 : memref<128x72xf32, #tpu.memory_space<vmem>>[vector<16xi32>, vector<16xi32>], vector<16xf32>,
      %broadcast_in_dim3A_758 = arith.constant 0 : i32
      %broadcast_in_dim3A_759 = vector.broadcast %broadcast_in_dim3A_758 : i32 to vector<16xi32>
      %mul3A_760 = arith.constant 4 : i32
      %mul3A_761 = arith.muli %mul3A_760, %arg0 : i32
      %add3A_762 = arith.constant 2 : i32
      %add3A_763 = arith.addi %mul3A_761, %add3A_762 : i32
      %add3A_764 = vector.broadcast %add3A_763 : i32 to vector<16xi32>
      %add3A_765 = arith.addi %broadcast_in_dim3A_759, %add3A_764 : vector<16xi32>
      %broadcast_in_dim3A_766 = arith.constant 8 : i32
      %broadcast_in_dim3A_767 = vector.broadcast %broadcast_in_dim3A_766 : i32 to vector<16xi32>
      %mul3A_768 = arith.constant 4 : i32
      %mul3A_769 = arith.muli %mul3A_768, %arg0 : i32
      %add3A_770 = arith.constant 2 : i32
      %add3A_771 = arith.addi %mul3A_769, %add3A_770 : i32
      %add3A_772 = vector.broadcast %add3A_771 : i32 to vector<16xi32>
      %add3A_773 = arith.addi %broadcast_in_dim3A_767, %add3A_772 : vector<16xi32>
      %gather3A_774 = tpu.vector_load_idx %arg12[%add3A_709, %add3A_765] : memref<128x16xf32, #tpu.memory_space<vmem>>[vector<16xi32>, vector<16xi32>], vector<16xf32>,
      %gather3A_775 = tpu.vector_load_idx %arg13[%add3A_709, %add3A_773] : memref<128x16xf32, #tpu.memory_space<vmem>>[vector<16xi32>, vector<16xi32>], vector<16xf32>,
      %add3A_776 = arith.addf %gather3A_774, %gather3A_775 : vector<16xf32>
      %exp3A_777 = math.exp %add3A_776 : vector<16xf32>
      %broadcast_in_dim3A_778 = arith.constant 2 : i32
      %broadcast_in_dim3A_779 = vector.broadcast %broadcast_in_dim3A_778 : i32 to vector<16xi32>
      tpu.vector_store_idx %arg15[%add3A_709, %broadcast_in_dim3A_779], %exp3A_777 : memref<128x4xf32, #tpu.memory_space<vmem>>[vector<16xi32>, vector<16xi32>], vector<16xf32>,
      %broadcast_in_dim3A_780 = arith.constant 66 : i32
      %broadcast_in_dim3A_781 = vector.broadcast %broadcast_in_dim3A_780 : i32 to vector<16xi32>
      tpu.vector_store_idx %arg16[%add3A_709, %broadcast_in_dim3A_781], %exp3A_777 : memref<128x72xf32, #tpu.memory_space<vmem>>[vector<16xi32>, vector<16xi32>], vector<16xf32>,
      %broadcast_in_dim3A_782 = arith.constant 0 : i32
      %broadcast_in_dim3A_783 = vector.broadcast %broadcast_in_dim3A_782 : i32 to vector<16xi32>
      %mul3A_784 = arith.constant 4 : i32
      %mul3A_785 = arith.muli %mul3A_784, %arg0 : i32
      %add3A_786 = arith.constant 3 : i32
      %add3A_787 = arith.addi %mul3A_785, %add3A_786 : i32
      %add3A_788 = vector.broadcast %add3A_787 : i32 to vector<16xi32>
      %add3A_789 = arith.addi %broadcast_in_dim3A_783, %add3A_788 : vector<16xi32>
      %broadcast_in_dim3A_790 = arith.constant 8 : i32
      %broadcast_in_dim3A_791 = vector.broadcast %broadcast_in_dim3A_790 : i32 to vector<16xi32>
      %mul3A_792 = arith.constant 4 : i32
      %mul3A_793 = arith.muli %mul3A_792, %arg0 : i32
      %add3A_794 = arith.constant 3 : i32
      %add3A_795 = arith.addi %mul3A_793, %add3A_794 : i32
      %add3A_796 = vector.broadcast %add3A_795 : i32 to vector<16xi32>
      %add3A_797 = arith.addi %broadcast_in_dim3A_791, %add3A_796 : vector<16xi32>
      %gather3A_798 = tpu.vector_load_idx %arg12[%add3A_709, %add3A_789] : memref<128x16xf32, #tpu.memory_space<vmem>>[vector<16xi32>, vector<16xi32>], vector<16xf32>,
      %gather3A_799 = tpu.vector_load_idx %arg13[%add3A_709, %add3A_797] : memref<128x16xf32, #tpu.memory_space<vmem>>[vector<16xi32>, vector<16xi32>], vector<16xf32>,
      %add3A_800 = arith.addf %gather3A_798, %gather3A_799 : vector<16xf32>
      %exp3A_801 = math.exp %add3A_800 : vector<16xf32>
      %broadcast_in_dim3A_802 = arith.constant 3 : i32
      %broadcast_in_dim3A_803 = vector.broadcast %broadcast_in_dim3A_802 : i32 to vector<16xi32>
      tpu.vector_store_idx %arg15[%add3A_709, %broadcast_in_dim3A_803], %exp3A_801 : memref<128x4xf32, #tpu.memory_space<vmem>>[vector<16xi32>, vector<16xi32>], vector<16xf32>,
      %broadcast_in_dim3A_804 = arith.constant 67 : i32
      %broadcast_in_dim3A_805 = vector.broadcast %broadcast_in_dim3A_804 : i32 to vector<16xi32>
      tpu.vector_store_idx %arg16[%add3A_709, %broadcast_in_dim3A_805], %exp3A_801 : memref<128x72xf32, #tpu.memory_space<vmem>>[vector<16xi32>, vector<16xi32>], vector<16xf32>,
      %add3A_806 = arith.constant 96 : i32
      %add3A_807 = vector.broadcast %add3A_806 : i32 to vector<16xi32>
      %add3A_808 = arith.addi %add3A_807, %iota3A : vector<16xi32>
      %broadcast_in_dim3A_809 = arith.constant 0 : i32
      %broadcast_in_dim3A_810 = vector.broadcast %broadcast_in_dim3A_809 : i32 to vector<16xi32>
      %mul3A_811 = arith.constant 4 : i32
      %mul3A_812 = arith.muli %mul3A_811, %arg0 : i32
      %add3A_813 = arith.constant 0 : i32
      %add3A_814 = arith.addi %mul3A_812, %add3A_813 : i32
      %add3A_815 = vector.broadcast %add3A_814 : i32 to vector<16xi32>
      %add3A_816 = arith.addi %broadcast_in_dim3A_810, %add3A_815 : vector<16xi32>
      %broadcast_in_dim3A_817 = arith.constant 8 : i32
      %broadcast_in_dim3A_818 = vector.broadcast %broadcast_in_dim3A_817 : i32 to vector<16xi32>
      %mul3A_819 = arith.constant 4 : i32
      %mul3A_820 = arith.muli %mul3A_819, %arg0 : i32
      %add3A_821 = arith.constant 0 : i32
      %add3A_822 = arith.addi %mul3A_820, %add3A_821 : i32
      %add3A_823 = vector.broadcast %add3A_822 : i32 to vector<16xi32>
      %add3A_824 = arith.addi %broadcast_in_dim3A_818, %add3A_823 : vector<16xi32>
      %gather3A_825 = tpu.vector_load_idx %arg12[%add3A_808, %add3A_816] : memref<128x16xf32, #tpu.memory_space<vmem>>[vector<16xi32>, vector<16xi32>], vector<16xf32>,
      %gather3A_826 = tpu.vector_load_idx %arg13[%add3A_808, %add3A_824] : memref<128x16xf32, #tpu.memory_space<vmem>>[vector<16xi32>, vector<16xi32>], vector<16xf32>,
      %add3A_827 = arith.addf %gather3A_825, %gather3A_826 : vector<16xf32>
      %exp3A_828 = math.exp %add3A_827 : vector<16xf32>
      %broadcast_in_dim3A_829 = arith.constant 0 : i32
      %broadcast_in_dim3A_830 = vector.broadcast %broadcast_in_dim3A_829 : i32 to vector<16xi32>
      tpu.vector_store_idx %arg15[%add3A_808, %broadcast_in_dim3A_830], %exp3A_828 : memref<128x4xf32, #tpu.memory_space<vmem>>[vector<16xi32>, vector<16xi32>], vector<16xf32>,
      %broadcast_in_dim3A_831 = arith.constant 64 : i32
      %broadcast_in_dim3A_832 = vector.broadcast %broadcast_in_dim3A_831 : i32 to vector<16xi32>
      tpu.vector_store_idx %arg16[%add3A_808, %broadcast_in_dim3A_832], %exp3A_828 : memref<128x72xf32, #tpu.memory_space<vmem>>[vector<16xi32>, vector<16xi32>], vector<16xf32>,
      %broadcast_in_dim3A_833 = arith.constant 0 : i32
      %broadcast_in_dim3A_834 = vector.broadcast %broadcast_in_dim3A_833 : i32 to vector<16xi32>
      %mul3A_835 = arith.constant 4 : i32
      %mul3A_836 = arith.muli %mul3A_835, %arg0 : i32
      %add3A_837 = arith.constant 1 : i32
      %add3A_838 = arith.addi %mul3A_836, %add3A_837 : i32
      %add3A_839 = vector.broadcast %add3A_838 : i32 to vector<16xi32>
      %add3A_840 = arith.addi %broadcast_in_dim3A_834, %add3A_839 : vector<16xi32>
      %broadcast_in_dim3A_841 = arith.constant 8 : i32
      %broadcast_in_dim3A_842 = vector.broadcast %broadcast_in_dim3A_841 : i32 to vector<16xi32>
      %mul3A_843 = arith.constant 4 : i32
      %mul3A_844 = arith.muli %mul3A_843, %arg0 : i32
      %add3A_845 = arith.constant 1 : i32
      %add3A_846 = arith.addi %mul3A_844, %add3A_845 : i32
      %add3A_847 = vector.broadcast %add3A_846 : i32 to vector<16xi32>
      %add3A_848 = arith.addi %broadcast_in_dim3A_842, %add3A_847 : vector<16xi32>
      %gather3A_849 = tpu.vector_load_idx %arg12[%add3A_808, %add3A_840] : memref<128x16xf32, #tpu.memory_space<vmem>>[vector<16xi32>, vector<16xi32>], vector<16xf32>,
      %gather3A_850 = tpu.vector_load_idx %arg13[%add3A_808, %add3A_848] : memref<128x16xf32, #tpu.memory_space<vmem>>[vector<16xi32>, vector<16xi32>], vector<16xf32>,
      %add3A_851 = arith.addf %gather3A_849, %gather3A_850 : vector<16xf32>
      %exp3A_852 = math.exp %add3A_851 : vector<16xf32>
      %broadcast_in_dim3A_853 = arith.constant 1 : i32
      %broadcast_in_dim3A_854 = vector.broadcast %broadcast_in_dim3A_853 : i32 to vector<16xi32>
      tpu.vector_store_idx %arg15[%add3A_808, %broadcast_in_dim3A_854], %exp3A_852 : memref<128x4xf32, #tpu.memory_space<vmem>>[vector<16xi32>, vector<16xi32>], vector<16xf32>,
      %broadcast_in_dim3A_855 = arith.constant 65 : i32
      %broadcast_in_dim3A_856 = vector.broadcast %broadcast_in_dim3A_855 : i32 to vector<16xi32>
      tpu.vector_store_idx %arg16[%add3A_808, %broadcast_in_dim3A_856], %exp3A_852 : memref<128x72xf32, #tpu.memory_space<vmem>>[vector<16xi32>, vector<16xi32>], vector<16xf32>,
      %broadcast_in_dim3A_857 = arith.constant 0 : i32
      %broadcast_in_dim3A_858 = vector.broadcast %broadcast_in_dim3A_857 : i32 to vector<16xi32>
      %mul3A_859 = arith.constant 4 : i32
      %mul3A_860 = arith.muli %mul3A_859, %arg0 : i32
      %add3A_861 = arith.constant 2 : i32
      %add3A_862 = arith.addi %mul3A_860, %add3A_861 : i32
      %add3A_863 = vector.broadcast %add3A_862 : i32 to vector<16xi32>
      %add3A_864 = arith.addi %broadcast_in_dim3A_858, %add3A_863 : vector<16xi32>
      %broadcast_in_dim3A_865 = arith.constant 8 : i32
      %broadcast_in_dim3A_866 = vector.broadcast %broadcast_in_dim3A_865 : i32 to vector<16xi32>
      %mul3A_867 = arith.constant 4 : i32
      %mul3A_868 = arith.muli %mul3A_867, %arg0 : i32
      %add3A_869 = arith.constant 2 : i32
      %add3A_870 = arith.addi %mul3A_868, %add3A_869 : i32
      %add3A_871 = vector.broadcast %add3A_870 : i32 to vector<16xi32>
      %add3A_872 = arith.addi %broadcast_in_dim3A_866, %add3A_871 : vector<16xi32>
      %gather3A_873 = tpu.vector_load_idx %arg12[%add3A_808, %add3A_864] : memref<128x16xf32, #tpu.memory_space<vmem>>[vector<16xi32>, vector<16xi32>], vector<16xf32>,
      %gather3A_874 = tpu.vector_load_idx %arg13[%add3A_808, %add3A_872] : memref<128x16xf32, #tpu.memory_space<vmem>>[vector<16xi32>, vector<16xi32>], vector<16xf32>,
      %add3A_875 = arith.addf %gather3A_873, %gather3A_874 : vector<16xf32>
      %exp3A_876 = math.exp %add3A_875 : vector<16xf32>
      %broadcast_in_dim3A_877 = arith.constant 2 : i32
      %broadcast_in_dim3A_878 = vector.broadcast %broadcast_in_dim3A_877 : i32 to vector<16xi32>
      tpu.vector_store_idx %arg15[%add3A_808, %broadcast_in_dim3A_878], %exp3A_876 : memref<128x4xf32, #tpu.memory_space<vmem>>[vector<16xi32>, vector<16xi32>], vector<16xf32>,
      %broadcast_in_dim3A_879 = arith.constant 66 : i32
      %broadcast_in_dim3A_880 = vector.broadcast %broadcast_in_dim3A_879 : i32 to vector<16xi32>
      tpu.vector_store_idx %arg16[%add3A_808, %broadcast_in_dim3A_880], %exp3A_876 : memref<128x72xf32, #tpu.memory_space<vmem>>[vector<16xi32>, vector<16xi32>], vector<16xf32>,
      %broadcast_in_dim3A_881 = arith.constant 0 : i32
      %broadcast_in_dim3A_882 = vector.broadcast %broadcast_in_dim3A_881 : i32 to vector<16xi32>
      %mul3A_883 = arith.constant 4 : i32
      %mul3A_884 = arith.muli %mul3A_883, %arg0 : i32
      %add3A_885 = arith.constant 3 : i32
      %add3A_886 = arith.addi %mul3A_884, %add3A_885 : i32
      %add3A_887 = vector.broadcast %add3A_886 : i32 to vector<16xi32>
      %add3A_888 = arith.addi %broadcast_in_dim3A_882, %add3A_887 : vector<16xi32>
      %broadcast_in_dim3A_889 = arith.constant 8 : i32
      %broadcast_in_dim3A_890 = vector.broadcast %broadcast_in_dim3A_889 : i32 to vector<16xi32>
      %mul3A_891 = arith.constant 4 : i32
      %mul3A_892 = arith.muli %mul3A_891, %arg0 : i32
      %add3A_893 = arith.constant 3 : i32
      %add3A_894 = arith.addi %mul3A_892, %add3A_893 : i32
      %add3A_895 = vector.broadcast %add3A_894 : i32 to vector<16xi32>
      %add3A_896 = arith.addi %broadcast_in_dim3A_890, %add3A_895 : vector<16xi32>
      %gather3A_897 = tpu.vector_load_idx %arg12[%add3A_808, %add3A_888] : memref<128x16xf32, #tpu.memory_space<vmem>>[vector<16xi32>, vector<16xi32>], vector<16xf32>,
      %gather3A_898 = tpu.vector_load_idx %arg13[%add3A_808, %add3A_896] : memref<128x16xf32, #tpu.memory_space<vmem>>[vector<16xi32>, vector<16xi32>], vector<16xf32>,
      %add3A_899 = arith.addf %gather3A_897, %gather3A_898 : vector<16xf32>
      %exp3A_900 = math.exp %add3A_899 : vector<16xf32>
      %broadcast_in_dim3A_901 = arith.constant 3 : i32
      %broadcast_in_dim3A_902 = vector.broadcast %broadcast_in_dim3A_901 : i32 to vector<16xi32>
      tpu.vector_store_idx %arg15[%add3A_808, %broadcast_in_dim3A_902], %exp3A_900 : memref<128x4xf32, #tpu.memory_space<vmem>>[vector<16xi32>, vector<16xi32>], vector<16xf32>,
      %broadcast_in_dim3A_903 = arith.constant 67 : i32
      %broadcast_in_dim3A_904 = vector.broadcast %broadcast_in_dim3A_903 : i32 to vector<16xi32>
      tpu.vector_store_idx %arg16[%add3A_808, %broadcast_in_dim3A_904], %exp3A_900 : memref<128x72xf32, #tpu.memory_space<vmem>>[vector<16xi32>, vector<16xi32>], vector<16xf32>,
      %add3A_905 = arith.constant 112 : i32
      %add3A_906 = vector.broadcast %add3A_905 : i32 to vector<16xi32>
      %add3A_907 = arith.addi %add3A_906, %iota3A : vector<16xi32>
      %broadcast_in_dim3A_908 = arith.constant 0 : i32
      %broadcast_in_dim3A_909 = vector.broadcast %broadcast_in_dim3A_908 : i32 to vector<16xi32>
      %mul3A_910 = arith.constant 4 : i32
      %mul3A_911 = arith.muli %mul3A_910, %arg0 : i32
      %add3A_912 = arith.constant 0 : i32
      %add3A_913 = arith.addi %mul3A_911, %add3A_912 : i32
      %add3A_914 = vector.broadcast %add3A_913 : i32 to vector<16xi32>
      %add3A_915 = arith.addi %broadcast_in_dim3A_909, %add3A_914 : vector<16xi32>
      %broadcast_in_dim3A_916 = arith.constant 8 : i32
      %broadcast_in_dim3A_917 = vector.broadcast %broadcast_in_dim3A_916 : i32 to vector<16xi32>
      %mul3A_918 = arith.constant 4 : i32
      %mul3A_919 = arith.muli %mul3A_918, %arg0 : i32
      %add3A_920 = arith.constant 0 : i32
      %add3A_921 = arith.addi %mul3A_919, %add3A_920 : i32
      %add3A_922 = vector.broadcast %add3A_921 : i32 to vector<16xi32>
      %add3A_923 = arith.addi %broadcast_in_dim3A_917, %add3A_922 : vector<16xi32>
      %gather3A_924 = tpu.vector_load_idx %arg12[%add3A_907, %add3A_915] : memref<128x16xf32, #tpu.memory_space<vmem>>[vector<16xi32>, vector<16xi32>], vector<16xf32>,
      %gather3A_925 = tpu.vector_load_idx %arg13[%add3A_907, %add3A_923] : memref<128x16xf32, #tpu.memory_space<vmem>>[vector<16xi32>, vector<16xi32>], vector<16xf32>,
      %add3A_926 = arith.addf %gather3A_924, %gather3A_925 : vector<16xf32>
      %exp3A_927 = math.exp %add3A_926 : vector<16xf32>
      %broadcast_in_dim3A_928 = arith.constant 0 : i32
      %broadcast_in_dim3A_929 = vector.broadcast %broadcast_in_dim3A_928 : i32 to vector<16xi32>
      tpu.vector_store_idx %arg15[%add3A_907, %broadcast_in_dim3A_929], %exp3A_927 : memref<128x4xf32, #tpu.memory_space<vmem>>[vector<16xi32>, vector<16xi32>], vector<16xf32>,
      %broadcast_in_dim3A_930 = arith.constant 64 : i32
      %broadcast_in_dim3A_931 = vector.broadcast %broadcast_in_dim3A_930 : i32 to vector<16xi32>
      tpu.vector_store_idx %arg16[%add3A_907, %broadcast_in_dim3A_931], %exp3A_927 : memref<128x72xf32, #tpu.memory_space<vmem>>[vector<16xi32>, vector<16xi32>], vector<16xf32>,
      %broadcast_in_dim3A_932 = arith.constant 0 : i32
      %broadcast_in_dim3A_933 = vector.broadcast %broadcast_in_dim3A_932 : i32 to vector<16xi32>
      %mul3A_934 = arith.constant 4 : i32
      %mul3A_935 = arith.muli %mul3A_934, %arg0 : i32
      %add3A_936 = arith.constant 1 : i32
      %add3A_937 = arith.addi %mul3A_935, %add3A_936 : i32
      %add3A_938 = vector.broadcast %add3A_937 : i32 to vector<16xi32>
      %add3A_939 = arith.addi %broadcast_in_dim3A_933, %add3A_938 : vector<16xi32>
      %broadcast_in_dim3A_940 = arith.constant 8 : i32
      %broadcast_in_dim3A_941 = vector.broadcast %broadcast_in_dim3A_940 : i32 to vector<16xi32>
      %mul3A_942 = arith.constant 4 : i32
      %mul3A_943 = arith.muli %mul3A_942, %arg0 : i32
      %add3A_944 = arith.constant 1 : i32
      %add3A_945 = arith.addi %mul3A_943, %add3A_944 : i32
      %add3A_946 = vector.broadcast %add3A_945 : i32 to vector<16xi32>
      %add3A_947 = arith.addi %broadcast_in_dim3A_941, %add3A_946 : vector<16xi32>
      %gather3A_948 = tpu.vector_load_idx %arg12[%add3A_907, %add3A_939] : memref<128x16xf32, #tpu.memory_space<vmem>>[vector<16xi32>, vector<16xi32>], vector<16xf32>,
      %gather3A_949 = tpu.vector_load_idx %arg13[%add3A_907, %add3A_947] : memref<128x16xf32, #tpu.memory_space<vmem>>[vector<16xi32>, vector<16xi32>], vector<16xf32>,
      %add3A_950 = arith.addf %gather3A_948, %gather3A_949 : vector<16xf32>
      %exp3A_951 = math.exp %add3A_950 : vector<16xf32>
      %broadcast_in_dim3A_952 = arith.constant 1 : i32
      %broadcast_in_dim3A_953 = vector.broadcast %broadcast_in_dim3A_952 : i32 to vector<16xi32>
      tpu.vector_store_idx %arg15[%add3A_907, %broadcast_in_dim3A_953], %exp3A_951 : memref<128x4xf32, #tpu.memory_space<vmem>>[vector<16xi32>, vector<16xi32>], vector<16xf32>,
      %broadcast_in_dim3A_954 = arith.constant 65 : i32
      %broadcast_in_dim3A_955 = vector.broadcast %broadcast_in_dim3A_954 : i32 to vector<16xi32>
      tpu.vector_store_idx %arg16[%add3A_907, %broadcast_in_dim3A_955], %exp3A_951 : memref<128x72xf32, #tpu.memory_space<vmem>>[vector<16xi32>, vector<16xi32>], vector<16xf32>,
      %broadcast_in_dim3A_956 = arith.constant 0 : i32
      %broadcast_in_dim3A_957 = vector.broadcast %broadcast_in_dim3A_956 : i32 to vector<16xi32>
      %mul3A_958 = arith.constant 4 : i32
      %mul3A_959 = arith.muli %mul3A_958, %arg0 : i32
      %add3A_960 = arith.constant 2 : i32
      %add3A_961 = arith.addi %mul3A_959, %add3A_960 : i32
      %add3A_962 = vector.broadcast %add3A_961 : i32 to vector<16xi32>
      %add3A_963 = arith.addi %broadcast_in_dim3A_957, %add3A_962 : vector<16xi32>
      %broadcast_in_dim3A_964 = arith.constant 8 : i32
      %broadcast_in_dim3A_965 = vector.broadcast %broadcast_in_dim3A_964 : i32 to vector<16xi32>
      %mul3A_966 = arith.constant 4 : i32
      %mul3A_967 = arith.muli %mul3A_966, %arg0 : i32
      %add3A_968 = arith.constant 2 : i32
      %add3A_969 = arith.addi %mul3A_967, %add3A_968 : i32
      %add3A_970 = vector.broadcast %add3A_969 : i32 to vector<16xi32>
      %add3A_971 = arith.addi %broadcast_in_dim3A_965, %add3A_970 : vector<16xi32>
      %gather3A_972 = tpu.vector_load_idx %arg12[%add3A_907, %add3A_963] : memref<128x16xf32, #tpu.memory_space<vmem>>[vector<16xi32>, vector<16xi32>], vector<16xf32>,
      %gather3A_973 = tpu.vector_load_idx %arg13[%add3A_907, %add3A_971] : memref<128x16xf32, #tpu.memory_space<vmem>>[vector<16xi32>, vector<16xi32>], vector<16xf32>,
      %add3A_974 = arith.addf %gather3A_972, %gather3A_973 : vector<16xf32>
      %exp3A_975 = math.exp %add3A_974 : vector<16xf32>
      %broadcast_in_dim3A_976 = arith.constant 2 : i32
      %broadcast_in_dim3A_977 = vector.broadcast %broadcast_in_dim3A_976 : i32 to vector<16xi32>
      tpu.vector_store_idx %arg15[%add3A_907, %broadcast_in_dim3A_977], %exp3A_975 : memref<128x4xf32, #tpu.memory_space<vmem>>[vector<16xi32>, vector<16xi32>], vector<16xf32>,
      %broadcast_in_dim3A_978 = arith.constant 66 : i32
      %broadcast_in_dim3A_979 = vector.broadcast %broadcast_in_dim3A_978 : i32 to vector<16xi32>
      tpu.vector_store_idx %arg16[%add3A_907, %broadcast_in_dim3A_979], %exp3A_975 : memref<128x72xf32, #tpu.memory_space<vmem>>[vector<16xi32>, vector<16xi32>], vector<16xf32>,
      %broadcast_in_dim3A_980 = arith.constant 0 : i32
      %broadcast_in_dim3A_981 = vector.broadcast %broadcast_in_dim3A_980 : i32 to vector<16xi32>
      %mul3A_982 = arith.constant 4 : i32
      %mul3A_983 = arith.muli %mul3A_982, %arg0 : i32
      %add3A_984 = arith.constant 3 : i32
      %add3A_985 = arith.addi %mul3A_983, %add3A_984 : i32
      %add3A_986 = vector.broadcast %add3A_985 : i32 to vector<16xi32>
      %add3A_987 = arith.addi %broadcast_in_dim3A_981, %add3A_986 : vector<16xi32>
      %broadcast_in_dim3A_988 = arith.constant 8 : i32
      %broadcast_in_dim3A_989 = vector.broadcast %broadcast_in_dim3A_988 : i32 to vector<16xi32>
      %mul3A_990 = arith.constant 4 : i32
      %mul3A_991 = arith.muli %mul3A_990, %arg0 : i32
      %add3A_992 = arith.constant 3 : i32
      %add3A_993 = arith.addi %mul3A_991, %add3A_992 : i32
      %add3A_994 = vector.broadcast %add3A_993 : i32 to vector<16xi32>
      %add3A_995 = arith.addi %broadcast_in_dim3A_989, %add3A_994 : vector<16xi32>
      %gather3A_996 = tpu.vector_load_idx %arg12[%add3A_907, %add3A_987] : memref<128x16xf32, #tpu.memory_space<vmem>>[vector<16xi32>, vector<16xi32>], vector<16xf32>,
      %gather3A_997 = tpu.vector_load_idx %arg13[%add3A_907, %add3A_995] : memref<128x16xf32, #tpu.memory_space<vmem>>[vector<16xi32>, vector<16xi32>], vector<16xf32>,
      %add3A_998 = arith.addf %gather3A_996, %gather3A_997 : vector<16xf32>
      %exp3A_999 = math.exp %add3A_998 : vector<16xf32>
      %broadcast_in_dim3A_1000 = arith.constant 3 : i32
      %broadcast_in_dim3A_1001 = vector.broadcast %broadcast_in_dim3A_1000 : i32 to vector<16xi32>
      tpu.vector_store_idx %arg15[%add3A_907, %broadcast_in_dim3A_1001], %exp3A_999 : memref<128x4xf32, #tpu.memory_space<vmem>>[vector<16xi32>, vector<16xi32>], vector<16xf32>,
      %broadcast_in_dim3A_1002 = arith.constant 67 : i32
      %broadcast_in_dim3A_1003 = vector.broadcast %broadcast_in_dim3A_1002 : i32 to vector<16xi32>
      tpu.vector_store_idx %arg16[%add3A_907, %broadcast_in_dim3A_1003], %exp3A_999 : memref<128x72xf32, #tpu.memory_space<vmem>>[vector<16xi32>, vector<16xi32>], vector<16xf32>,
      %dma_wait3A_1004 = arith.constant 0 : i32
      %dma_wait3A_1005 = arith.constant 0 : i32
      %dma_wait3A_1006 = tpu.memref_slice %arg5[%dma_wait3A_1004, %dma_wait3A_1005] : memref<20000x64xf32, #tpu.memory_space<hbm>> -> memref<20000x64xf32, #tpu.memory_space<hbm>>
      tpu.wait_indirect_dma semaphore(%arg21 : memref<!tpu.dma_semaphore, #tpu.memory_space<semaphore_mem>>) src(%dma_wait3A_1006 : memref<20000x64xf32, #tpu.memory_space<hbm>>) dst(%arg14 : memref<128x64xf32, #tpu.memory_space<vmem>>)
      %scan3A_1007 = arith.constant 0 : i32
      %scan3A_1008 = arith.constant 0 : i32
      %scan3A_1009 = arith.constant 128 : i32
      %scan3A_1010 = arith.addi %scan3A_1008, %scan3A_1009 : i32
      %scan3A_1011 = arith.constant 1 : i32
      scf.for %scan3A_1013 = %scan3A_1008 to %scan3A_1010 step %scan3A_1011  : i32 {
        %broadcast_in_dim3A_1014 = vector.broadcast %scan3A_1013 : i32 to vector<16xi32>
        %broadcast_in_dim3A_1015 = arith.constant 0 : i32
        %broadcast_in_dim3A_1016 = vector.broadcast %broadcast_in_dim3A_1015 : i32 to vector<16xi32>
        %gather3A_1017 = tpu.vector_load_idx %arg15[%broadcast_in_dim3A_1014, %broadcast_in_dim3A_1016] : memref<128x4xf32, #tpu.memory_space<vmem>>[vector<16xi32>, vector<16xi32>], vector<16xf32>,
        %get3A_1018 = arith.index_cast %scan3A_1013 : i32 to index
        %get3A_1019 = arith.constant 0 : index
        %get3A_1020 = tpu.vector_load %arg14[%get3A_1018, %get3A_1019] {strides = array<i32>} : memref<128x64xf32, #tpu.memory_space<vmem>>, vector<16xf32>,
        %mul3A_1021 = arith.mulf %get3A_1020, %gather3A_1017 : vector<16xf32>
        %swap3A_1022 = arith.index_cast %scan3A_1013 : i32 to index
        %swap3A_1023 = arith.constant 0 : index
        %swap3A_1024 = tpu.vector_load %arg16[%swap3A_1022, %swap3A_1023] {strides = array<i32>} : memref<128x72xf32, #tpu.memory_space<vmem>>, vector<16xf32>,
        tpu.vector_store %arg16[%swap3A_1022, %swap3A_1023], %mul3A_1021 {strides = array<i32>} : memref<128x72xf32, #tpu.memory_space<vmem>>, vector<16xf32>,
        %broadcast_in_dim3A_1025 = vector.broadcast %scan3A_1013 : i32 to vector<16xi32>
        %broadcast_in_dim3A_1026 = arith.constant 1 : i32
        %broadcast_in_dim3A_1027 = vector.broadcast %broadcast_in_dim3A_1026 : i32 to vector<16xi32>
        %gather3A_1028 = tpu.vector_load_idx %arg15[%broadcast_in_dim3A_1025, %broadcast_in_dim3A_1027] : memref<128x4xf32, #tpu.memory_space<vmem>>[vector<16xi32>, vector<16xi32>], vector<16xf32>,
        %get3A_1029 = arith.index_cast %scan3A_1013 : i32 to index
        %get3A_1030 = arith.constant 16 : index
        %get3A_1031 = tpu.vector_load %arg14[%get3A_1029, %get3A_1030] {strides = array<i32>} : memref<128x64xf32, #tpu.memory_space<vmem>>, vector<16xf32>,
        %mul3A_1032 = arith.mulf %get3A_1031, %gather3A_1028 : vector<16xf32>
        %swap3A_1033 = arith.index_cast %scan3A_1013 : i32 to index
        %swap3A_1034 = arith.constant 16 : index
        %swap3A_1035 = tpu.vector_load %arg16[%swap3A_1033, %swap3A_1034] {strides = array<i32>} : memref<128x72xf32, #tpu.memory_space<vmem>>, vector<16xf32>,
        tpu.vector_store %arg16[%swap3A_1033, %swap3A_1034], %mul3A_1032 {strides = array<i32>} : memref<128x72xf32, #tpu.memory_space<vmem>>, vector<16xf32>,
        %broadcast_in_dim3A_1036 = vector.broadcast %scan3A_1013 : i32 to vector<16xi32>
        %broadcast_in_dim3A_1037 = arith.constant 2 : i32
        %broadcast_in_dim3A_1038 = vector.broadcast %broadcast_in_dim3A_1037 : i32 to vector<16xi32>
        %gather3A_1039 = tpu.vector_load_idx %arg15[%broadcast_in_dim3A_1036, %broadcast_in_dim3A_1038] : memref<128x4xf32, #tpu.memory_space<vmem>>[vector<16xi32>, vector<16xi32>], vector<16xf32>,
        %get3A_1040 = arith.index_cast %scan3A_1013 : i32 to index
        %get3A_1041 = arith.constant 32 : index
        %get3A_1042 = tpu.vector_load %arg14[%get3A_1040, %get3A_1041] {strides = array<i32>} : memref<128x64xf32, #tpu.memory_space<vmem>>, vector<16xf32>,
        %mul3A_1043 = arith.mulf %get3A_1042, %gather3A_1039 : vector<16xf32>
        %swap3A_1044 = arith.index_cast %scan3A_1013 : i32 to index
        %swap3A_1045 = arith.constant 32 : index
        %swap3A_1046 = tpu.vector_load %arg16[%swap3A_1044, %swap3A_1045] {strides = array<i32>} : memref<128x72xf32, #tpu.memory_space<vmem>>, vector<16xf32>,
        tpu.vector_store %arg16[%swap3A_1044, %swap3A_1045], %mul3A_1043 {strides = array<i32>} : memref<128x72xf32, #tpu.memory_space<vmem>>, vector<16xf32>,
        %broadcast_in_dim3A_1047 = vector.broadcast %scan3A_1013 : i32 to vector<16xi32>
        %broadcast_in_dim3A_1048 = arith.constant 3 : i32
        %broadcast_in_dim3A_1049 = vector.broadcast %broadcast_in_dim3A_1048 : i32 to vector<16xi32>
        %gather3A_1050 = tpu.vector_load_idx %arg15[%broadcast_in_dim3A_1047, %broadcast_in_dim3A_1049] : memref<128x4xf32, #tpu.memory_space<vmem>>[vector<16xi32>, vector<16xi32>], vector<16xf32>,
        %get3A_1051 = arith.index_cast %scan3A_1013 : i32 to index
        %get3A_1052 = arith.constant 48 : index
        %get3A_1053 = tpu.vector_load %arg14[%get3A_1051, %get3A_1052] {strides = array<i32>} : memref<128x64xf32, #tpu.memory_space<vmem>>, vector<16xf32>,
        %mul3A_1054 = arith.mulf %get3A_1053, %gather3A_1050 : vector<16xf32>
        %swap3A_1055 = arith.index_cast %scan3A_1013 : i32 to index
        %swap3A_1056 = arith.constant 48 : index
        %swap3A_1057 = tpu.vector_load %arg16[%swap3A_1055, %swap3A_1056] {strides = array<i32>} : memref<128x72xf32, #tpu.memory_space<vmem>>, vector<16xf32>,
        tpu.vector_store %arg16[%swap3A_1055, %swap3A_1056], %mul3A_1054 {strides = array<i32>} : memref<128x72xf32, #tpu.memory_space<vmem>>, vector<16xf32>,
      }
      %scan3A_1012 = arith.constant 128 : i32
      "tpu.region"() ({
        %run_scoped3A = tpu.sem_alloc : memref<!tpu.dma_semaphore, #tpu.memory_space<semaphore_mem>>
        %dma_start3A_1013 = arith.constant 0 : i32
        %dma_start3A_1014 = arith.constant 0 : i32
        %dma_start3A_1015 = tpu.memref_slice %arg8[%dma_start3A_1013, %dma_start3A_1014] : memref<10000x72xf32, #tpu.memory_space<vmem_shared>> -> memref<10000x72xf32, #tpu.memory_space<vmem_shared>>
        tpu.enqueue_indirect_dma source(%arg16 : memref<128x72xf32, #tpu.memory_space<vmem>>) target(%dma_start3A_1015 : memref<10000x72xf32, #tpu.memory_space<vmem_shared>>) offsets(%arg10 : memref<128xi32, #tpu.memory_space<vmem>>) semaphore(%run_scoped3A : memref<!tpu.dma_semaphore, #tpu.memory_space<semaphore_mem>>) {add = true}
        %dma_wait3A_1016 = arith.constant 0 : i32
        %dma_wait3A_1017 = arith.constant 0 : i32
        %dma_wait3A_1018 = tpu.memref_slice %arg8[%dma_wait3A_1016, %dma_wait3A_1017] : memref<10000x72xf32, #tpu.memory_space<vmem_shared>> -> memref<10000x72xf32, #tpu.memory_space<vmem_shared>>
        tpu.wait_indirect_dma semaphore(%run_scoped3A : memref<!tpu.dma_semaphore, #tpu.memory_space<semaphore_mem>>) src(%arg16 : memref<128x72xf32, #tpu.memory_space<vmem>>) dst(%dma_wait3A_1018 : memref<10000x72xf32, #tpu.memory_space<vmem_shared>>)
        tpu.yield
      }) : () -> ()
    }
    %barrier3A_122 = arith.constant 0 : index
    tpu.barrier barrier_id(%barrier3A_122)
    %scan3A = arith.constant 0 : i32
    %scan3A_123 = arith.constant 0 : i32
    %scan3A_124 = arith.constant 13 : i32
    %scan3A_125 = arith.addi %scan3A_123, %scan3A_124 : i32
    %scan3A_126 = arith.constant 1 : i32
    scf.for %scan3A_133 = %scan3A_123 to %scan3A_125 step %scan3A_126  : i32 {
      %mul3A_134 = arith.constant 624 : i32
      %mul3A_135 = arith.muli %arg1, %mul3A_134 : i32
      %mul3A_136 = arith.constant 48 : i32
      %mul3A_137 = arith.muli %scan3A_133, %mul3A_136 : i32
      %add3A_138 = arith.addi %mul3A_135, %mul3A_137 : i32
      "tpu.region"() ({
        %run_scoped3A = tpu.sem_alloc : memref<!tpu.dma_semaphore, #tpu.memory_space<semaphore_mem>>
        %dma_start3A = arith.constant 0 : i32
        %dma_start3A_145 = tpu.memref_slice %arg8[%add3A_138, %dma_start3A] : memref<10000x72xf32, #tpu.memory_space<vmem_shared>> -> memref<48x72xf32, #tpu.memory_space<vmem_shared>>
        %dma_start3A_146 = arith.constant 0 : i32
        %dma_start3A_147 = tpu.memref_slice %arg8[%add3A_138, %dma_start3A_146] : memref<10000x72xf32, #tpu.memory_space<vmem_shared>> -> memref<48x72xf32, #tpu.memory_space<vmem_shared>>
        tpu.enqueue_dma source(%dma_start3A_147 : memref<48x72xf32, #tpu.memory_space<vmem_shared>>) target(%arg17 : memref<48x72xf32, #tpu.memory_space<vmem>>) target_semaphore(%run_scoped3A : memref<!tpu.dma_semaphore, #tpu.memory_space<semaphore_mem>>)
        %dma_wait3A = arith.constant 0 : i32
        %dma_wait3A_148 = tpu.memref_slice %arg8[%add3A_138, %dma_wait3A] : memref<10000x72xf32, #tpu.memory_space<vmem_shared>> -> memref<48x72xf32, #tpu.memory_space<vmem_shared>>
        %dma_wait3A_149 = arith.constant 0 : i32
        %dma_wait3A_150 = tpu.memref_slice %arg8[%add3A_138, %dma_wait3A_149] : memref<10000x72xf32, #tpu.memory_space<vmem_shared>> -> memref<48x72xf32, #tpu.memory_space<vmem_shared>>
        tpu.wait_dma2 semaphore(%run_scoped3A : memref<!tpu.dma_semaphore, #tpu.memory_space<semaphore_mem>>) src(%dma_wait3A_150 : memref<48x72xf32, #tpu.memory_space<vmem_shared>>) dst(%arg17 : memref<48x72xf32, #tpu.memory_space<vmem>>)
        tpu.yield
      }) : () -> ()
      %scan3A_139 = arith.constant 0 : i32
      %scan3A_140 = arith.constant 0 : i32
      %scan3A_141 = arith.constant 48 : i32
      %scan3A_142 = arith.addi %scan3A_140, %scan3A_141 : i32
      %scan3A_143 = arith.constant 1 : i32
      scf.for %scan3A_145 = %scan3A_140 to %scan3A_142 step %scan3A_143  : i32 {
        %get3A = arith.index_cast %scan3A_145 : i32 to index
        %get3A_146 = arith.constant 56 : index
        %get3A_147 = tpu.vector_load %arg17[%get3A, %get3A_146] {strides = array<i32>} : memref<48x72xf32, #tpu.memory_space<vmem>>, vector<16xf32>,
        %slice3A = vector.extract_strided_slice %get3A_147 {offsets = [8], sizes = [1], strides = [1]} : vector<16xf32> to vector<1xf32>
        %squeeze3A = vector.extract %slice3A[0] : f32 from vector<1xf32>
        %max3A = arith.constant 9.99999991E-38 : f32
        %max3A_148 = arith.maximumf %squeeze3A, %max3A : f32
        %get3A_149 = arith.index_cast %scan3A_145 : i32 to index
        %get3A_150 = arith.constant 0 : index
        %get3A_151 = tpu.vector_load %arg17[%get3A_149, %get3A_150] {strides = array<i32>} : memref<48x72xf32, #tpu.memory_space<vmem>>, vector<16xf32>,
        %div3A_152 = vector.broadcast %max3A_148 : f32 to vector<16xf32>
        %div3A_153 = arith.divf %get3A_151, %div3A_152 : vector<16xf32>
        %swap3A = arith.index_cast %scan3A_145 : i32 to index
        %swap3A_154 = arith.constant 0 : index
        %swap3A_155 = tpu.vector_load %arg18[%swap3A, %swap3A_154] {strides = array<i32>} : memref<48x64xf32, #tpu.memory_space<vmem>>, vector<16xf32>,
        tpu.vector_store %arg18[%swap3A, %swap3A_154], %div3A_153 {strides = array<i32>} : memref<48x64xf32, #tpu.memory_space<vmem>>, vector<16xf32>,
        %slice3A_156 = vector.extract_strided_slice %get3A_147 {offsets = [9], sizes = [1], strides = [1]} : vector<16xf32> to vector<1xf32>
        %squeeze3A_157 = vector.extract %slice3A_156[0] : f32 from vector<1xf32>
        %max3A_158 = arith.constant 9.99999991E-38 : f32
        %max3A_159 = arith.maximumf %squeeze3A_157, %max3A_158 : f32
        %get3A_160 = arith.index_cast %scan3A_145 : i32 to index
        %get3A_161 = arith.constant 16 : index
        %get3A_162 = tpu.vector_load %arg17[%get3A_160, %get3A_161] {strides = array<i32>} : memref<48x72xf32, #tpu.memory_space<vmem>>, vector<16xf32>,
        %div3A_163 = vector.broadcast %max3A_159 : f32 to vector<16xf32>
        %div3A_164 = arith.divf %get3A_162, %div3A_163 : vector<16xf32>
        %swap3A_165 = arith.index_cast %scan3A_145 : i32 to index
        %swap3A_166 = arith.constant 16 : index
        %swap3A_167 = tpu.vector_load %arg18[%swap3A_165, %swap3A_166] {strides = array<i32>} : memref<48x64xf32, #tpu.memory_space<vmem>>, vector<16xf32>,
        tpu.vector_store %arg18[%swap3A_165, %swap3A_166], %div3A_164 {strides = array<i32>} : memref<48x64xf32, #tpu.memory_space<vmem>>, vector<16xf32>,
        %slice3A_168 = vector.extract_strided_slice %get3A_147 {offsets = [10], sizes = [1], strides = [1]} : vector<16xf32> to vector<1xf32>
        %squeeze3A_169 = vector.extract %slice3A_168[0] : f32 from vector<1xf32>
        %max3A_170 = arith.constant 9.99999991E-38 : f32
        %max3A_171 = arith.maximumf %squeeze3A_169, %max3A_170 : f32
        %get3A_172 = arith.index_cast %scan3A_145 : i32 to index
        %get3A_173 = arith.constant 32 : index
        %get3A_174 = tpu.vector_load %arg17[%get3A_172, %get3A_173] {strides = array<i32>} : memref<48x72xf32, #tpu.memory_space<vmem>>, vector<16xf32>,
        %div3A_175 = vector.broadcast %max3A_171 : f32 to vector<16xf32>
        %div3A_176 = arith.divf %get3A_174, %div3A_175 : vector<16xf32>
        %swap3A_177 = arith.index_cast %scan3A_145 : i32 to index
        %swap3A_178 = arith.constant 32 : index
        %swap3A_179 = tpu.vector_load %arg18[%swap3A_177, %swap3A_178] {strides = array<i32>} : memref<48x64xf32, #tpu.memory_space<vmem>>, vector<16xf32>,
        tpu.vector_store %arg18[%swap3A_177, %swap3A_178], %div3A_176 {strides = array<i32>} : memref<48x64xf32, #tpu.memory_space<vmem>>, vector<16xf32>,
        %slice3A_180 = vector.extract_strided_slice %get3A_147 {offsets = [11], sizes = [1], strides = [1]} : vector<16xf32> to vector<1xf32>
        %squeeze3A_181 = vector.extract %slice3A_180[0] : f32 from vector<1xf32>
        %max3A_182 = arith.constant 9.99999991E-38 : f32
        %max3A_183 = arith.maximumf %squeeze3A_181, %max3A_182 : f32
        %get3A_184 = arith.index_cast %scan3A_145 : i32 to index
        %get3A_185 = arith.constant 48 : index
        %get3A_186 = tpu.vector_load %arg17[%get3A_184, %get3A_185] {strides = array<i32>} : memref<48x72xf32, #tpu.memory_space<vmem>>, vector<16xf32>,
        %div3A_187 = vector.broadcast %max3A_183 : f32 to vector<16xf32>
        %div3A_188 = arith.divf %get3A_186, %div3A_187 : vector<16xf32>
        %swap3A_189 = arith.index_cast %scan3A_145 : i32 to index
        %swap3A_190 = arith.constant 48 : index
        %swap3A_191 = tpu.vector_load %arg18[%swap3A_189, %swap3A_190] {strides = array<i32>} : memref<48x64xf32, #tpu.memory_space<vmem>>, vector<16xf32>,
        tpu.vector_store %arg18[%swap3A_189, %swap3A_190], %div3A_188 {strides = array<i32>} : memref<48x64xf32, #tpu.memory_space<vmem>>, vector<16xf32>,
      }
      %scan3A_144 = arith.constant 48 : i32
      "tpu.region"() ({
        %run_scoped3A = tpu.sem_alloc : memref<!tpu.dma_semaphore, #tpu.memory_space<semaphore_mem>>
        %dma_start3A = arith.constant 0 : i32
        %dma_start3A_145 = tpu.memref_slice %arg7[%arg0, %add3A_138, %dma_start3A] : memref<2x10000x64xf32, #tpu.memory_space<hbm>> -> memref<1x48x64xf32, #tpu.memory_space<hbm>>
        %dma_start3A_146 = tpu.memref_squeeze %dma_start3A_145 : memref<1x48x64xf32, #tpu.memory_space<hbm>> -> memref<48x64xf32, #tpu.memory_space<hbm>>
        %dma_start3A_147 = arith.constant 0 : i32
        %dma_start3A_148 = tpu.memref_slice %arg7[%arg0, %add3A_138, %dma_start3A_147] : memref<2x10000x64xf32, #tpu.memory_space<hbm>> -> memref<1x48x64xf32, #tpu.memory_space<hbm>>
        %dma_start3A_149 = tpu.memref_squeeze %dma_start3A_148 : memref<1x48x64xf32, #tpu.memory_space<hbm>> -> memref<48x64xf32, #tpu.memory_space<hbm>>
        tpu.enqueue_dma source(%arg18 : memref<48x64xf32, #tpu.memory_space<vmem>>) target(%dma_start3A_149 : memref<48x64xf32, #tpu.memory_space<hbm>>) target_semaphore(%run_scoped3A : memref<!tpu.dma_semaphore, #tpu.memory_space<semaphore_mem>>)
        %dma_wait3A = arith.constant 0 : i32
        %dma_wait3A_150 = tpu.memref_slice %arg7[%arg0, %add3A_138, %dma_wait3A] : memref<2x10000x64xf32, #tpu.memory_space<hbm>> -> memref<1x48x64xf32, #tpu.memory_space<hbm>>
        %dma_wait3A_151 = tpu.memref_squeeze %dma_wait3A_150 : memref<1x48x64xf32, #tpu.memory_space<hbm>> -> memref<48x64xf32, #tpu.memory_space<hbm>>
        %dma_wait3A_152 = arith.constant 0 : i32
        %dma_wait3A_153 = tpu.memref_slice %arg7[%arg0, %add3A_138, %dma_wait3A_152] : memref<2x10000x64xf32, #tpu.memory_space<hbm>> -> memref<1x48x64xf32, #tpu.memory_space<hbm>>
        %dma_wait3A_154 = tpu.memref_squeeze %dma_wait3A_153 : memref<1x48x64xf32, #tpu.memory_space<hbm>> -> memref<48x64xf32, #tpu.memory_space<hbm>>
        tpu.wait_dma2 semaphore(%run_scoped3A : memref<!tpu.dma_semaphore, #tpu.memory_space<semaphore_mem>>) src(%arg18 : memref<48x64xf32, #tpu.memory_space<vmem>>) dst(%dma_wait3A_154 : memref<48x64xf32, #tpu.memory_space<hbm>>)
        tpu.yield
      }) : () -> ()
    }
    %scan3A_127 = arith.constant 13 : i32
    %eq3A_128 = arith.constant 0 : i32
    %eq3A_129 = arith.cmpi eq, %arg1, %eq3A_128 : i32
    %convert_element_type3A_130 = arith.extui %eq3A_129 : i1 to i32
    %cond3A_131 = arith.constant 0 : i32
    %cond3A_132 = arith.cmpi ne, %convert_element_type3A_130, %cond3A_131 : i32
    scf.if %cond3A_132 {
      "tpu.region"() ({
        %run_scoped3A = tpu.sem_alloc : memref<!tpu.dma_semaphore, #tpu.memory_space<semaphore_mem>>
        %dma_start3A = arith.constant 0 : i32
        %dma_start3A_139 = arith.constant 0 : i32
        %dma_start3A_140 = tpu.memref_slice %arg17[%dma_start3A, %dma_start3A_139] : memref<48x72xf32, #tpu.memory_space<vmem>> -> memref<16x72xf32, #tpu.memory_space<vmem>>
        %dma_start3A_141 = arith.constant 9984 : i32
        %dma_start3A_142 = arith.constant 0 : i32
        %dma_start3A_143 = tpu.memref_slice %arg8[%dma_start3A_141, %dma_start3A_142] : memref<10000x72xf32, #tpu.memory_space<vmem_shared>> -> memref<16x72xf32, #tpu.memory_space<vmem_shared>>
        %dma_start3A_144 = arith.constant 0 : i32
        %dma_start3A_145 = arith.constant 0 : i32
        %dma_start3A_146 = tpu.memref_slice %arg17[%dma_start3A_144, %dma_start3A_145] : memref<48x72xf32, #tpu.memory_space<vmem>> -> memref<16x72xf32, #tpu.memory_space<vmem>>
        %dma_start3A_147 = arith.constant 9984 : i32
        %dma_start3A_148 = arith.constant 0 : i32
        %dma_start3A_149 = tpu.memref_slice %arg8[%dma_start3A_147, %dma_start3A_148] : memref<10000x72xf32, #tpu.memory_space<vmem_shared>> -> memref<16x72xf32, #tpu.memory_space<vmem_shared>>
        tpu.enqueue_dma source(%dma_start3A_149 : memref<16x72xf32, #tpu.memory_space<vmem_shared>>) target(%dma_start3A_146 : memref<16x72xf32, #tpu.memory_space<vmem>>) target_semaphore(%run_scoped3A : memref<!tpu.dma_semaphore, #tpu.memory_space<semaphore_mem>>)
        %dma_wait3A = arith.constant 0 : i32
        %dma_wait3A_150 = arith.constant 0 : i32
        %dma_wait3A_151 = tpu.memref_slice %arg17[%dma_wait3A, %dma_wait3A_150] : memref<48x72xf32, #tpu.memory_space<vmem>> -> memref<16x72xf32, #tpu.memory_space<vmem>>
        %dma_wait3A_152 = arith.constant 9984 : i32
        %dma_wait3A_153 = arith.constant 0 : i32
        %dma_wait3A_154 = tpu.memref_slice %arg8[%dma_wait3A_152, %dma_wait3A_153] : memref<10000x72xf32, #tpu.memory_space<vmem_shared>> -> memref<16x72xf32, #tpu.memory_space<vmem_shared>>
        %dma_wait3A_155 = arith.constant 0 : i32
        %dma_wait3A_156 = arith.constant 0 : i32
        %dma_wait3A_157 = tpu.memref_slice %arg17[%dma_wait3A_155, %dma_wait3A_156] : memref<48x72xf32, #tpu.memory_space<vmem>> -> memref<16x72xf32, #tpu.memory_space<vmem>>
        %dma_wait3A_158 = arith.constant 9984 : i32
        %dma_wait3A_159 = arith.constant 0 : i32
        %dma_wait3A_160 = tpu.memref_slice %arg8[%dma_wait3A_158, %dma_wait3A_159] : memref<10000x72xf32, #tpu.memory_space<vmem_shared>> -> memref<16x72xf32, #tpu.memory_space<vmem_shared>>
        tpu.wait_dma2 semaphore(%run_scoped3A : memref<!tpu.dma_semaphore, #tpu.memory_space<semaphore_mem>>) src(%dma_wait3A_160 : memref<16x72xf32, #tpu.memory_space<vmem_shared>>) dst(%dma_wait3A_157 : memref<16x72xf32, #tpu.memory_space<vmem>>)
        tpu.yield
      }) : () -> ()
      %scan3A_133 = arith.constant 0 : i32
      %scan3A_134 = arith.constant 0 : i32
      %scan3A_135 = arith.constant 16 : i32
      %scan3A_136 = arith.addi %scan3A_134, %scan3A_135 : i32
      %scan3A_137 = arith.constant 1 : i32
      scf.for %scan3A_139 = %scan3A_134 to %scan3A_136 step %scan3A_137  : i32 {
        %get3A = arith.index_cast %scan3A_139 : i32 to index
        %get3A_140 = arith.constant 56 : index
        %get3A_141 = tpu.vector_load %arg17[%get3A, %get3A_140] {strides = array<i32>} : memref<48x72xf32, #tpu.memory_space<vmem>>, vector<16xf32>,
        %slice3A = vector.extract_strided_slice %get3A_141 {offsets = [8], sizes = [1], strides = [1]} : vector<16xf32> to vector<1xf32>
        %squeeze3A = vector.extract %slice3A[0] : f32 from vector<1xf32>
        %max3A = arith.constant 9.99999991E-38 : f32
        %max3A_142 = arith.maximumf %squeeze3A, %max3A : f32
        %get3A_143 = arith.index_cast %scan3A_139 : i32 to index
        %get3A_144 = arith.constant 0 : index
        %get3A_145 = tpu.vector_load %arg17[%get3A_143, %get3A_144] {strides = array<i32>} : memref<48x72xf32, #tpu.memory_space<vmem>>, vector<16xf32>,
        %div3A_146 = vector.broadcast %max3A_142 : f32 to vector<16xf32>
        %div3A_147 = arith.divf %get3A_145, %div3A_146 : vector<16xf32>
        %swap3A = arith.index_cast %scan3A_139 : i32 to index
        %swap3A_148 = arith.constant 0 : index
        %swap3A_149 = tpu.vector_load %arg18[%swap3A, %swap3A_148] {strides = array<i32>} : memref<48x64xf32, #tpu.memory_space<vmem>>, vector<16xf32>,
        tpu.vector_store %arg18[%swap3A, %swap3A_148], %div3A_147 {strides = array<i32>} : memref<48x64xf32, #tpu.memory_space<vmem>>, vector<16xf32>,
        %slice3A_150 = vector.extract_strided_slice %get3A_141 {offsets = [9], sizes = [1], strides = [1]} : vector<16xf32> to vector<1xf32>
        %squeeze3A_151 = vector.extract %slice3A_150[0] : f32 from vector<1xf32>
        %max3A_152 = arith.constant 9.99999991E-38 : f32
        %max3A_153 = arith.maximumf %squeeze3A_151, %max3A_152 : f32
        %get3A_154 = arith.index_cast %scan3A_139 : i32 to index
        %get3A_155 = arith.constant 16 : index
        %get3A_156 = tpu.vector_load %arg17[%get3A_154, %get3A_155] {strides = array<i32>} : memref<48x72xf32, #tpu.memory_space<vmem>>, vector<16xf32>,
        %div3A_157 = vector.broadcast %max3A_153 : f32 to vector<16xf32>
        %div3A_158 = arith.divf %get3A_156, %div3A_157 : vector<16xf32>
        %swap3A_159 = arith.index_cast %scan3A_139 : i32 to index
        %swap3A_160 = arith.constant 16 : index
        %swap3A_161 = tpu.vector_load %arg18[%swap3A_159, %swap3A_160] {strides = array<i32>} : memref<48x64xf32, #tpu.memory_space<vmem>>, vector<16xf32>,
        tpu.vector_store %arg18[%swap3A_159, %swap3A_160], %div3A_158 {strides = array<i32>} : memref<48x64xf32, #tpu.memory_space<vmem>>, vector<16xf32>,
        %slice3A_162 = vector.extract_strided_slice %get3A_141 {offsets = [10], sizes = [1], strides = [1]} : vector<16xf32> to vector<1xf32>
        %squeeze3A_163 = vector.extract %slice3A_162[0] : f32 from vector<1xf32>
        %max3A_164 = arith.constant 9.99999991E-38 : f32
        %max3A_165 = arith.maximumf %squeeze3A_163, %max3A_164 : f32
        %get3A_166 = arith.index_cast %scan3A_139 : i32 to index
        %get3A_167 = arith.constant 32 : index
        %get3A_168 = tpu.vector_load %arg17[%get3A_166, %get3A_167] {strides = array<i32>} : memref<48x72xf32, #tpu.memory_space<vmem>>, vector<16xf32>,
        %div3A_169 = vector.broadcast %max3A_165 : f32 to vector<16xf32>
        %div3A_170 = arith.divf %get3A_168, %div3A_169 : vector<16xf32>
        %swap3A_171 = arith.index_cast %scan3A_139 : i32 to index
        %swap3A_172 = arith.constant 32 : index
        %swap3A_173 = tpu.vector_load %arg18[%swap3A_171, %swap3A_172] {strides = array<i32>} : memref<48x64xf32, #tpu.memory_space<vmem>>, vector<16xf32>,
        tpu.vector_store %arg18[%swap3A_171, %swap3A_172], %div3A_170 {strides = array<i32>} : memref<48x64xf32, #tpu.memory_space<vmem>>, vector<16xf32>,
        %slice3A_174 = vector.extract_strided_slice %get3A_141 {offsets = [11], sizes = [1], strides = [1]} : vector<16xf32> to vector<1xf32>
        %squeeze3A_175 = vector.extract %slice3A_174[0] : f32 from vector<1xf32>
        %max3A_176 = arith.constant 9.99999991E-38 : f32
        %max3A_177 = arith.maximumf %squeeze3A_175, %max3A_176 : f32
        %get3A_178 = arith.index_cast %scan3A_139 : i32 to index
        %get3A_179 = arith.constant 48 : index
        %get3A_180 = tpu.vector_load %arg17[%get3A_178, %get3A_179] {strides = array<i32>} : memref<48x72xf32, #tpu.memory_space<vmem>>, vector<16xf32>,
        %div3A_181 = vector.broadcast %max3A_177 : f32 to vector<16xf32>
        %div3A_182 = arith.divf %get3A_180, %div3A_181 : vector<16xf32>
        %swap3A_183 = arith.index_cast %scan3A_139 : i32 to index
        %swap3A_184 = arith.constant 48 : index
        %swap3A_185 = tpu.vector_load %arg18[%swap3A_183, %swap3A_184] {strides = array<i32>} : memref<48x64xf32, #tpu.memory_space<vmem>>, vector<16xf32>,
        tpu.vector_store %arg18[%swap3A_183, %swap3A_184], %div3A_182 {strides = array<i32>} : memref<48x64xf32, #tpu.memory_space<vmem>>, vector<16xf32>,
      }
      %scan3A_138 = arith.constant 16 : i32
      "tpu.region"() ({
        %run_scoped3A = tpu.sem_alloc : memref<!tpu.dma_semaphore, #tpu.memory_space<semaphore_mem>>
        %dma_start3A = arith.constant 0 : i32
        %dma_start3A_139 = arith.constant 0 : i32
        %dma_start3A_140 = tpu.memref_slice %arg18[%dma_start3A, %dma_start3A_139] : memref<48x64xf32, #tpu.memory_space<vmem>> -> memref<16x64xf32, #tpu.memory_space<vmem>>
        %dma_start3A_141 = arith.constant 9984 : i32
        %dma_start3A_142 = arith.constant 0 : i32
        %dma_start3A_143 = tpu.memref_slice %arg7[%arg0, %dma_start3A_141, %dma_start3A_142] : memref<2x10000x64xf32, #tpu.memory_space<hbm>> -> memref<1x16x64xf32, #tpu.memory_space<hbm>>
        %dma_start3A_144 = tpu.memref_squeeze %dma_start3A_143 : memref<1x16x64xf32, #tpu.memory_space<hbm>> -> memref<16x64xf32, #tpu.memory_space<hbm>>
        %dma_start3A_145 = arith.constant 9984 : i32
        %dma_start3A_146 = arith.constant 0 : i32
        %dma_start3A_147 = tpu.memref_slice %arg7[%arg0, %dma_start3A_145, %dma_start3A_146] : memref<2x10000x64xf32, #tpu.memory_space<hbm>> -> memref<1x16x64xf32, #tpu.memory_space<hbm>>
        %dma_start3A_148 = tpu.memref_squeeze %dma_start3A_147 : memref<1x16x64xf32, #tpu.memory_space<hbm>> -> memref<16x64xf32, #tpu.memory_space<hbm>>
        %dma_start3A_149 = arith.constant 0 : i32
        %dma_start3A_150 = arith.constant 0 : i32
        %dma_start3A_151 = tpu.memref_slice %arg18[%dma_start3A_149, %dma_start3A_150] : memref<48x64xf32, #tpu.memory_space<vmem>> -> memref<16x64xf32, #tpu.memory_space<vmem>>
        tpu.enqueue_dma source(%dma_start3A_151 : memref<16x64xf32, #tpu.memory_space<vmem>>) target(%dma_start3A_148 : memref<16x64xf32, #tpu.memory_space<hbm>>) target_semaphore(%run_scoped3A : memref<!tpu.dma_semaphore, #tpu.memory_space<semaphore_mem>>)
        %dma_wait3A = arith.constant 0 : i32
        %dma_wait3A_152 = arith.constant 0 : i32
        %dma_wait3A_153 = tpu.memref_slice %arg18[%dma_wait3A, %dma_wait3A_152] : memref<48x64xf32, #tpu.memory_space<vmem>> -> memref<16x64xf32, #tpu.memory_space<vmem>>
        %dma_wait3A_154 = arith.constant 9984 : i32
        %dma_wait3A_155 = arith.constant 0 : i32
        %dma_wait3A_156 = tpu.memref_slice %arg7[%arg0, %dma_wait3A_154, %dma_wait3A_155] : memref<2x10000x64xf32, #tpu.memory_space<hbm>> -> memref<1x16x64xf32, #tpu.memory_space<hbm>>
        %dma_wait3A_157 = tpu.memref_squeeze %dma_wait3A_156 : memref<1x16x64xf32, #tpu.memory_space<hbm>> -> memref<16x64xf32, #tpu.memory_space<hbm>>
        %dma_wait3A_158 = arith.constant 9984 : i32
        %dma_wait3A_159 = arith.constant 0 : i32
        %dma_wait3A_160 = tpu.memref_slice %arg7[%arg0, %dma_wait3A_158, %dma_wait3A_159] : memref<2x10000x64xf32, #tpu.memory_space<hbm>> -> memref<1x16x64xf32, #tpu.memory_space<hbm>>
        %dma_wait3A_161 = tpu.memref_squeeze %dma_wait3A_160 : memref<1x16x64xf32, #tpu.memory_space<hbm>> -> memref<16x64xf32, #tpu.memory_space<hbm>>
        %dma_wait3A_162 = arith.constant 0 : i32
        %dma_wait3A_163 = arith.constant 0 : i32
        %dma_wait3A_164 = tpu.memref_slice %arg18[%dma_wait3A_162, %dma_wait3A_163] : memref<48x64xf32, #tpu.memory_space<vmem>> -> memref<16x64xf32, #tpu.memory_space<vmem>>
        tpu.wait_dma2 semaphore(%run_scoped3A : memref<!tpu.dma_semaphore, #tpu.memory_space<semaphore_mem>>) src(%dma_wait3A_164 : memref<16x64xf32, #tpu.memory_space<vmem>>) dst(%dma_wait3A_161 : memref<16x64xf32, #tpu.memory_space<hbm>>)
        tpu.yield
      }) : () -> ()
    } else {
    }
    return
  }
}

module attributes {stable_mosaic.version = 14 : i64} {
  func.func @_tc_body(%arg0: i32, %arg1: memref<400x128xf32, #tpu.memory_space<vmem>>, %arg2: memref<128x128xf32, #tpu.memory_space<vmem>>, %arg3: memref<1x128xf32, #tpu.memory_space<vmem>>, %arg4: memref<128x16xf32, #tpu.memory_space<vmem>>, %arg5: memref<1x16xf32, #tpu.memory_space<vmem>>, %arg6: memref<2x400x64xf32, #tpu.memory_space<vmem>>, %arg7: memref<400x16xf32, #tpu.memory_space<vmem>>) attributes {dimension_semantics = [#tpu.dimension_semantics<arbitrary>], iteration_bounds = array<i64: 25>, scalar_prefetch = 0 : i64, scratch_operands = 0 : i64, tpu.core_type = #tpu.core_type<tc>, window_params = [{transform_indices = @transform_0, window_bounds = array<i64: 400, 128>}, {pipeline_mode = #tpu.pipeline_mode<synchronous>, transform_indices = @transform_1, window_bounds = array<i64: 128, 128>}, {pipeline_mode = #tpu.pipeline_mode<synchronous>, transform_indices = @transform_2, window_bounds = array<i64: 1, 128>}, {pipeline_mode = #tpu.pipeline_mode<synchronous>, transform_indices = @transform_3, window_bounds = array<i64: 128, 16>}, {pipeline_mode = #tpu.pipeline_mode<synchronous>, transform_indices = @transform_4, window_bounds = array<i64: 1, 16>}, {transform_indices = @transform_5, window_bounds = array<i64: 2, 400, 64>}, {transform_indices = @transform_6, window_bounds = array<i64: 400, 16>}]} {
    %get3A = arith.constant 0 : index
    %get3A_0 = arith.constant 0 : index
    %get3A_1 = vector.load %arg1[%get3A, %get3A_0] : memref<400x128xf32, #tpu.memory_space<vmem>>, vector<400x128xf32>
    %get3A_2 = arith.constant 0 : index
    %get3A_3 = arith.constant 0 : index
    %get3A_4 = vector.load %arg2[%get3A_2, %get3A_3] : memref<128x128xf32, #tpu.memory_space<vmem>>, vector<128x128xf32>
    %dot_general3A = arith.constant dense<0.000000e+00> : vector<400x128xf32>
    %dot_general3A_5 = tpu.matmul %get3A_1, %get3A_4, %dot_general3A {dimension_numbers = #tpu.dot_dimension_numbers<[1], [0], [0], [1], [0, 0, 1, 1], [], []>, transpose_lhs_hint = false} : vector<400x128xf32>, vector<128x128xf32>, vector<400x128xf32> -> vector<400x128xf32>
    %get3A_6 = arith.constant 0 : index
    %get3A_7 = arith.constant 0 : index
    %get3A_8 = vector.load %arg3[%get3A_6, %get3A_7] : memref<1x128xf32, #tpu.memory_space<vmem>>, vector<1x128xf32>
    %add3A = vector.broadcast %get3A_8 : vector<1x128xf32> to vector<400x128xf32>
    %add3A_9 = arith.addf %dot_general3A_5, %add3A : vector<400x128xf32>
    %ge3A = arith.constant 0.000000e+00 : f32
    %ge3A_10 = vector.broadcast %ge3A : f32 to vector<400x128xf32>
    %ge3A_11 = arith.cmpf oge, %add3A_9, %ge3A_10 : vector<400x128xf32>
    %mul3A = arith.constant 2.000000e-01 : f32
    %mul3A_12 = vector.broadcast %mul3A : f32 to vector<400x128xf32>
    %mul3A_13 = arith.mulf %mul3A_12, %add3A_9 : vector<400x128xf32>
    %select_n3A = arith.select %ge3A_11, %add3A_9, %mul3A_13 : vector<400x128xi1>, vector<400x128xf32>
    %get3A_14 = arith.constant 0 : index
    %get3A_15 = arith.constant 0 : index
    %get3A_16 = vector.load %arg4[%get3A_14, %get3A_15] : memref<128x16xf32, #tpu.memory_space<vmem>>, vector<128x16xf32>
    %dot_general3A_17 = arith.constant dense<0.000000e+00> : vector<400x16xf32>
    %dot_general3A_18 = tpu.matmul %select_n3A, %get3A_16, %dot_general3A_17 {dimension_numbers = #tpu.dot_dimension_numbers<[1], [0], [0], [1], [0, 0, 1, 1], [], []>, transpose_lhs_hint = false} : vector<400x128xf32>, vector<128x16xf32>, vector<400x16xf32> -> vector<400x16xf32>
    %get3A_19 = arith.constant 0 : index
    %get3A_20 = arith.constant 0 : index
    %get3A_21 = vector.load %arg5[%get3A_19, %get3A_20] : memref<1x16xf32, #tpu.memory_space<vmem>>, vector<1x16xf32>
    %add3A_22 = vector.broadcast %get3A_21 : vector<1x16xf32> to vector<400x16xf32>
    %add3A_23 = arith.addf %dot_general3A_18, %add3A_22 : vector<400x16xf32>
    %swap3A = arith.constant 0 : index
    %swap3A_24 = arith.constant 0 : index
    %swap3A_25 = vector.load %arg7[%swap3A, %swap3A_24] : memref<400x16xf32, #tpu.memory_space<vmem>>, vector<400x16xf32>
    tpu.vector_store %arg7[%swap3A, %swap3A_24], %add3A_23 {strides = array<i32>} : memref<400x16xf32, #tpu.memory_space<vmem>>, vector<400x16xf32>,
    %slice3A = vector.extract_strided_slice %add3A_9 {offsets = [0, 0], sizes = [400, 64], strides = [1, 1]} : vector<400x128xf32> to vector<400x64xf32>
    %swap3A_26 = arith.constant 0 : index
    %swap3A_27 = arith.constant 0 : index
    %swap3A_28 = arith.constant 0 : index
    %swap3A_29 = vector.load %arg6[%swap3A_26, %swap3A_27, %swap3A_28] : memref<2x400x64xf32, #tpu.memory_space<vmem>>, vector<1x400x64xf32>
    %swap3A_30 = vector.shape_cast %swap3A_29 : vector<1x400x64xf32> to vector<400x64xf32>
    %swap3A_31 = vector.shape_cast %slice3A : vector<400x64xf32> to vector<1x400x64xf32>
    tpu.vector_store %arg6[%swap3A_26, %swap3A_27, %swap3A_28], %swap3A_31 {strides = array<i32>} : memref<2x400x64xf32, #tpu.memory_space<vmem>>, vector<1x400x64xf32>,
    %slice3A_32 = vector.extract_strided_slice %add3A_9 {offsets = [0, 64], sizes = [400, 64], strides = [1, 1]} : vector<400x128xf32> to vector<400x64xf32>
    %swap3A_33 = arith.constant 1 : index
    %swap3A_34 = arith.constant 0 : index
    %swap3A_35 = arith.constant 0 : index
    %swap3A_36 = vector.load %arg6[%swap3A_33, %swap3A_34, %swap3A_35] : memref<2x400x64xf32, #tpu.memory_space<vmem>>, vector<1x400x64xf32>
    %swap3A_37 = vector.shape_cast %swap3A_36 : vector<1x400x64xf32> to vector<400x64xf32>
    %swap3A_38 = vector.shape_cast %slice3A_32 : vector<400x64xf32> to vector<1x400x64xf32>
    tpu.vector_store %arg6[%swap3A_33, %swap3A_34, %swap3A_35], %swap3A_38 {strides = array<i32>} : memref<2x400x64xf32, #tpu.memory_space<vmem>>, vector<1x400x64xf32>,
    return
  }
  func.func @transform_0(%arg0: i32) -> (i32, i32) {
    %c0_i32 = arith.constant 0 : i32
    %c0_i32_0 = arith.constant 0 : i32
    return %arg0, %c0_i32 : i32, i32
  }
  func.func @transform_1(%arg0: i32) -> (i32, i32) {
    %c0_i32 = arith.constant 0 : i32
    %c0_i32_0 = arith.constant 0 : i32
    %c0_i32_1 = arith.constant 0 : i32
    return %c0_i32, %c0_i32_0 : i32, i32
  }
  func.func @transform_2(%arg0: i32) -> (i32, i32) {
    %c0_i32 = arith.constant 0 : i32
    %c0_i32_0 = arith.constant 0 : i32
    %c0_i32_1 = arith.constant 0 : i32
    return %c0_i32, %c0_i32_0 : i32, i32
  }
  func.func @transform_3(%arg0: i32) -> (i32, i32) {
    %c0_i32 = arith.constant 0 : i32
    %c0_i32_0 = arith.constant 0 : i32
    %c0_i32_1 = arith.constant 0 : i32
    return %c0_i32, %c0_i32_0 : i32, i32
  }
  func.func @transform_4(%arg0: i32) -> (i32, i32) {
    %c0_i32 = arith.constant 0 : i32
    %c0_i32_0 = arith.constant 0 : i32
    %c0_i32_1 = arith.constant 0 : i32
    return %c0_i32, %c0_i32_0 : i32, i32
  }
  func.func @transform_5(%arg0: i32) -> (i32, i32, i32) {
    %c0_i32 = arith.constant 0 : i32
    %c0_i32_0 = arith.constant 0 : i32
    %c0_i32_1 = arith.constant 0 : i32
    return %c0_i32, %arg0, %c0_i32_0 : i32, i32, i32
  }
  func.func @transform_6(%arg0: i32) -> (i32, i32) {
    %c0_i32 = arith.constant 0 : i32
    %c0_i32_0 = arith.constant 0 : i32
    return %arg0, %c0_i32 : i32, i32
  }
}

</mosaic_0001>

<sc_bundles>
// kernel: kernel.4.cloned.1.call-start
scs
__scs_entry_jumppad:
0x0: {  	(pc) =	sbr.rel $0x88, $3  }
0x1: {  	(tag) =	ssettag $0x0;
	lr =	simm.s32 $0x1  }
0x2: {  	[smem:$0x3F9A] =	sst lr;
	_ =	strace $0xD0000000  }
0x3: {  	_ = 	snop  }
0x4: {  	_ = 	snop  }
0x5: {  	_ = 	snop  }
0x6: {  	_ = 	snop  }
0x7: {  	_ = 	snop  }
__scs_overlays_trampoline_lowered:
0x8: {  	[smem:$0x3FA9] =	sst s0  }
0x9: {  	[smem:$0x3FAA] =	sst s1  }
0xa: {  	[smem:$0x3FAB] =	sst s2  }
0xb: {  	[smem:$0x3FAC] =	sst s3  }
0xc: {  	[smem:$0x3FAD] =	sst s4  }
0xd: {  	[smem:$0x3FAE] =	sst s5  }
0xe: {  	[smem:$0x3FAF] =	sst s6  }
0xf: {  	[smem:$0x3FB0] =	sst s7  }
0x10: {  	[smem:$0x3FB1] =	sst s8  }
0x11: {  	[smem:$0x3FB2] =	sst s9;
	s0 =	simm.s32 @!p0 $0x0  }
0x12: {  	s1 =	sld [smem:$0x3F98];
	s0 =	simm.s32 @p0 $0x1  }
0x13: {  	[smem:$0x3FB3] =	sst s0;
	s0 =	simm.s32 @!p1 $0x0  }
0x14: {  	s2 =	sld [smem:$0x3F97];
	s0 =	simm.s32 @p1 $0x1  }
0x15: {  	[smem:$0x3FB4] =	sst s0;
	s0 =	simm.s32 @!p2 $0x0  }
0x16: {  	s3 =	sld [smem:$0x3FDB];
	s0 =	simm.s32 @p2 $0x1  }
0x17: {  	s4 =	simm.s32 $0x1BF5;
	[smem:$0x3FB6] =	sst s0  }
0x18: {  	s0 =	sld [smem:$0x3F99];
	_ =	swait.ge [sflag:s4], $0x0  }
0x19: {  	s7 =	sld [smem:$0x3F9A]  }
0x1a: {  	s8 =	sadd.s32 $0xFFFFE003, lr  }
0x1b: {  	s9 =	sadd.s32 $0xFFFFFEF7, lr;
	s5 =	simm.s32 $0xFFFFFFFF;
	p2 =	slt.u32 s8, $0xFFFFF086  }
0x1c: {  	p1 =	slt.u32 s9, $0xF7A;
	s5 =	simm.s32 @!p2 $0x0  }
0x1d: {  	s5 =	simm.s32 @p1 $0x1;
	p0 =	seq.s32 s7, s2  }
0x1e: {  	s7 =	smul.u32 @!p0 $0xF7A, s2;
	p2 =	seq.s32 @!p0 s5, $0x0  }
0x1f: {  	s9 =	smul.u32 $0xF7A, s1;
	s8 =	simm.s32 @!p0 $0x1BF5;
	p2 =	por !p2, p0  }
0x20: {  	[sflag:s8] =	ssyncset.s32 @!p0 $0xFFFFF086;
	s6 =	sadd.s32 @!p0 s3, s7;
	s7 =	simm.s32 @!p0 $0x108  }
0x21: {  	s3 =	sadd.s32 s3, s9;
	s6 =	sadd.s32 @!p0 $0x88, s6;
	s7 =	simm.s32 @p2 $0x1082  }
0x22: {  	[simem:s7], [sflag:s8] =	dma.local @!p0 [hbm:s6], $0xF7A  }
0x23: {  	s9 =	sor.u32 $0xD0000000, s2;
	s6 =	simm.s32 $0x108;
	_ =	swait.ge @!p0 [sflag:s8], $0x0  }
0x24: {  	s3 =	sadd.s32 $0x88, s3;
	s6 =	simm.s32 @!p1 $0x1082;
	[sflag:s4] =	ssyncset.s32 $0xFFFFF086  }
0x25: {  	[simem:s6], [sflag:s4] =	dma.local [hbm:s3], $0xF7A  }
0x26: {  	[smem:$0x3F9A] =	sst s1;
	(tag) =	ssettag s2;
	_ =	strace s9  }
0x27: {  	s1 =	sld [smem:$0x3FAA]  }
0x28: {  	s2 =	sld [smem:$0x3FAB]  }
0x29: {  	s4 =	sld [smem:$0x3FAD]  }
0x2a: {  	p0 =	seq.s32 s5, $0x0;
	s5 =	sld [smem:$0x3FAE]  }
0x2b: {  	s6 =	sld [smem:$0x3FAF]  }
0x2c: {  	s7 =	sld [smem:$0x3FB0]  }
0x2d: {  	s3 =	simm.s32 $0x108;
	s8 =	sld [smem:$0x3FB1]  }
0x2e: {  	s3 =	simm.s32 @!p0 $0x1082;
	s9 =	sld [smem:$0x3FB2]  }
0x2f: {  	lr =	sadd.s32 s0, s3;
	s0 =	sld [smem:$0x3FA9]  }
0x30: {  	s3 =	sld [smem:$0x3FAC]  }
0x31: {  	[smem:$0x3FB5] =	sst s10  }
0x32: {  	s10 =	sld [smem:$0x3FB3];
	_ =	sdelay $0x3  }
0x33: {  	p0 =	seq.s32 s10, $0x1;
	s10 =	sld [smem:$0x3FB5];
	_ =	sdelay $0x3  }
0x34: {  	[smem:$0x3FB5] =	sst s10  }
0x35: {  	s10 =	sld [smem:$0x3FB4];
	_ =	sdelay $0x3  }
0x36: {  	p1 =	seq.s32 s10, $0x1;
	s10 =	sld [smem:$0x3FB5];
	_ =	sdelay $0x3  }
0x37: {  	[smem:$0x3FB5] =	sst s10  }
0x38: {  	s10 =	sld [smem:$0x3FB6]  }
0x39: {  	_ = 	snop;
	(pc) =	sbr.ind lr, $3  }
0x3a: {  	_ = 	snop  }
0x3b: {  	_ = 	snop  }
0x3c: {  	p2 =	seq.s32 s10, $0x1;
	s10 =	sld [smem:$0x3FB5]  }
0x3d: {  	_ =	shalt  }
0x3e: {  	_ =	shalt  }
0x3f: {  	_ =	shalt  }
0x40: {  	_ =	shalt  }
0x41: {  	_ =	shalt  }
0x42: {  	_ =	shalt  }
0x43: {  	_ =	shalt  }
0x44: {  	_ =	shalt  }
0x45: {  	_ =	shalt  }
0x46: {  	_ =	shalt  }
0x47: {  	_ =	shalt  }
0x48: {  	_ =	shalt  }
0x49: {  	_ =	shalt  }
0x4a: {  	_ =	shalt  }
0x4b: {  	_ =	shalt  }
0x4c: {  	_ =	shalt  }
0x4d: {  	_ =	shalt  }
0x4e: {  	_ =	shalt  }
0x4f: {  	_ =	shalt  }
0x50: {  	_ =	shalt  }
0x51: {  	_ =	shalt  }
0x52: {  	_ =	shalt  }
0x53: {  	_ =	shalt  }
0x54: {  	_ =	shalt  }
0x55: {  	_ =	shalt  }
0x56: {  	_ =	shalt  }
0x57: {  	_ =	shalt  }
0x58: {  	_ =	shalt  }
0x59: {  	_ =	shalt  }
0x5a: {  	_ =	shalt  }
0x5b: {  	_ =	shalt  }
0x5c: {  	_ =	shalt  }
0x5d: {  	_ =	shalt  }
0x5e: {  	_ =	shalt  }
0x5f: {  	_ =	shalt  }
0x60: {  	_ =	shalt  }
0x61: {  	_ =	shalt  }
0x62: {  	_ =	shalt  }
0x63: {  	_ =	shalt  }
0x64: {  	_ =	shalt  }
0x65: {  	_ =	shalt  }
0x66: {  	_ =	shalt  }
0x67: {  	_ =	shalt  }
0x68: {  	_ =	shalt  }
0x69: {  	_ =	shalt  }
0x6a: {  	_ =	shalt  }
0x6b: {  	_ =	shalt  }
0x6c: {  	_ =	shalt  }
0x6d: {  	_ =	shalt  }
0x6e: {  	_ =	shalt  }
0x6f: {  	_ =	shalt  }
0x70: {  	_ =	shalt  }
0x71: {  	_ =	shalt  }
0x72: {  	_ =	shalt  }
0x73: {  	_ =	shalt  }
0x74: {  	_ =	shalt  }
0x75: {  	_ =	shalt  }
0x76: {  	_ =	shalt  }
0x77: {  	_ =	shalt  }
0x78: {  	_ =	shalt  }
0x79: {  	_ =	shalt  }
0x7a: {  	_ =	shalt  }
0x7b: {  	_ =	shalt  }
0x7c: {  	_ =	shalt  }
0x7d: {  	_ =	shalt  }
0x7e: {  	_ =	shalt  }
0x7f: {  	_ =	shalt  }
0x80: {  	_ =	shalt  }
0x81: {  	_ =	shalt  }
0x82: {  	_ =	shalt  }
0x83: {  	_ =	shalt  }
0x84: {  	_ =	shalt  }
0x85: {  	_ =	shalt  }
0x86: {  	_ =	shalt  }
0x87: {  	_ =	shalt  }
.Lfunc_end0:
.L_simem_size_0:
called_computation_lowered:
.L_overlay_start_0:
0x88: {  	s2 =	sld [smem:$0x3FD9]  }
0x89: {  	s3 =	sld [smem:$0x3FFE];
	_ =	sdelay $0x1  }
0x8a: {  	s1 =	srdreg.scid  }
0x8b: {  	s0 =	sand.u32 $0x1, s1  }
0x8c: {  	s17 =	sshll.u32 s0, $0xA;
	s2 =	sadd.s32 s3, s2  }
0x8d: {  	s2 =	sadd.s32 s2, s17  }
0x8e: {  	[smem:$0x3FC1] =	sst s2  }
0x8f: {  	_ = 	snop  }
0x90: {  	s2 =	sld [smem:$0x3FC8]  }
0x91: {  	s18 =	sld [smem:$0x3FC7]  }
0x92: {  	s4 =	sld [smem:$0x3FD0];
	(tm) =	ssettm $0x1  }
0x93: {  	s5 =	sld [smem:$0x3FFB];
	_ =	sdelay $0x3  }
0x94: {  	_ =	strace s5  }
0x95: {  	s5 =	sld [smem:$0x3FFC];
	_ =	sdelay $0x3  }
0x96: {  	_ =	strace s5  }
0x97: {  	s5 =	sld [smem:$0x3FFD];
	_ =	sdelay $0x3  }
0x98: {  	_ =	strace s5  }
0x99: {  	_ =	strace $0x8FFFFFFF  }
0x9a: {  	s19 =	sld [smem:$0x3FDB];
	_ =	sdelay $0x1  }
0x9b: {  	s6 =	simm.s32 $_scs_section_size  }
0x9c: {  	s7 =	simm.s32 $_size__tile_overlayer_lowered;
	s8 =	simm.s32 $_tile_overlayer_lowered  }
0x9d: {  	s22 =	simm.s32 $0x1BFF;
	s21 =	sshll.u32 s8, $0x1;
	s5 =	sadd.s32 s6, s19  }
0x9e: {  	s9 =	simm.s32 $0x0;
	s20 =	sshll.u32 s7, $0x1;
	s7 =	sadd.s32 s21, s5  }
0x9f: {  	[timem:s9], [sflag:s22] =	dma.local [hbm:s7], s20  }
0xa0: {  	_ =	swait.ge [sflag:s22], s20  }
0xa1: {  	s6 =	ssub.s32 $0x0, s20;
	[sflag:s22] =	ssyncset.done $0x0  }
0xa2: {  	[sflag:s22] =	ssyncadd.s32 s6;
	_ =	sdelay $0x1  }
0xa3: {  	s23 =	simm.s32 $0x1B8B  }
0xa4: {  	_ =	swait.ge [sflag:s23], $0x1  }
0xa5: {  	[sflag:s23] =	ssyncset.done $0x0  }
0xa6: {  	s25 =	simm.s32 $0x1B8E;
	s24 =	sld [smem:$0x3FFE];
	[sflag:s23] =	ssyncadd.s32 $0xFFFFFFFF  }
0xa7: {  	s26 =	simm.s32 $execute0_lowered;
	[smem:$0x3FD2] =	sst s25  }
0xa8: {  	s7 =	sshll.u32 s26, $0x1;
	_ =	strace $0x80000046;
	[dreg:$0x1] =	wrdreg $0xFFFFFFFF  }
0xa9: {  	s28 =	simm.s32 $_size_execute0_lowered;
	s5 =	sadd.s32 s5, s7;
	[dreg:$0x0] =	wrdreg $0x0  }
0xaa: {  	s7 =	sshll.u32 s28, $0x1;
	[dreg:$0x2] =	wrdreg s5  }
0xab: {  	[dreg:$0x3] =	wrdreg s7  }
0xac: {  	[dreg:$0x4] =	wrdreg $0xC0  }
0xad: {  	_ =	task [dreg:s9], $0x5FFFF  }
0xae: {  	[dreg:$0x1] =	wrdreg $0xFFFFFFFF  }
0xaf: {  	[dreg:$0x0] =	wrdreg $0x60  }
0xb0: {  	[dreg:$0x2] =	wrdreg s2  }
0xb1: {  	[dreg:$0x3] =	wrdreg s18  }
0xb2: {  	[dreg:$0x4] =	wrdreg s24  }
0xb3: {  	[dreg:$0x5] =	wrdreg s4  }
0xb4: {  	[dreg:$0x6] =	wrdreg $0x0  }
0xb5: {  	[dreg:$0x7] =	wrdreg $0x9  }
0xb6: {  	_ =	task.clear_ibuf [dreg:s9], $0x8FFFF;
	_ =	strace $0x90000046  }
0xb7: {  	s29 =	simm.s32 $0x9;
	_ =	strace $0x80000048  }
0xb8: {  	_ =	swait.ge [sflag:s29], $0x1  }
0xb9: {  	[sflag:s29] =	ssyncadd.s32 $0xFFFFFFFF  }
0xba: {  	_ =	strace $0x90000048  }
0xbb: {  	_ =	sfence  }
0xbc: {  	s30 =	sld [smem:$0x0];
	_ =	sdelay $0x2  }
0xbd: {  	s31 =	sshll.u32 s1, $0xD;
	s1 =	sshrl.u32 s1, $0x2  }
0xbe: {  	s3 =	sand.u32 $0x4000, s31;
	s1 =	sadd.s32 s1, s30  }
0xbf: {  	s0 =	sor.u32 s3, s0;
	s1 =	sshll.u32 s1, $0x11  }
0xc0: {  	s0 =	sor.u32 s1, s0  }
0xc1: {  	s0 =	sadd.s32 $0x8F2B, s0  }
0xc2: {  	[sflag:s0] =	ssyncadd.remote.s32 $0x1  }
0xc3: {  	_ =	sfence.sel $0xFFFF  }
0xc4: {  	[dreg:$0x0] =	wrdreg $0xFFFFFFFF;
	(pc) =	sbr.abs _section_cstart, $3  }
0xc5: {  	[dreg:$0x1] =	wrdreg $0xFFFFFFFF  }
0xc6: {  	_ =	task.clear_ibuf [dreg:s9], $0x2FFFF;
	_ =	strace $0x9FFFFFFF  }
0xc7: {  	(tm) =	ssettm $0x7FFFFFFF  }
tec
execute0_lowered:
.L_overlay_start_1:
0x0: {  	(tag) =	ssettag $0x1  }
0x1: {  	s0 =	srdreg.scid;
	v0 =	vlaneseq.u32  }
0x2: {  	s9 =	sand.u32 $0x1, s0;
	v0 =	vmul.u32 $0x10, v0  }
0x3: {  	s12 =	sshll.u32 s9, $0x2  }
0x4: {  	s0 =	smul.u32 $0x2710, s9;
	v2 =	vor.u32 s12, v0;
	v4 =	vor.u32 $0x208, v0  }
0x5: {  	v58 =	vor.u32 $0x400, v0;
	v59 =	vor.u32 $0x408, v0;
	v5 =	vor.u32 $0x508, v0  }
0x6: {  	s3 =	sor.u32 $0x1, s12;
	v62 =	vor.u32 $0x600, v0;
	v63 =	vor.u32 $0x608, v0;
	v1 =	vmov s0  }
0x7: {  	s7 =	sshllo.u32 s9, $0x2;
	s15 =	sor.u32 $0x2, s12;
	[tilespmem:$0x1FF80] =	vst v2;
	v2 =	vor.u32 $0x8, v0;
	v19 =	vor.u32 s12, v4;
	v21 =	vor.u32 s3, v4  }
0x8: {  	v23 =	vor.u32 s15, v4;
	v25 =	vor.u32 s7, v4;
	v34 =	vor.u32 s12, v58  }
0x9: {  	v35 =	vor.u32 s12, v59;
	v36 =	vor.u32 s3, v58;
	v37 =	vor.u32 s3, v59  }
0xa: {  	s1 =	rddreg [dreg:$0x1];
	v38 =	vor.u32 s15, v58;
	v4 =	vor.u32 $0x500, v0;
	v39 =	vor.u32 s15, v59  }
0xb: {  	s8 =	rddreg [dreg:$0x2];
	v41 =	vor.u32 s12, v5;
	v43 =	vor.u32 s3, v5;
	v45 =	vor.u32 s15, v5  }
0xc: {  	s2 =	rddreg [dreg:$0x3];
	v46 =	vor.u32 s12, v62;
	v47 =	vor.u32 s12, v63;
	v3 =	vor.u32 s12, v2  }
0xd: {  	s4 =	rddreg [dreg:$0x4];
	s5 =	simm.s32 $0x0;
	s11 =	stileid.u32;
	v48 =	vor.u32 s3, v62;
	v49 =	vor.u32 s3, v63;
	[tilespmem:$0x1FF90] =	vst v3;
	v3 =	vor.u32 s3, v0  }
0xe: {  	s20 =	simm.s32 $0xE548;
	s28 =	simm.s32 $0xC148;
	s29 =	simm.s32 $0x1;
	v50 =	vor.u32 s15, v62;
	v51 =	vor.u32 s15, v63;
	[tilespmem:$0x1FFA0] =	vst v3;
	v3 =	vor.u32 s3, v2  }
0xf: {  	s30 =	simm.s32 $0x2;
	s31 =	simm.s32 $0xE148;
	[smem:$0x7FF] =	sst s5;
	v58 =	vor.u32 s7, v58;
	v59 =	vor.u32 s7, v59;
	[tilespmem:$0x1FFB0] =	vst v3;
	v3 =	vor.u32 s15, v0  }
0x10: {  	s6 =	sadd.s32 $0x1200, s8;
	s14 =	smul.u32 $0x2BE00, s11;
	s16 =	sadd.s32 $0x6200, s8;
	v61 =	vor.u32 s7, v5;
	v62 =	vor.u32 s7, v62;
	[tilespmem:$0x1FFC0] =	vst v3;
	v3 =	vor.u32 s15, v2  }
0x11: {  	s8 =	sadd.s32 $0x7800, s8;
	s23 =	sshll.u32 s11, $0x6;
	s19 =	sadd.s32 $0xAF800, s4;
	v63 =	vor.u32 s7, v63;
	v40 =	vor.u32 s12, v4;
	v2 =	vor.u32 s7, v2;
	[tilespmem:$0x1FFD0] =	vst v3  }
0x12: {  	s25 =	ssub.s32 $0x9D3, s11;
	p0 =	sne.s32 s11, $0x0;
	s10 =	ssub.s32 $0x2, s9;
	v42 =	vor.u32 s3, v4;
	v3 =	vor.u32 s7, v0;
	[tilespmem:$0x1FFF0] =	vst v2;
	v2 =	vor.u32 $0x100, v0  }
0x13: {  	s9 =	smul.u32 $0x9C400, s9;
	s24 =	sor.u32 $0x1C04, s23;
	s23 =	simm.s32 $0x80;
	v44 =	vor.u32 s15, v4;
	[tilespmem:$0x1FFE0] =	vst v3;
	v3 =	vor.u32 $0x108, v0;
	v10 =	vor.u32 s12, v2  }
0x14: {  	s13 =	sshrl.u32 s10, $0x1;
	s22 =	sshrl.u32 s14, $0x2;
	s14 =	sshll.u32 s11, $0x7;
	v12 =	vor.u32 s3, v2;
	v14 =	vor.u32 s15, v2;
	v16 =	vor.u32 s7, v2  }
0x15: {  	s0 =	rddreg [dreg:$0x0];
	s21 =	ssub.s32 s10, s13;
	s10 =	smul.u32 $0x270, s11;
	v2 =	vor.u32 $0x200, v0;
	v11 =	vor.u32 s12, v3;
	v13 =	vor.u32 s3, v3  }
0x16: {  	s17 =	sadd.s32 s22, s4;
	s18 =	sshrl.u32 s9, $0x3;
	s13 =	sshrl.u32 s25, $0x4;
	v15 =	vor.u32 s15, v3;
	v18 =	vor.u32 s12, v2;
	v20 =	vor.u32 s3, v2  }
0x17: {  	s18 =	sadd.s32 s8, s18;
	v22 =	vor.u32 s15, v2;
	v24 =	vor.u32 s7, v2;
	v2 =	vor.u32 $0x300, v0;
	_ =	strace $0x80000047;
	[dreg:$0x6] =	wrdreg s16  }
0x18: {  	s11 =	sshrl.u32 @!p0 s19, $0x3;
	s18 =	sadd.s32 $0x13800, s18;
	v17 =	vor.u32 s7, v3;
	v3 =	vor.u32 $0x308, v0;
	[dreg:$0x7] =	wrdreg s24;
	v26 =	vor.u32 s12, v2  }
0x19: {  	s22 =	simm.s32 $0xB048;
	s26 =	sshrl.u32 s17, $0x3;
	[dreg:$0x9] =	wrdreg s18;
	v27 =	vor.u32 s12, v3;
	v28 =	vor.u32 s3, v2;
	v29 =	vor.u32 s3, v3  }
.Ltmp0:
0x1a: {  	s25 =	simm.s32 $0xB948;
	[dreg:$0xb] =	wrdreg s26;
	v30 =	vor.u32 s15, v2;
	v31 =	vor.u32 s15, v3;
	v32 =	vor.u32 s7, v2;
	(pc) =	sbr.rel .LBB2_1-.Ltmp0, $4  }
0x1b: {  	s16 =	smax.u32 s21, $0x1;
	s18 =	simm.s32 $0x4;
	[dreg:$0x8] =	wrdreg s19;
	v33 =	vor.u32 s7, v3;
	v2 =	vor.u32 $0x700, v0;
	v3 =	vor.u32 $0x708, v0  }
0x1c: {  	v60 =	vor.u32 s7, v4;
	[dreg:$0xc] =	wrdreg s11;
	s21 =	simm.s32 $0xAFC8;
	s24 =	simm.s32 $0xB148;
	v52 =	vor.u32 s12, v2;
	v53 =	vor.u32 s12, v3  }
0x1d: {  	s26 =	simm.s32 $0xB0C8;
	[dreg:$0xa] =	wrdreg s16;
	v54 =	vor.u32 s3, v2;
	v55 =	vor.u32 s3, v3;
	v56 =	vor.u32 s15, v2;
	s3 =	simm.s32 $0x3  }
0x1e: {  	v57 =	vor.u32 s15, v3;
	v0 =	vor.u32 s7, v2;
	v2 =	vor.u32 s7, v3;
	s15 =	simm.s32 $0x10948;
	s12 =	simm.s32 $0x116C8;
	s7 =	simm.s32 $0x0  }
.LBB2_13:
0x1f: {  	s7 =	sadd.s32 $0x1, s7;
	s0 =	rddreg [dreg:$0xa]  }
0x20: {  	p1 =	sne.s32 s7, s0  }
.Ltmp1:
0x21: {  	_ = 	snop;
	(pc) =	sbr.rel @!p1 .LBB2_14-.Ltmp1, $3  }
0x22: {  	_ =	sdelay $0x1  }
0x23: {  	s1 =	rddreg [dreg:$0x1]  }
0x24: {  	s0 =	rddreg [dreg:$0x0]  }
.LBB2_1:
0x25: {  	[dreg:$0xd] =	wrdreg s7  }
0x26: {  	s7 =	rddreg [dreg:$0x6]  }
0x27: {  	s11 =	rddreg [dreg:$0x7]  }
0x28: {  	s16 =	rddreg [dreg:$0xb]  }
0x29: {  	[spmem:s16], [sflag:s11] =	dma.local [hbm:s7], $0x15F0  }
0x2a: {  	v3 =	vlaneseq.u32;
	_ =	swait.ge [sflag:s18], $0x15F0  }
0x2b: {  	v3 =	vmul.u32 $0x48, v3;
	[sflag:s18] =	ssyncset.done $0x0  }
0x2c: {  	s16 =	rddreg [dreg:$0xc];
	[sflag:s18] =	ssyncadd.s32 $0xFFFFEA10  }
0x2d: {  	v4 =	vadd.s32 $0x44, v3;
	[spmem:s16], [sflag:s11] =	dma.local @!p0 [hbm:s7], $0x90  }
0x2e: {  	v5 =	vadd.s32 $0x45, v3;
	s7 =	simm.s32 @!p0 $0x4  }
0x2f: {  	v6 =	vadd.s32 $0x46, v3;
	_ =	swait.ge @!p0 [sflag:s7], $0x90  }
0x30: {  	v7 =	vadd.s32 $0x47, v3;
	[sflag:s7] =	ssyncset.done @!p0 $0x0  }
0x31: {  	v9 =	vimm.f32 $0.0e+00;
	v8 =	vadd.s32 $0x4C4, v3;
	[sflag:s7] =	ssyncadd.s32 @!p0 $0xFFFFFF70  }
0x32: {  	[tilespmem:v4+s20+$0x0] =	vst.idx.msk $0xffff, v9;
	v4 =	vadd.s32 $0x4C5, v3  }
0x33: {  	[tilespmem:v5+s20+$0x0] =	vst.idx.msk $0xffff, v9;
	v5 =	vadd.s32 $0x4C6, v3  }
0x34: {  	[tilespmem:v6+s20+$0x0] =	vst.idx.msk $0xffff, v9;
	v6 =	vadd.s32 $0x4C7, v3  }
0x35: {  	[tilespmem:v7+s20+$0x0] =	vst.idx.msk $0xffff, v9;
	v7 =	vadd.s32 $0x944, v3  }
0x36: {  	[tilespmem:v8+s20+$0x0] =	vst.idx.msk $0xffff, v9;
	v8 =	vadd.s32 $0x945, v3  }
0x37: {  	[tilespmem:v4+s20+$0x0] =	vst.idx.msk $0xffff, v9;
	v4 =	vadd.s32 $0x946, v3  }
0x38: {  	[tilespmem:v5+s20+$0x0] =	vst.idx.msk $0xffff, v9;
	v5 =	vadd.s32 $0x947, v3  }
0x39: {  	[tilespmem:v6+s20+$0x0] =	vst.idx.msk $0xffff, v9;
	v6 =	vadd.s32 $0xDC4, v3  }
0x3a: {  	[tilespmem:v7+s20+$0x0] =	vst.idx.msk $0xffff, v9;
	v7 =	vadd.s32 $0xDC5, v3  }
0x3b: {  	[tilespmem:v8+s20+$0x0] =	vst.idx.msk $0xffff, v9;
	v8 =	vadd.s32 $0xDC6, v3  }
0x3c: {  	[tilespmem:v4+s20+$0x0] =	vst.idx.msk $0xffff, v9;
	v4 =	vadd.s32 $0xDC7, v3  }
0x3d: {  	[tilespmem:v5+s20+$0x0] =	vst.idx.msk $0xffff, v9;
	v5 =	vadd.s32 $0x1244, v3  }
0x3e: {  	[tilespmem:v6+s20+$0x0] =	vst.idx.msk $0xffff, v9;
	v6 =	vadd.s32 $0x1245, v3  }
0x3f: {  	[tilespmem:v7+s20+$0x0] =	vst.idx.msk $0xffff, v9;
	v7 =	vadd.s32 $0x1246, v3  }
0x40: {  	[tilespmem:v8+s20+$0x0] =	vst.idx.msk $0xffff, v9;
	v8 =	vadd.s32 $0x1247, v3  }
0x41: {  	[tilespmem:v4+s20+$0x0] =	vst.idx.msk $0xffff, v9;
	v4 =	vadd.s32 $0x16C4, v3  }
0x42: {  	[tilespmem:v5+s20+$0x0] =	vst.idx.msk $0xffff, v9;
	v5 =	vadd.s32 $0x16C5, v3  }
0x43: {  	[tilespmem:v6+s20+$0x0] =	vst.idx.msk $0xffff, v9;
	v6 =	vadd.s32 $0x16C6, v3  }
0x44: {  	[tilespmem:v7+s20+$0x0] =	vst.idx.msk $0xffff, v9;
	v7 =	vadd.s32 $0x16C7, v3  }
0x45: {  	[tilespmem:v8+s20+$0x0] =	vst.idx.msk $0xffff, v9;
	v8 =	vadd.s32 $0x1B44, v3  }
0x46: {  	[tilespmem:v4+s20+$0x0] =	vst.idx.msk $0xffff, v9;
	v4 =	vadd.s32 $0x1B45, v3  }
0x47: {  	[tilespmem:v5+s20+$0x0] =	vst.idx.msk $0xffff, v9;
	v5 =	vadd.s32 $0x1B46, v3  }
0x48: {  	[tilespmem:v6+s20+$0x0] =	vst.idx.msk $0xffff, v9;
	v6 =	vadd.s32 $0x1B47, v3  }
0x49: {  	[tilespmem:v7+s20+$0x0] =	vst.idx.msk $0xffff, v9;
	v7 =	vadd.s32 $0x1FC4, v3  }
0x4a: {  	[tilespmem:v8+s20+$0x0] =	vst.idx.msk $0xffff, v9;
	v8 =	vadd.s32 $0x1FC5, v3  }
0x4b: {  	[tilespmem:v4+s20+$0x0] =	vst.idx.msk $0xffff, v9;
	v4 =	vadd.s32 $0x1FC6, v3  }
0x4c: {  	[tilespmem:v5+s20+$0x0] =	vst.idx.msk $0xffff, v9;
	v5 =	vadd.s32 $0x1FC7, v3  }
0x4d: {  	[tilespmem:v6+s20+$0x0] =	vst.idx.msk $0xffff, v9  }
0x4e: {  	[tilespmem:v7+s20+$0x0] =	vst.idx.msk $0xffff, v9  }
0x4f: {  	[tilespmem:v8+s20+$0x0] =	vst.idx.msk $0xffff, v9  }
0x50: {  	[tilespmem:v4+s20+$0x0] =	vst.idx.msk $0xffff, v9  }
0x51: {  	[tilespmem:v5+s20+$0x0] =	vst.idx.msk $0xffff, v9  }
0x52: {  	s17 =	simm.s32 $0x0;
	[bflag:$0x0] =	sbarrier.arrive $0xFFFF  }
.LBB2_2:
0x53: {  	s7 =	sshll.u32 s17, $0xB  }
0x54: {  	s7 =	sor.u32 s14, s7  }
0x55: {  	s7 =	sshrl.u32 s7, $0x3  }
0x56: {  	s16 =	simm.s32 $0x0;
	s11 =	sadd.s32 s1, s7  }
0x57: {  	[tilespmem:s21], [sflag:$0x4] =	stream.linear.gather [hbm4b:s11+s16], $0x80, $0x38;
	[tilespmem:$0x122C8] =	vst v63  }
0x58: {  	_ =	swait.ge [sflag:s18], $0x80  }
0x59: {  	[sflag:s18] =	ssyncset.done $0x0  }
0x5a: {  	s7 =	sadd.s32 s0, s7;
	[sflag:s18] =	ssyncadd.s32 $0xFFFFFF80  }
0x5b: {  	[tilespmem:s22], [sflag:$0x4] =	stream.linear.gather [hbm4b:s7+s16], $0x80, $0x38;
	[tilespmem:$0x122C8] =	vst v63  }
0x5c: {  	_ =	swait.ge [sflag:s18], $0x80  }
0x5d: {  	[sflag:s18] =	ssyncset.done $0x0  }
0x5e: {  	[sflag:s18] =	ssyncadd.s32 $0xFFFFFF80  }
0x5f: {  	v4 =	vld [tilespmem:$0xAFC8]  }
0x60: {  	v5 =	vld [tilespmem:$0xAFD8]  }
0x61: {  	v6 =	vld [tilespmem:$0xAFE8]  }
0x62: {  	v7 =	vld [tilespmem:$0xAFF8]  }
0x63: {  	v8 =	vld [tilespmem:$0xB008]  }
0x64: {  	v9 =	vld [tilespmem:$0xB018];
	v4 =	vadd.s32 v1, v4  }
0x65: {  	[tilespmem:$0xB0C8] =	vst v4;
	v4 =	vadd.s32 v1, v5;
	v5 =	vld [tilespmem:$0xB028]  }
0x66: {  	[tilespmem:$0xB0D8] =	vst v4;
	v4 =	vadd.s32 v1, v6;
	v6 =	vld [tilespmem:$0xB038]  }
0x67: {  	[tilespmem:$0xB0E8] =	vst v4;
	v4 =	vadd.s32 v1, v7  }
0x68: {  	[tilespmem:$0xB0F8] =	vst v4;
	v4 =	vadd.s32 v1, v8  }
0x69: {  	[tilespmem:$0xB108] =	vst v4;
	v4 =	vadd.s32 v1, v9  }
0x6a: {  	[tilespmem:$0xB118] =	vst v4;
	v4 =	vadd.s32 v1, v5  }
0x6b: {  	[tilespmem:$0xB128] =	vst v4;
	v4 =	vadd.s32 v1, v6  }
0x6c: {  	[tilespmem:$0xB138] =	vst v4  }
0x6d: {  	[tilespmem:s24], [sflag:$0x1] =	stream.indirect.gather [hbm4b:s6+s23], $0x10, s21, s23, $0xb8;
	[tilespmem:$0x122C8] =	vst v63  }
0x6e: {  	_ = 	snop  }
0x6f: {  	[tilespmem:s25], [sflag:$0x2] =	stream.indirect.gather [hbm4b:s6+s23], $0x10, s22, s23, $0xb8;
	[tilespmem:$0x122C8] =	vst v63  }
0x70: {  	_ = 	snop  }
0x71: {  	[tilespmem:s28], [sflag:$0x3] =	stream.indirect.gather [hbm4b:s2+s23], $0x40, s26, s23, $0xb8;
	[tilespmem:$0x122C8] =	vst v63  }
0x72: {  	_ =	swait.ge [sflag:s29], $0x800  }
0x73: {  	[sflag:s29] =	ssyncset.done $0x0  }
0x74: {  	[sflag:s29] =	ssyncadd.s32 $0xFFFFF800  }
0x75: {  	_ =	swait.ge [sflag:s30], $0x800  }
0x76: {  	v4 =	vld [tilespmem:$0x1FF80]  }
0x77: {  	v5 =	vld [tilespmem:$0x1FF90];
	_ =	sdelay $0x4  }
0x78: {  	[sflag:s30] =	ssyncset.done $0x0  }
0x79: {  	[sflag:s30] =	ssyncadd.s32 $0xFFFFF800  }
0x7a: {  	v4 =	vld.idx.msk [tilespmem:v4+s24+$0x0], $0xffff  }
0x7b: {  	v5 =	vld.idx.msk [tilespmem:v5+s25+$0x0], $0xffff;
	_ =	sdelay $0x4  }
0x7c: {  	v4 =	vadd.f32 v5, v4;
	_ =	sdelay $0x1  }
0x7d: {  	v4 =	vmul.f32 $1.442695020e+00, v4;
	_ =	sdelay $0x1  }
0x7e: {  	(erf) = vpow2.f32 v4;
	_ =	sdelay $0x2  }
0x7f: {  	v4 =	vlaneseq.u32  }
0x80: {  	v4 =	vmul.u32 $0x8, v4;
	_ =	sdelay $0x1  }
0x81: {  	v5 =	vadd.s32 $0x40, v3;
	_ =	sdelay $0x2  }
0x82: {  	v6 =	vpop (erf)  }
0x83: {  	[tilespmem:v4+s31+$0x0] =	vst.idx.msk $0xffff, v6  }
0x84: {  	[tilespmem:v5+s20+$0x0] =	vst.idx.msk $0xffff, v6;
	v5 =	vld [tilespmem:$0x1FFA0]  }
0x85: {  	v6 =	vld [tilespmem:$0x1FFB0];
	_ =	sdelay $0x6  }
0x86: {  	v5 =	vld.idx.msk [tilespmem:v5+s24+$0x0], $0xffff  }
0x87: {  	v6 =	vld.idx.msk [tilespmem:v6+s25+$0x0], $0xffff;
	_ =	sdelay $0x4  }
0x88: {  	v5 =	vadd.f32 v6, v5;
	_ =	sdelay $0x1  }
0x89: {  	v5 =	vmul.f32 $1.442695020e+00, v5;
	_ =	sdelay $0x1  }
0x8a: {  	(erf) = vpow2.f32 v5;
	_ =	sdelay $0x4  }
0x8b: {  	v5 =	vor.u32 $0x1, v4  }
0x8c: {  	v6 =	vadd.s32 $0x41, v3;
	_ =	sdelay $0x2  }
0x8d: {  	v7 =	vpop (erf)  }
0x8e: {  	[tilespmem:v5+s31+$0x0] =	vst.idx.msk $0xffff, v7;
	v5 =	vld [tilespmem:$0x1FFC0]  }
0x8f: {  	[tilespmem:v6+s20+$0x0] =	vst.idx.msk $0xffff, v7;
	v6 =	vld [tilespmem:$0x1FFD0];
	_ =	sdelay $0x6  }
0x90: {  	v5 =	vld.idx.msk [tilespmem:v5+s24+$0x0], $0xffff  }
0x91: {  	v6 =	vld.idx.msk [tilespmem:v6+s25+$0x0], $0xffff;
	_ =	sdelay $0x4  }
0x92: {  	v5 =	vadd.f32 v6, v5;
	_ =	sdelay $0x1  }
0x93: {  	v5 =	vmul.f32 $1.442695020e+00, v5;
	_ =	sdelay $0x1  }
0x94: {  	(erf) = vpow2.f32 v5;
	_ =	sdelay $0x4  }
0x95: {  	v5 =	vor.u32 $0x2, v4  }
0x96: {  	v6 =	vadd.s32 $0x42, v3;
	_ =	sdelay $0x2  }
0x97: {  	v7 =	vpop (erf)  }
0x98: {  	[tilespmem:v5+s31+$0x0] =	vst.idx.msk $0xffff, v7;
	v5 =	vld [tilespmem:$0x1FFE0]  }
0x99: {  	[tilespmem:v6+s20+$0x0] =	vst.idx.msk $0xffff, v7;
	v6 =	vld [tilespmem:$0x1FFF0];
	_ =	sdelay $0x6  }
0x9a: {  	v5 =	vld.idx.msk [tilespmem:v5+s24+$0x0], $0xffff  }
0x9b: {  	v6 =	vld.idx.msk [tilespmem:v6+s25+$0x0], $0xffff;
	_ =	sdelay $0x4  }
0x9c: {  	v5 =	vadd.f32 v6, v5;
	_ =	sdelay $0x1  }
0x9d: {  	v5 =	vmul.f32 $1.442695020e+00, v5;
	_ =	sdelay $0x1  }
0x9e: {  	(erf) = vpow2.f32 v5;
	_ =	sdelay $0x4  }
0x9f: {  	v5 =	vor.u32 $0x3, v4  }
0xa0: {  	v6 =	vadd.s32 $0x43, v3;
	_ =	sdelay $0x2  }
0xa1: {  	v7 =	vpop (erf)  }
0xa2: {  	[tilespmem:v5+s31+$0x0] =	vst.idx.msk $0xffff, v7  }
0xa3: {  	[tilespmem:v6+s20+$0x0] =	vst.idx.msk $0xffff, v7  }
0xa4: {  	v5 =	vld.idx.msk [tilespmem:v10+s24+$0x0], $0xffff  }
0xa5: {  	v6 =	vld.idx.msk [tilespmem:v11+s25+$0x0], $0xffff;
	_ =	sdelay $0x4  }
0xa6: {  	v5 =	vadd.f32 v6, v5;
	_ =	sdelay $0x1  }
0xa7: {  	v5 =	vmul.f32 $1.442695020e+00, v5;
	_ =	sdelay $0x1  }
0xa8: {  	(erf) = vpow2.f32 v5;
	_ =	sdelay $0x4  }
0xa9: {  	v5 =	vor.u32 $0x80, v4  }
0xaa: {  	v6 =	vadd.s32 $0x4C0, v3;
	_ =	sdelay $0x2  }
0xab: {  	v7 =	vpop (erf)  }
0xac: {  	[tilespmem:v5+s31+$0x0] =	vst.idx.msk $0xffff, v7  }
0xad: {  	[tilespmem:v6+s20+$0x0] =	vst.idx.msk $0xffff, v7  }
0xae: {  	v5 =	vld.idx.msk [tilespmem:v12+s24+$0x0], $0xffff  }
0xaf: {  	v6 =	vld.idx.msk [tilespmem:v13+s25+$0x0], $0xffff;
	_ =	sdelay $0x4  }
0xb0: {  	v5 =	vadd.f32 v6, v5;
	_ =	sdelay $0x1  }
0xb1: {  	v5 =	vmul.f32 $1.442695020e+00, v5;
	_ =	sdelay $0x1  }
0xb2: {  	(erf) = vpow2.f32 v5;
	_ =	sdelay $0x4  }
0xb3: {  	v5 =	vor.u32 $0x81, v4  }
0xb4: {  	v6 =	vadd.s32 $0x4C1, v3;
	_ =	sdelay $0x2  }
0xb5: {  	v7 =	vpop (erf)  }
0xb6: {  	[tilespmem:v5+s31+$0x0] =	vst.idx.msk $0xffff, v7  }
0xb7: {  	[tilespmem:v6+s20+$0x0] =	vst.idx.msk $0xffff, v7  }
0xb8: {  	v5 =	vld.idx.msk [tilespmem:v14+s24+$0x0], $0xffff  }
0xb9: {  	v6 =	vld.idx.msk [tilespmem:v15+s25+$0x0], $0xffff;
	_ =	sdelay $0x4  }
0xba: {  	v5 =	vadd.f32 v6, v5;
	_ =	sdelay $0x1  }
0xbb: {  	v5 =	vmul.f32 $1.442695020e+00, v5;
	_ =	sdelay $0x1  }
0xbc: {  	(erf) = vpow2.f32 v5;
	_ =	sdelay $0x4  }
0xbd: {  	v5 =	vor.u32 $0x82, v4  }
0xbe: {  	v6 =	vadd.s32 $0x4C2, v3;
	_ =	sdelay $0x2  }
0xbf: {  	v7 =	vpop (erf)  }
0xc0: {  	[tilespmem:v5+s31+$0x0] =	vst.idx.msk $0xffff, v7  }
0xc1: {  	[tilespmem:v6+s20+$0x0] =	vst.idx.msk $0xffff, v7  }
0xc2: {  	v5 =	vld.idx.msk [tilespmem:v16+s24+$0x0], $0xffff  }
0xc3: {  	v6 =	vld.idx.msk [tilespmem:v17+s25+$0x0], $0xffff;
	_ =	sdelay $0x4  }
0xc4: {  	v5 =	vadd.f32 v6, v5;
	_ =	sdelay $0x1  }
0xc5: {  	v5 =	vmul.f32 $1.442695020e+00, v5;
	_ =	sdelay $0x1  }
0xc6: {  	(erf) = vpow2.f32 v5;
	_ =	sdelay $0x4  }
0xc7: {  	v5 =	vor.u32 $0x83, v4  }
0xc8: {  	v6 =	vadd.s32 $0x4C3, v3;
	_ =	sdelay $0x2  }
0xc9: {  	v7 =	vpop (erf)  }
0xca: {  	[tilespmem:v5+s31+$0x0] =	vst.idx.msk $0xffff, v7  }
0xcb: {  	[tilespmem:v6+s20+$0x0] =	vst.idx.msk $0xffff, v7  }
0xcc: {  	v5 =	vld.idx.msk [tilespmem:v18+s24+$0x0], $0xffff  }
0xcd: {  	v6 =	vld.idx.msk [tilespmem:v19+s25+$0x0], $0xffff;
	_ =	sdelay $0x4  }
0xce: {  	v5 =	vadd.f32 v6, v5;
	_ =	sdelay $0x1  }
0xcf: {  	v5 =	vmul.f32 $1.442695020e+00, v5;
	_ =	sdelay $0x1  }
0xd0: {  	(erf) = vpow2.f32 v5;
	_ =	sdelay $0x4  }
0xd1: {  	v5 =	vor.u32 $0x100, v4  }
0xd2: {  	v6 =	vadd.s32 $0x940, v3;
	_ =	sdelay $0x2  }
0xd3: {  	v7 =	vpop (erf)  }
0xd4: {  	[tilespmem:v5+s31+$0x0] =	vst.idx.msk $0xffff, v7  }
0xd5: {  	[tilespmem:v6+s20+$0x0] =	vst.idx.msk $0xffff, v7  }
0xd6: {  	v5 =	vld.idx.msk [tilespmem:v20+s24+$0x0], $0xffff  }
0xd7: {  	v6 =	vld.idx.msk [tilespmem:v21+s25+$0x0], $0xffff;
	_ =	sdelay $0x4  }
0xd8: {  	v5 =	vadd.f32 v6, v5;
	_ =	sdelay $0x1  }
0xd9: {  	v5 =	vmul.f32 $1.442695020e+00, v5;
	_ =	sdelay $0x1  }
0xda: {  	(erf) = vpow2.f32 v5;
	_ =	sdelay $0x4  }
0xdb: {  	v5 =	vor.u32 $0x101, v4  }
0xdc: {  	v6 =	vadd.s32 $0x941, v3;
	_ =	sdelay $0x2  }
0xdd: {  	v7 =	vpop (erf)  }
0xde: {  	[tilespmem:v5+s31+$0x0] =	vst.idx.msk $0xffff, v7  }
0xdf: {  	[tilespmem:v6+s20+$0x0] =	vst.idx.msk $0xffff, v7  }
0xe0: {  	v5 =	vld.idx.msk [tilespmem:v22+s24+$0x0], $0xffff  }
0xe1: {  	v6 =	vld.idx.msk [tilespmem:v23+s25+$0x0], $0xffff;
	_ =	sdelay $0x4  }
0xe2: {  	v5 =	vadd.f32 v6, v5;
	_ =	sdelay $0x1  }
0xe3: {  	v5 =	vmul.f32 $1.442695020e+00, v5;
	_ =	sdelay $0x1  }
0xe4: {  	(erf) = vpow2.f32 v5;
	_ =	sdelay $0x4  }
0xe5: {  	v5 =	vor.u32 $0x102, v4  }
0xe6: {  	v6 =	vadd.s32 $0x942, v3;
	_ =	sdelay $0x2  }
0xe7: {  	v7 =	vpop (erf)  }
0xe8: {  	[tilespmem:v5+s31+$0x0] =	vst.idx.msk $0xffff, v7  }
0xe9: {  	[tilespmem:v6+s20+$0x0] =	vst.idx.msk $0xffff, v7  }
0xea: {  	v5 =	vld.idx.msk [tilespmem:v24+s24+$0x0], $0xffff  }
0xeb: {  	v6 =	vld.idx.msk [tilespmem:v25+s25+$0x0], $0xffff;
	_ =	sdelay $0x4  }
0xec: {  	v5 =	vadd.f32 v6, v5;
	_ =	sdelay $0x1  }
0xed: {  	v5 =	vmul.f32 $1.442695020e+00, v5;
	_ =	sdelay $0x1  }
0xee: {  	(erf) = vpow2.f32 v5;
	_ =	sdelay $0x4  }
0xef: {  	v5 =	vor.u32 $0x103, v4  }
0xf0: {  	v6 =	vadd.s32 $0x943, v3;
	_ =	sdelay $0x2  }
0xf1: {  	v7 =	vpop (erf)  }
0xf2: {  	[tilespmem:v5+s31+$0x0] =	vst.idx.msk $0xffff, v7  }
0xf3: {  	[tilespmem:v6+s20+$0x0] =	vst.idx.msk $0xffff, v7  }
0xf4: {  	v5 =	vld.idx.msk [tilespmem:v26+s24+$0x0], $0xffff  }
0xf5: {  	v6 =	vld.idx.msk [tilespmem:v27+s25+$0x0], $0xffff;
	_ =	sdelay $0x4  }
0xf6: {  	v5 =	vadd.f32 v6, v5;
	_ =	sdelay $0x1  }
0xf7: {  	v5 =	vmul.f32 $1.442695020e+00, v5;
	_ =	sdelay $0x1  }
0xf8: {  	(erf) = vpow2.f32 v5;
	_ =	sdelay $0x4  }
0xf9: {  	v5 =	vor.u32 $0x180, v4  }
0xfa: {  	v6 =	vadd.s32 $0xDC0, v3;
	_ =	sdelay $0x2  }
0xfb: {  	v7 =	vpop (erf)  }
0xfc: {  	[tilespmem:v5+s31+$0x0] =	vst.idx.msk $0xffff, v7  }
0xfd: {  	[tilespmem:v6+s20+$0x0] =	vst.idx.msk $0xffff, v7  }
0xfe: {  	v5 =	vld.idx.msk [tilespmem:v28+s24+$0x0], $0xffff  }
0xff: {  	v6 =	vld.idx.msk [tilespmem:v29+s25+$0x0], $0xffff;
	_ =	sdelay $0x4  }
0x100: {  	v5 =	vadd.f32 v6, v5;
	_ =	sdelay $0x1  }
0x101: {  	v5 =	vmul.f32 $1.442695020e+00, v5;
	_ =	sdelay $0x1  }
0x102: {  	(erf) = vpow2.f32 v5;
	_ =	sdelay $0x4  }
0x103: {  	v5 =	vor.u32 $0x181, v4  }
0x104: {  	v6 =	vadd.s32 $0xDC1, v3;
	_ =	sdelay $0x2  }
0x105: {  	v7 =	vpop (erf)  }
0x106: {  	[tilespmem:v5+s31+$0x0] =	vst.idx.msk $0xffff, v7  }
0x107: {  	[tilespmem:v6+s20+$0x0] =	vst.idx.msk $0xffff, v7  }
0x108: {  	v5 =	vld.idx.msk [tilespmem:v30+s24+$0x0], $0xffff  }
0x109: {  	v6 =	vld.idx.msk [tilespmem:v31+s25+$0x0], $0xffff;
	_ =	sdelay $0x4  }
0x10a: {  	v5 =	vadd.f32 v6, v5;
	_ =	sdelay $0x1  }
0x10b: {  	v5 =	vmul.f32 $1.442695020e+00, v5;
	_ =	sdelay $0x1  }
0x10c: {  	(erf) = vpow2.f32 v5;
	_ =	sdelay $0x4  }
0x10d: {  	v5 =	vor.u32 $0x182, v4  }
0x10e: {  	v6 =	vadd.s32 $0xDC2, v3;
	_ =	sdelay $0x2  }
0x10f: {  	v7 =	vpop (erf)  }
0x110: {  	[tilespmem:v5+s31+$0x0] =	vst.idx.msk $0xffff, v7  }
0x111: {  	[tilespmem:v6+s20+$0x0] =	vst.idx.msk $0xffff, v7  }
0x112: {  	v5 =	vld.idx.msk [tilespmem:v32+s24+$0x0], $0xffff  }
0x113: {  	v6 =	vld.idx.msk [tilespmem:v33+s25+$0x0], $0xffff;
	_ =	sdelay $0x4  }
0x114: {  	v5 =	vadd.f32 v6, v5;
	_ =	sdelay $0x1  }
0x115: {  	v5 =	vmul.f32 $1.442695020e+00, v5;
	_ =	sdelay $0x1  }
0x116: {  	(erf) = vpow2.f32 v5;
	_ =	sdelay $0x4  }
0x117: {  	v5 =	vor.u32 $0x183, v4  }
0x118: {  	v6 =	vadd.s32 $0xDC3, v3;
	_ =	sdelay $0x2  }
0x119: {  	v7 =	vpop (erf)  }
0x11a: {  	[tilespmem:v5+s31+$0x0] =	vst.idx.msk $0xffff, v7  }
0x11b: {  	[tilespmem:v6+s20+$0x0] =	vst.idx.msk $0xffff, v7  }
0x11c: {  	v5 =	vld.idx.msk [tilespmem:v34+s24+$0x0], $0xffff  }
0x11d: {  	v6 =	vld.idx.msk [tilespmem:v35+s25+$0x0], $0xffff;
	_ =	sdelay $0x4  }
0x11e: {  	v5 =	vadd.f32 v6, v5;
	_ =	sdelay $0x1  }
0x11f: {  	v5 =	vmul.f32 $1.442695020e+00, v5;
	_ =	sdelay $0x1  }
0x120: {  	(erf) = vpow2.f32 v5;
	_ =	sdelay $0x4  }
0x121: {  	v5 =	vor.u32 $0x200, v4  }
0x122: {  	v6 =	vadd.s32 $0x1240, v3;
	_ =	sdelay $0x2  }
0x123: {  	v7 =	vpop (erf)  }
0x124: {  	[tilespmem:v5+s31+$0x0] =	vst.idx.msk $0xffff, v7  }
0x125: {  	[tilespmem:v6+s20+$0x0] =	vst.idx.msk $0xffff, v7  }
0x126: {  	v5 =	vld.idx.msk [tilespmem:v36+s24+$0x0], $0xffff  }
0x127: {  	v6 =	vld.idx.msk [tilespmem:v37+s25+$0x0], $0xffff;
	_ =	sdelay $0x4  }
0x128: {  	v5 =	vadd.f32 v6, v5;
	_ =	sdelay $0x1  }
0x129: {  	v5 =	vmul.f32 $1.442695020e+00, v5;
	_ =	sdelay $0x1  }
0x12a: {  	(erf) = vpow2.f32 v5;
	_ =	sdelay $0x4  }
0x12b: {  	v5 =	vor.u32 $0x201, v4  }
0x12c: {  	v6 =	vadd.s32 $0x1241, v3;
	_ =	sdelay $0x2  }
0x12d: {  	v7 =	vpop (erf)  }
0x12e: {  	[tilespmem:v5+s31+$0x0] =	vst.idx.msk $0xffff, v7  }
0x12f: {  	[tilespmem:v6+s20+$0x0] =	vst.idx.msk $0xffff, v7  }
0x130: {  	v5 =	vld.idx.msk [tilespmem:v38+s24+$0x0], $0xffff  }
0x131: {  	v6 =	vld.idx.msk [tilespmem:v39+s25+$0x0], $0xffff;
	_ =	sdelay $0x4  }
0x132: {  	v5 =	vadd.f32 v6, v5;
	_ =	sdelay $0x1  }
0x133: {  	v5 =	vmul.f32 $1.442695020e+00, v5;
	_ =	sdelay $0x1  }
0x134: {  	(erf) = vpow2.f32 v5;
	_ =	sdelay $0x4  }
0x135: {  	v5 =	vor.u32 $0x202, v4  }
0x136: {  	v6 =	vadd.s32 $0x1242, v3;
	_ =	sdelay $0x2  }
0x137: {  	v7 =	vpop (erf)  }
0x138: {  	[tilespmem:v5+s31+$0x0] =	vst.idx.msk $0xffff, v7  }
0x139: {  	[tilespmem:v6+s20+$0x0] =	vst.idx.msk $0xffff, v7  }
0x13a: {  	v5 =	vld.idx.msk [tilespmem:v58+s24+$0x0], $0xffff  }
0x13b: {  	v6 =	vld.idx.msk [tilespmem:v59+s25+$0x0], $0xffff;
	_ =	sdelay $0x4  }
0x13c: {  	v5 =	vadd.f32 v6, v5;
	_ =	sdelay $0x1  }
0x13d: {  	v5 =	vmul.f32 $1.442695020e+00, v5;
	_ =	sdelay $0x1  }
0x13e: {  	(erf) = vpow2.f32 v5;
	_ =	sdelay $0x4  }
0x13f: {  	v5 =	vor.u32 $0x203, v4  }
0x140: {  	v6 =	vadd.s32 $0x1243, v3;
	_ =	sdelay $0x2  }
0x141: {  	v7 =	vpop (erf)  }
0x142: {  	[tilespmem:v5+s31+$0x0] =	vst.idx.msk $0xffff, v7  }
0x143: {  	[tilespmem:v6+s20+$0x0] =	vst.idx.msk $0xffff, v7  }
0x144: {  	v5 =	vld.idx.msk [tilespmem:v40+s24+$0x0], $0xffff  }
0x145: {  	v6 =	vld.idx.msk [tilespmem:v41+s25+$0x0], $0xffff;
	_ =	sdelay $0x4  }
0x146: {  	v5 =	vadd.f32 v6, v5;
	_ =	sdelay $0x1  }
0x147: {  	v5 =	vmul.f32 $1.442695020e+00, v5;
	_ =	sdelay $0x1  }
0x148: {  	(erf) = vpow2.f32 v5;
	_ =	sdelay $0x4  }
0x149: {  	v5 =	vor.u32 $0x280, v4  }
0x14a: {  	v6 =	vadd.s32 $0x16C0, v3;
	_ =	sdelay $0x2  }
0x14b: {  	v7 =	vpop (erf)  }
0x14c: {  	[tilespmem:v5+s31+$0x0] =	vst.idx.msk $0xffff, v7  }
0x14d: {  	[tilespmem:v6+s20+$0x0] =	vst.idx.msk $0xffff, v7  }
0x14e: {  	v5 =	vld.idx.msk [tilespmem:v42+s24+$0x0], $0xffff  }
0x14f: {  	v6 =	vld.idx.msk [tilespmem:v43+s25+$0x0], $0xffff;
	_ =	sdelay $0x4  }
0x150: {  	v5 =	vadd.f32 v6, v5;
	_ =	sdelay $0x1  }
0x151: {  	v5 =	vmul.f32 $1.442695020e+00, v5;
	_ =	sdelay $0x1  }
0x152: {  	(erf) = vpow2.f32 v5;
	_ =	sdelay $0x4  }
0x153: {  	v5 =	vor.u32 $0x281, v4  }
0x154: {  	v6 =	vadd.s32 $0x16C1, v3;
	_ =	sdelay $0x2  }
0x155: {  	v7 =	vpop (erf)  }
0x156: {  	[tilespmem:v5+s31+$0x0] =	vst.idx.msk $0xffff, v7  }
0x157: {  	[tilespmem:v6+s20+$0x0] =	vst.idx.msk $0xffff, v7  }
0x158: {  	v5 =	vld.idx.msk [tilespmem:v44+s24+$0x0], $0xffff  }
0x159: {  	v6 =	vld.idx.msk [tilespmem:v45+s25+$0x0], $0xffff;
	_ =	sdelay $0x4  }
0x15a: {  	v5 =	vadd.f32 v6, v5;
	_ =	sdelay $0x1  }
0x15b: {  	v5 =	vmul.f32 $1.442695020e+00, v5;
	_ =	sdelay $0x1  }
0x15c: {  	(erf) = vpow2.f32 v5;
	_ =	sdelay $0x4  }
0x15d: {  	v5 =	vor.u32 $0x282, v4  }
0x15e: {  	v6 =	vadd.s32 $0x16C2, v3;
	_ =	sdelay $0x2  }
0x15f: {  	v7 =	vpop (erf)  }
0x160: {  	[tilespmem:v5+s31+$0x0] =	vst.idx.msk $0xffff, v7  }
0x161: {  	[tilespmem:v6+s20+$0x0] =	vst.idx.msk $0xffff, v7  }
0x162: {  	v5 =	vld.idx.msk [tilespmem:v60+s24+$0x0], $0xffff  }
0x163: {  	v6 =	vld.idx.msk [tilespmem:v61+s25+$0x0], $0xffff;
	_ =	sdelay $0x4  }
0x164: {  	v5 =	vadd.f32 v6, v5;
	_ =	sdelay $0x1  }
0x165: {  	v5 =	vmul.f32 $1.442695020e+00, v5;
	_ =	sdelay $0x1  }
0x166: {  	(erf) = vpow2.f32 v5;
	_ =	sdelay $0x4  }
0x167: {  	v5 =	vor.u32 $0x283, v4  }
0x168: {  	v6 =	vadd.s32 $0x16C3, v3;
	_ =	sdelay $0x2  }
0x169: {  	v7 =	vpop (erf)  }
0x16a: {  	[tilespmem:v5+s31+$0x0] =	vst.idx.msk $0xffff, v7  }
0x16b: {  	[tilespmem:v6+s20+$0x0] =	vst.idx.msk $0xffff, v7  }
0x16c: {  	v5 =	vld.idx.msk [tilespmem:v46+s24+$0x0], $0xffff  }
0x16d: {  	v6 =	vld.idx.msk [tilespmem:v47+s25+$0x0], $0xffff;
	_ =	sdelay $0x4  }
0x16e: {  	v5 =	vadd.f32 v6, v5;
	_ =	sdelay $0x1  }
0x16f: {  	v5 =	vmul.f32 $1.442695020e+00, v5;
	_ =	sdelay $0x1  }
0x170: {  	(erf) = vpow2.f32 v5;
	_ =	sdelay $0x4  }
0x171: {  	v5 =	vor.u32 $0x300, v4  }
0x172: {  	v6 =	vadd.s32 $0x1B40, v3;
	_ =	sdelay $0x2  }
0x173: {  	v7 =	vpop (erf)  }
0x174: {  	[tilespmem:v5+s31+$0x0] =	vst.idx.msk $0xffff, v7  }
0x175: {  	[tilespmem:v6+s20+$0x0] =	vst.idx.msk $0xffff, v7  }
0x176: {  	v5 =	vld.idx.msk [tilespmem:v48+s24+$0x0], $0xffff  }
0x177: {  	v6 =	vld.idx.msk [tilespmem:v49+s25+$0x0], $0xffff;
	_ =	sdelay $0x4  }
0x178: {  	v5 =	vadd.f32 v6, v5;
	_ =	sdelay $0x1  }
0x179: {  	v5 =	vmul.f32 $1.442695020e+00, v5;
	_ =	sdelay $0x1  }
0x17a: {  	(erf) = vpow2.f32 v5;
	_ =	sdelay $0x4  }
0x17b: {  	v5 =	vor.u32 $0x301, v4  }
0x17c: {  	v6 =	vadd.s32 $0x1B41, v3;
	_ =	sdelay $0x2  }
0x17d: {  	v7 =	vpop (erf)  }
0x17e: {  	[tilespmem:v5+s31+$0x0] =	vst.idx.msk $0xffff, v7  }
0x17f: {  	[tilespmem:v6+s20+$0x0] =	vst.idx.msk $0xffff, v7  }
0x180: {  	v5 =	vld.idx.msk [tilespmem:v50+s24+$0x0], $0xffff  }
0x181: {  	v6 =	vld.idx.msk [tilespmem:v51+s25+$0x0], $0xffff;
	_ =	sdelay $0x4  }
0x182: {  	v5 =	vadd.f32 v6, v5;
	_ =	sdelay $0x1  }
0x183: {  	v5 =	vmul.f32 $1.442695020e+00, v5;
	_ =	sdelay $0x1  }
0x184: {  	(erf) = vpow2.f32 v5;
	_ =	sdelay $0x4  }
0x185: {  	v5 =	vor.u32 $0x302, v4  }
0x186: {  	v6 =	vadd.s32 $0x1B42, v3;
	_ =	sdelay $0x2  }
0x187: {  	v7 =	vpop (erf)  }
0x188: {  	[tilespmem:v5+s31+$0x0] =	vst.idx.msk $0xffff, v7  }
0x189: {  	[tilespmem:v6+s20+$0x0] =	vst.idx.msk $0xffff, v7  }
0x18a: {  	v5 =	vld.idx.msk [tilespmem:v62+s24+$0x0], $0xffff  }
0x18b: {  	v6 =	vld.idx.msk [tilespmem:v63+s25+$0x0], $0xffff;
	_ =	sdelay $0x4  }
0x18c: {  	v5 =	vadd.f32 v6, v5;
	_ =	sdelay $0x1  }
0x18d: {  	v5 =	vmul.f32 $1.442695020e+00, v5;
	_ =	sdelay $0x1  }
0x18e: {  	(erf) = vpow2.f32 v5;
	_ =	sdelay $0x4  }
0x18f: {  	v5 =	vor.u32 $0x303, v4  }
0x190: {  	v6 =	vadd.s32 $0x1B43, v3;
	_ =	sdelay $0x2  }
0x191: {  	v7 =	vpop (erf)  }
0x192: {  	[tilespmem:v5+s31+$0x0] =	vst.idx.msk $0xffff, v7  }
0x193: {  	[tilespmem:v6+s20+$0x0] =	vst.idx.msk $0xffff, v7  }
0x194: {  	v5 =	vld.idx.msk [tilespmem:v52+s24+$0x0], $0xffff  }
0x195: {  	v6 =	vld.idx.msk [tilespmem:v53+s25+$0x0], $0xffff;
	_ =	sdelay $0x4  }
0x196: {  	v5 =	vadd.f32 v6, v5;
	_ =	sdelay $0x1  }
0x197: {  	v5 =	vmul.f32 $1.442695020e+00, v5;
	_ =	sdelay $0x1  }
0x198: {  	(erf) = vpow2.f32 v5;
	_ =	sdelay $0x4  }
0x199: {  	v5 =	vor.u32 $0x380, v4  }
0x19a: {  	v6 =	vadd.s32 $0x1FC0, v3;
	_ =	sdelay $0x2  }
0x19b: {  	v7 =	vpop (erf)  }
0x19c: {  	[tilespmem:v5+s31+$0x0] =	vst.idx.msk $0xffff, v7  }
0x19d: {  	[tilespmem:v6+s20+$0x0] =	vst.idx.msk $0xffff, v7  }
0x19e: {  	v5 =	vld.idx.msk [tilespmem:v54+s24+$0x0], $0xffff  }
0x19f: {  	v6 =	vld.idx.msk [tilespmem:v55+s25+$0x0], $0xffff;
	_ =	sdelay $0x4  }
0x1a0: {  	v5 =	vadd.f32 v6, v5;
	_ =	sdelay $0x1  }
0x1a1: {  	v5 =	vmul.f32 $1.442695020e+00, v5;
	_ =	sdelay $0x1  }
0x1a2: {  	(erf) = vpow2.f32 v5;
	_ =	sdelay $0x4  }
0x1a3: {  	v5 =	vor.u32 $0x381, v4  }
0x1a4: {  	v6 =	vadd.s32 $0x1FC1, v3;
	_ =	sdelay $0x2  }
0x1a5: {  	v7 =	vpop (erf)  }
0x1a6: {  	[tilespmem:v5+s31+$0x0] =	vst.idx.msk $0xffff, v7  }
0x1a7: {  	[tilespmem:v6+s20+$0x0] =	vst.idx.msk $0xffff, v7  }
0x1a8: {  	v5 =	vld.idx.msk [tilespmem:v56+s24+$0x0], $0xffff  }
0x1a9: {  	v6 =	vld.idx.msk [tilespmem:v57+s25+$0x0], $0xffff;
	_ =	sdelay $0x4  }
0x1aa: {  	v5 =	vadd.f32 v6, v5;
	_ =	sdelay $0x1  }
0x1ab: {  	v5 =	vmul.f32 $1.442695020e+00, v5;
	_ =	sdelay $0x1  }
0x1ac: {  	(erf) = vpow2.f32 v5;
	_ =	sdelay $0x4  }
0x1ad: {  	v5 =	vor.u32 $0x382, v4  }
0x1ae: {  	v6 =	vadd.s32 $0x1FC2, v3;
	_ =	sdelay $0x2  }
0x1af: {  	v7 =	vpop (erf)  }
0x1b0: {  	[tilespmem:v5+s31+$0x0] =	vst.idx.msk $0xffff, v7  }
0x1b1: {  	[tilespmem:v6+s20+$0x0] =	vst.idx.msk $0xffff, v7  }
0x1b2: {  	v5 =	vld.idx.msk [tilespmem:v0+s24+$0x0], $0xffff  }
0x1b3: {  	v6 =	vld.idx.msk [tilespmem:v2+s25+$0x0], $0xffff;
	_ =	sdelay $0x4  }
0x1b4: {  	v5 =	vadd.f32 v6, v5;
	_ =	sdelay $0x1  }
0x1b5: {  	v5 =	vmul.f32 $1.442695020e+00, v5;
	_ =	sdelay $0x1  }
0x1b6: {  	(erf) = vpow2.f32 v5;
	_ =	sdelay $0x4  }
0x1b7: {  	v4 =	vor.u32 $0x383, v4  }
0x1b8: {  	v5 =	vadd.s32 $0x1FC3, v3;
	_ =	sdelay $0x2  }
0x1b9: {  	s19 =	simm.s32 $0x0;
	v6 =	vpop (erf)  }
0x1ba: {  	[tilespmem:v4+s31+$0x0] =	vst.idx.msk $0xffff, v6;
	v4 =	vmov s19  }
0x1bb: {  	[tilespmem:v5+s20+$0x0] =	vst.idx.msk $0xffff, v6  }
0x1bc: {  	_ =	swait.ge [sflag:s3], $0x2000  }
0x1bd: {  	[sflag:s3] =	ssyncset.done $0x0  }
0x1be: {  	[sflag:s3] =	ssyncadd.s32 $0xFFFFE000  }
0x1bf: {  	s7 =	simm.s32 $0xC168;
	v5 =	vld.idx.msk [tilespmem:v4+s31+$0x0], $0xffff  }
0x1c0: {  	v6 =	vld [tilespmem:s7+$0xFFFFFFE0];
	_ =	sdelay $0x2  }
0x1c1: {  	v7 =	vor.u32 $0x1, v4;
	_ =	sdelay $0x1  }
0x1c2: {  	v5 =	vmul.f32 v6, v5  }
0x1c3: {  	s11 =	simm.s32 $0xE568  }
0x1c4: {  	[tilespmem:s11+$0xFFFFFFE0] =	vst v5  }
0x1c5: {  	v5 =	vld.idx.msk [tilespmem:v7+s31+$0x0], $0xffff  }
0x1c6: {  	v6 =	vld [tilespmem:s7+$0xFFFFFFF0];
	_ =	sdelay $0x2  }
0x1c7: {  	v7 =	vor.u32 $0x2, v4;
	_ =	sdelay $0x1  }
0x1c8: {  	v5 =	vmul.f32 v6, v5;
	_ =	sdelay $0x1  }
0x1c9: {  	[tilespmem:s11+$0xFFFFFFF0] =	vst v5  }
0x1ca: {  	v5 =	vld.idx.msk [tilespmem:v7+s31+$0x0], $0xffff  }
0x1cb: {  	v6 =	vld [tilespmem:s7+$0x0];
	_ =	sdelay $0x2  }
0x1cc: {  	v4 =	vor.u32 $0x3, v4;
	_ =	sdelay $0x1  }
0x1cd: {  	v5 =	vmul.f32 v6, v5;
	_ =	sdelay $0x1  }
0x1ce: {  	[tilespmem:s11+$0x0] =	vst v5  }
0x1cf: {  	v4 =	vld.idx.msk [tilespmem:v4+s31+$0x0], $0xffff  }
0x1d0: {  	v5 =	vld [tilespmem:s7+$0x10];
	_ =	sdelay $0x1  }
0x1d1: {  	s16 =	simm.s32 $0x2;
	s19 =	simm.s32 $0x8  }
.LBB2_3:
0x1d2: {  	p1 =	sne.s32 s16, $0x7F;
	v6 =	vmov s19;
	_ =	sdelay $0x1  }
0x1d3: {  	v4 =	vmul.f32 v5, v4;
	_ =	sdelay $0x1  }
0x1d4: {  	[tilespmem:s11+$0x10] =	vst v4  }
0x1d5: {  	s7 =	sadd.s32 $0x40, s7;
	v4 =	vld.idx.msk [tilespmem:v6+s31+$0x0], $0xffff  }
0x1d6: {  	v5 =	vld [tilespmem:s7+$0xFFFFFFE0];
	_ =	sdelay $0x2  }
0x1d7: {  	v7 =	vor.u32 $0x1, v6;
	_ =	sdelay $0x1  }
0x1d8: {  	v4 =	vmul.f32 v5, v4  }
0x1d9: {  	s11 =	sadd.s32 $0x48, s11  }
0x1da: {  	[tilespmem:s11+$0xFFFFFFE0] =	vst v4  }
0x1db: {  	v4 =	vld.idx.msk [tilespmem:v7+s31+$0x0], $0xffff  }
0x1dc: {  	v5 =	vld [tilespmem:s7+$0xFFFFFFF0];
	_ =	sdelay $0x2  }
0x1dd: {  	v7 =	vor.u32 $0x2, v6;
	_ =	sdelay $0x1  }
0x1de: {  	v4 =	vmul.f32 v5, v4;
	_ =	sdelay $0x1  }
0x1df: {  	[tilespmem:s11+$0xFFFFFFF0] =	vst v4  }
0x1e0: {  	v4 =	vld.idx.msk [tilespmem:v7+s31+$0x0], $0xffff  }
0x1e1: {  	v5 =	vld [tilespmem:s7+$0x0];
	_ =	sdelay $0x2  }
0x1e2: {  	v6 =	vor.u32 $0x3, v6;
	_ =	sdelay $0x1  }
0x1e3: {  	v4 =	vmul.f32 v5, v4;
	_ =	sdelay $0x1  }
.Ltmp2:
0x1e4: {  	[tilespmem:s11+$0x0] =	vst v4;
	(pc) =	sbr.rel @p1 .LBB2_3-.Ltmp2, $3  }
0x1e5: {  	v4 =	vld.idx.msk [tilespmem:v6+s31+$0x0], $0xffff  }
0x1e6: {  	v5 =	vld [tilespmem:s7+$0x10];
	_ =	sdelay $0x1  }
0x1e7: {  	s19 =	sshll.u32 s16, $0x3;
	s16 =	sadd.s32 $0x1, s16  }
0x1e8: {  	v6 =	vmov s19;
	_ =	sdelay $0x1  }
0x1e9: {  	v4 =	vmul.f32 v5, v4;
	_ =	sdelay $0x1  }
0x1ea: {  	[tilespmem:s11+$0x10] =	vst v4  }
0x1eb: {  	s7 =	sadd.s32 $0x40, s7;
	v4 =	vld.idx.msk [tilespmem:v6+s31+$0x0], $0xffff  }
0x1ec: {  	v5 =	vld [tilespmem:s7+$0xFFFFFFE0];
	_ =	sdelay $0x2  }
0x1ed: {  	v7 =	vor.u32 $0x1, v6;
	_ =	sdelay $0x1  }
0x1ee: {  	v4 =	vmul.f32 v5, v4  }
0x1ef: {  	s19 =	sadd.s32 $0x48, s11  }
0x1f0: {  	[tilespmem:s19+$0xFFFFFFE0] =	vst v4  }
0x1f1: {  	v4 =	vld.idx.msk [tilespmem:v7+s31+$0x0], $0xffff  }
0x1f2: {  	v5 =	vld [tilespmem:s7+$0xFFFFFFF0];
	_ =	sdelay $0x2  }
0x1f3: {  	v7 =	vor.u32 $0x2, v6;
	_ =	sdelay $0x1  }
0x1f4: {  	v4 =	vmul.f32 v5, v4;
	_ =	sdelay $0x1  }
0x1f5: {  	[tilespmem:s19+$0xFFFFFFF0] =	vst v4  }
0x1f6: {  	v4 =	vld.idx.msk [tilespmem:v7+s31+$0x0], $0xffff  }
0x1f7: {  	v5 =	vld [tilespmem:s7+$0x0];
	_ =	sdelay $0x2  }
0x1f8: {  	v6 =	vor.u32 $0x3, v6;
	_ =	sdelay $0x1  }
0x1f9: {  	v4 =	vmul.f32 v5, v4;
	_ =	sdelay $0x1  }
0x1fa: {  	[tilespmem:s19+$0x0] =	vst v4  }
0x1fb: {  	v4 =	vld.idx.msk [tilespmem:v6+s31+$0x0], $0xffff  }
0x1fc: {  	v5 =	vld [tilespmem:s7+$0x10];
	_ =	sdelay $0x4  }
0x1fd: {  	s17 =	sadd.s32 $0x1, s17;
	v4 =	vmul.f32 v5, v4  }
0x1fe: {  	p1 =	sne.s32 s17, s13  }
.Ltmp3:
0x1ff: {  	[tilespmem:s19+$0x10] =	vst v4;
	(pc) =	sbr.rel @p1 .LBB2_2-.Ltmp3, $4  }
0x200: {  	[spmem:s4] =	stream.indirect.scatter.add.f32 [tilespmem:s20], [sflag:$0x4], $0x48, s22, s23, $0xb8;
	[tilespmem:$0x122C8] =	vst v63  }
0x201: {  	_ =	swait.ge [sflag:s18], $0x2400  }
0x202: {  	[sflag:s18] =	ssyncset.done $0x0  }
0x203: {  	[sflag:s18] =	ssyncadd.s32 $0xFFFFDC00  }
0x204: {  	[bflag:$0x0] =	sbarrier.arrive $0xFFFF;
	s17 =	simm.s32 $0x0  }
.LBB2_6:
0x205: {  	s7 =	smul.u32 $0x30, s17;
	_ =	sdelay $0x1  }
0x206: {  	s19 =	sadd.s32 s10, s7  }
0x207: {  	s7 =	smul.u32 $0x120, s19;
	_ =	sdelay $0x1  }
0x208: {  	s7 =	sshra.s32 s7, $0x2  }
0x209: {  	s7 =	sadd.s32 s7, s4  }
0x20a: {  	[tilespmem:s15], [sflag:$0x4] =	stream.linear.gather [spmem:s7], $0xD80, $0x38;
	[tilespmem:$0x122C8] =	vst v63  }
0x20b: {  	_ =	swait.ge [sflag:s18], $0xD80  }
0x20c: {  	[sflag:s18] =	ssyncset.done $0x0  }
0x20d: {  	s7 =	simm.s32 $0x10968;
	[sflag:s18] =	ssyncadd.s32 $0xFFFFF280  }
0x20e: {  	v3 =	vld [tilespmem:s7+$0x18];
	_ =	sdelay $0x4  }
0x20f: {  	(v2sf) =	vpush v3, $0x8;
	_ =	sdelay $0x6  }
0x210: {  	(v2sf) =	vpush v3, $0x9;
	_ =	sdelay $0x7  }
0x211: {  	s11 =	spop (v2sf);
	(v2sf) =	vpush v3, $0xA  }
0x212: {  	s11 =	smax.f32 s11, $9.999999910e-38  }
0x213: {  	v4 =	vmov s11  }
0x214: {  	(erf) = vrcp.f32 v4;
	_ =	sdelay $0x3  }
0x215: {  	s16 =	spop (v2sf)  }
0x216: {  	(v2sf) =	vpush v3, $0xB;
	s11 =	smax.f32 s16, $9.999999910e-38;
	v4 =	vld [tilespmem:s7+$0xFFFFFFE0]  }
0x217: {  	v3 =	vmov s11;
	_ =	sdelay $0x1  }
0x218: {  	(erf) = vrcp.f32 v3  }
0x219: {  	v3 =	vpop (erf)  }
0x21a: {  	v3 =	vmul.f32 v3, v4  }
0x21b: {  	s16 =	simm.s32 $0x0  }
0x21c: {  	[tilespmem:s16+$0x116C8] =	vst v3;
	s0 =	spop (v2sf)  }
0x21d: {  	v3 =	vld [tilespmem:s7+$0xFFFFFFF0];
	s11 =	smax.f32 s0, $9.999999910e-38  }
0x21e: {  	v4 =	vmov s11;
	_ =	sdelay $0x1  }
0x21f: {  	(erf) = vrcp.f32 v4  }
0x220: {  	v4 =	vpop (erf)  }
0x221: {  	v3 =	vmul.f32 v4, v3;
	_ =	sdelay $0x1  }
0x222: {  	s1 =	spop (v2sf);
	[tilespmem:s16+$0x116D8] =	vst v3  }
0x223: {  	s11 =	smax.f32 s1, $9.999999910e-38;
	v3 =	vld [tilespmem:s7+$0x0]  }
0x224: {  	v4 =	vmov s11;
	_ =	sdelay $0x1  }
0x225: {  	(erf) = vrcp.f32 v4  }
0x226: {  	v4 =	vpop (erf)  }
0x227: {  	v3 =	vmul.f32 v4, v3;
	_ =	sdelay $0x1  }
0x228: {  	[tilespmem:s16+$0x116E8] =	vst v3  }
0x229: {  	v3 =	vld [tilespmem:s7+$0x10];
	_ =	sdelay $0x3  }
0x22a: {  	v4 =	vpop (erf)  }
0x22b: {  	s11 =	simm.s32 $0x100;
	v3 =	vmul.f32 v3, v4  }
.LBB2_7:
0x22c: {  	p1 =	sne.s32 s11, $0x2F00  }
0x22d: {  	s7 =	sadd.s32 $0x48, s7;
	[tilespmem:s16+$0x116F8] =	vst v3;
	s16 =	smov.u32 s11;
	s11 =	sadd.s32 $0x100, s11  }
0x22e: {  	v3 =	vld [tilespmem:s7+$0x18];
	_ =	sdelay $0x4  }
0x22f: {  	(v2sf) =	vpush v3, $0x8  }
0x230: {  	(v2sf) =	vpush v3, $0x9  }
0x231: {  	(v2sf) =	vpush v3, $0xA  }
0x232: {  	(v2sf) =	vpush v3, $0xB;
	_ =	sdelay $0xb  }
0x233: {  	s0 =	spop (v2sf)  }
0x234: {  	s0 =	smax.f32 s0, $9.999999910e-38;
	s1 =	spop (v2sf)  }
0x235: {  	v3 =	vmov s0;
	s0 =	smax.f32 s1, $9.999999910e-38;
	s1 =	spop (v2sf)  }
0x236: {  	v4 =	vmov s0;
	s0 =	smax.f32 s1, $9.999999910e-38;
	(erf) = vrcp.f32 v3;
	s1 =	spop (v2sf)  }
0x237: {  	v3 =	vmov s0;
	s0 =	smax.f32 s1, $9.999999910e-38  }
0x238: {  	v5 =	vmov s0;
	_ =	sdelay $0x2  }
0x239: {  	v6 =	vld [tilespmem:s7+$0xFFFFFFE0];
	_ =	sdelay $0x2  }
0x23a: {  	(erf) = vrcp.f32 v4  }
0x23b: {  	v4 =	vpop (erf)  }
0x23c: {  	v4 =	vmul.f32 v4, v6  }
0x23d: {  	s16 =	sshra.s32 s16, $0x2  }
0x23e: {  	[tilespmem:s16+$0x116C8] =	vst v4  }
0x23f: {  	v4 =	vld [tilespmem:s7+$0xFFFFFFF0];
	_ =	sdelay $0x2  }
0x240: {  	(erf) = vrcp.f32 v3  }
0x241: {  	v3 =	vpop (erf)  }
0x242: {  	v3 =	vmul.f32 v3, v4;
	_ =	sdelay $0x1  }
0x243: {  	[tilespmem:s16+$0x116D8] =	vst v3  }
0x244: {  	v3 =	vld [tilespmem:s7+$0x0];
	_ =	sdelay $0x2  }
0x245: {  	(erf) = vrcp.f32 v5  }
0x246: {  	v4 =	vpop (erf)  }
0x247: {  	v3 =	vmul.f32 v4, v3;
	_ =	sdelay $0x1  }
0x248: {  	[tilespmem:s16+$0x116E8] =	vst v3  }
0x249: {  	v3 =	vld [tilespmem:s7+$0x10]  }
.Ltmp4:
0x24a: {  	(pc) =	sbr.rel @p1 .LBB2_7-.Ltmp4, $3  }
0x24b: {  	_ =	sdelay $0x1  }
0x24c: {  	v4 =	vpop (erf)  }
0x24d: {  	v3 =	vmul.f32 v3, v4  }
0x24e: {  	s0 =	sshll.u32 s19, $0x6  }
0x24f: {  	s17 =	sadd.s32 $0x1, s17;
	s0 =	sadd.s32 s9, s0  }
0x250: {  	p1 =	sne.s32 s17, $0xD;
	s0 =	sshrl.u32 s0, $0x3  }
.Ltmp5:
0x251: {  	[tilespmem:s16+$0x116F8] =	vst v3;
	s0 =	sadd.s32 s8, s0;
	(pc) =	sbr.rel @p1 .LBB2_6-.Ltmp5, $4  }
0x252: {  	[hbm4b:s0+s5] =	stream.linear.scatter [tilespmem:s12], [sflag:$0x4], $0xC00, $0x38;
	[tilespmem:$0x122C8] =	vst v63  }
0x253: {  	_ =	swait.ge [sflag:s18], $0xC00  }
0x254: {  	[sflag:s18] =	ssyncset.done $0x0  }
0x255: {  	[sflag:s18] =	ssyncadd.s32 $0xFFFFF400  }
.Ltmp6:
0x256: {  	(pc) =	sbr.rel @p0 .LBB2_13-.Ltmp6, $2  }
0x257: {  	_ =	sdelay $0x2  }
0x258: {  	s7 =	rddreg [dreg:$0xd]  }
0x259: {  	s0 =	rddreg [dreg:$0x8]  }
0x25a: {  	[tilespmem:s15], [sflag:$0x4] =	stream.linear.gather [spmem:s0], $0x480, $0x38;
	[tilespmem:$0x122C8] =	vst v63  }
0x25b: {  	_ =	swait.ge [sflag:s18], $0x480  }
0x25c: {  	[sflag:s18] =	ssyncset.done $0x0  }
0x25d: {  	s7 =	simm.s32 $0x10968;
	[sflag:s18] =	ssyncadd.s32 $0xFFFFFB80  }
0x25e: {  	v3 =	vld [tilespmem:s7+$0x18];
	_ =	sdelay $0x4  }
0x25f: {  	(v2sf) =	vpush v3, $0x8;
	_ =	sdelay $0x6  }
0x260: {  	(v2sf) =	vpush v3, $0x9;
	_ =	sdelay $0x7  }
0x261: {  	s11 =	spop (v2sf);
	(v2sf) =	vpush v3, $0xA  }
0x262: {  	s0 =	smax.f32 s11, $9.999999910e-38  }
0x263: {  	v4 =	vmov s0  }
0x264: {  	(erf) = vrcp.f32 v4;
	_ =	sdelay $0x3  }
0x265: {  	s16 =	spop (v2sf)  }
0x266: {  	(v2sf) =	vpush v3, $0xB;
	s0 =	smax.f32 s16, $9.999999910e-38;
	v4 =	vld [tilespmem:s7+$0xFFFFFFE0]  }
0x267: {  	v3 =	vmov s0;
	_ =	sdelay $0x1  }
0x268: {  	(erf) = vrcp.f32 v3  }
0x269: {  	v3 =	vpop (erf)  }
0x26a: {  	v3 =	vmul.f32 v3, v4  }
0x26b: {  	s16 =	simm.s32 $0x0  }
0x26c: {  	[tilespmem:s16+$0x116C8] =	vst v3;
	s17 =	spop (v2sf)  }
0x26d: {  	v3 =	vld [tilespmem:s7+$0xFFFFFFF0];
	s0 =	smax.f32 s17, $9.999999910e-38  }
0x26e: {  	v4 =	vmov s0;
	_ =	sdelay $0x1  }
0x26f: {  	(erf) = vrcp.f32 v4  }
0x270: {  	v4 =	vpop (erf)  }
0x271: {  	v3 =	vmul.f32 v4, v3;
	_ =	sdelay $0x1  }
0x272: {  	s19 =	spop (v2sf);
	[tilespmem:s16+$0x116D8] =	vst v3  }
0x273: {  	s0 =	smax.f32 s19, $9.999999910e-38;
	v3 =	vld [tilespmem:s7+$0x0]  }
0x274: {  	v4 =	vmov s0;
	_ =	sdelay $0x1  }
0x275: {  	(erf) = vrcp.f32 v4  }
0x276: {  	v4 =	vpop (erf)  }
0x277: {  	v3 =	vmul.f32 v4, v3;
	_ =	sdelay $0x1  }
0x278: {  	[tilespmem:s16+$0x116E8] =	vst v3  }
0x279: {  	v3 =	vld [tilespmem:s7+$0x10];
	_ =	sdelay $0x3  }
0x27a: {  	v4 =	vpop (erf)  }
0x27b: {  	s11 =	simm.s32 $0x100;
	v3 =	vmul.f32 v3, v4  }
.LBB2_11:
0x27c: {  	p1 =	sne.s32 s11, $0xF00  }
0x27d: {  	s7 =	sadd.s32 $0x48, s7;
	s0 =	smov.u32 s11;
	s11 =	sadd.s32 $0x100, s11;
	[tilespmem:s16+$0x116F8] =	vst v3  }
0x27e: {  	v3 =	vld [tilespmem:s7+$0x18];
	_ =	sdelay $0x4  }
0x27f: {  	(v2sf) =	vpush v3, $0x8  }
0x280: {  	(v2sf) =	vpush v3, $0x9  }
0x281: {  	(v2sf) =	vpush v3, $0xA  }
0x282: {  	(v2sf) =	vpush v3, $0xB;
	_ =	sdelay $0xb  }
0x283: {  	s1 =	spop (v2sf)  }
0x284: {  	s1 =	smax.f32 s1, $9.999999910e-38;
	s16 =	spop (v2sf)  }
0x285: {  	v3 =	vmov s1;
	s1 =	smax.f32 s16, $9.999999910e-38;
	s16 =	spop (v2sf)  }
0x286: {  	v4 =	vmov s1;
	s1 =	smax.f32 s16, $9.999999910e-38;
	(erf) = vrcp.f32 v3;
	s16 =	spop (v2sf)  }
0x287: {  	v3 =	vmov s1;
	s1 =	smax.f32 s16, $9.999999910e-38  }
0x288: {  	v5 =	vmov s1;
	_ =	sdelay $0x2  }
0x289: {  	v6 =	vld [tilespmem:s7+$0xFFFFFFE0];
	_ =	sdelay $0x2  }
0x28a: {  	(erf) = vrcp.f32 v4  }
0x28b: {  	v4 =	vpop (erf)  }
0x28c: {  	v4 =	vmul.f32 v4, v6  }
0x28d: {  	s16 =	sshra.s32 s0, $0x2  }
0x28e: {  	[tilespmem:s16+$0x116C8] =	vst v4  }
0x28f: {  	v4 =	vld [tilespmem:s7+$0xFFFFFFF0];
	_ =	sdelay $0x2  }
0x290: {  	(erf) = vrcp.f32 v3  }
0x291: {  	v3 =	vpop (erf)  }
0x292: {  	v3 =	vmul.f32 v3, v4;
	_ =	sdelay $0x1  }
0x293: {  	[tilespmem:s16+$0x116D8] =	vst v3  }
0x294: {  	v3 =	vld [tilespmem:s7+$0x0];
	_ =	sdelay $0x2  }
0x295: {  	(erf) = vrcp.f32 v5  }
0x296: {  	v4 =	vpop (erf)  }
0x297: {  	v3 =	vmul.f32 v4, v3;
	_ =	sdelay $0x1  }
0x298: {  	[tilespmem:s16+$0x116E8] =	vst v3  }
0x299: {  	v3 =	vld [tilespmem:s7+$0x10]  }
.Ltmp7:
0x29a: {  	(pc) =	sbr.rel @p1 .LBB2_11-.Ltmp7, $3  }
0x29b: {  	_ =	sdelay $0x1  }
0x29c: {  	v4 =	vpop (erf)  }
0x29d: {  	v3 =	vmul.f32 v3, v4  }
0x29e: {  	_ = 	snop  }
.Ltmp8:
0x29f: {  	s0 =	rddreg [dreg:$0x9];
	[tilespmem:s16+$0x116F8] =	vst v3;
	(pc) =	sbr.rel .LBB2_13-.Ltmp8, $4  }
0x2a0: {  	[hbm4b:s0+s5] =	stream.linear.scatter [tilespmem:s12], [sflag:$0x4], $0x400, $0x38;
	[tilespmem:$0x122C8] =	vst v63  }
0x2a1: {  	_ =	swait.ge [sflag:s18], $0x400  }
0x2a2: {  	[sflag:s18] =	ssyncset.done $0x0  }
0x2a3: {  	s7 =	rddreg [dreg:$0xd];
	[sflag:s18] =	ssyncadd.s32 $0xFFFFFC00  }
.LBB2_14:
0x2a4: {  	_ =	sfence.sel $0x180000  }
0x2a5: {  	[bflag:$0x0] =	sbarrier.arrive $0xFFFF  }
0x2a6: {  	_ =	strace $0x90000047  }
0x2a7: {  	[bflag:$0x2] =	sbarrier.arrive $0xFFFF  }
0x2a8: {  	s0 =	rddreg [dreg:$0x5]  }
0x2a9: {  	s0 =	sadd.s32 @!p0 $0x100000, s0  }
0x2aa: {  	[sflag:s0] =	ssyncadd.tile.s32 @!p0 $0x1;
	_ =	shalt  }
.Lfunc_end2:
_tile_overlayer_lowered:
.L_overlay_start_2:
0x2ab: {  	(tag) =	ssettag $0x2  }
0x2ac: {  	s0 =	rddreg [dreg:$0x0];
	s2 =	stileid.u32  }
0x2ad: {  	s1 =	rddreg [dreg:$0x1];
	p0 =	sne.s32 s2, $0x0  }
0x2ae: {  	s3 =	rddreg [dreg:$0x2];
	[bflag:$0x3] =	sbarrier.arrive $0xFFFF;
	s2 =	simm.s32 @!p0 $0x1C04  }
0x2af: {  	[timem:s3], [sflag:s2] =	dma.local @!p0 [hbm:s0], s1  }
0x2b0: {  	s0 =	simm.s32 @!p0 $0x4  }
0x2b1: {  	_ =	swait.ge @!p0 [sflag:s0], s1  }
0x2b2: {  	s1 =	ssub.s32 @!p0 $0x0, s1;
	[sflag:s0] =	ssyncset.done @!p0 $0x0  }
0x2b3: {  	[sflag:s0] =	ssyncadd.s32 @!p0 s1  }
0x2b4: {  	[bflag:$0x3] =	sbarrier.arrive $0xFFFF  }
0x2b5: {  	_ =	shalt  }

</sc_bundles>
